<compile_context>
chip_gen: v7x
topology: tpu7x:2x2x1
jax: 0.10.2.dev20260603
libtpu: 0.0.44.dev20260713+nightly
codegen_flags: <defaults>
</compile_context>

<pallas_src>
import functools

import jax
import jax.numpy as jnp
from jax import lax
from jax.experimental import pallas as pl
from jax.experimental.pallas import tpu as pltpu
from jax.experimental.pallas import tpu_sc as plsc

NUM_CLASS = 8192
DIMS = 256
NUM_HEADS = 4
HEAD_DIM = DIMS // NUM_HEADS
ALPHA = 0.999
BATCH = 16384

NC = 2
NS = 16
NW = NC * NS
LANES = 16
ROWS_PER_W = BATCH // NW
CHUNK = 128
NCHUNK = ROWS_PER_W // CHUNK
GROUPS = DIMS // LANES


def _ema_body(x_hbm, lab_hbm, cen_hbm, out_hbm, loss_hbm,
              idx_v, x_v, c_v, acc_v, sem):
    wid = lax.axis_index("s") * NC + lax.axis_index("c")
    base = wid * ROWS_PER_W
    acc_v[...] = jnp.zeros((LANES,), jnp.float32)
    for k in range(NCHUNK):
        row0 = base + k * CHUNK
        pltpu.sync_copy(lab_hbm.at[pl.ds(row0, CHUNK)], idx_v)
        pltpu.sync_copy(x_hbm.at[pl.ds(row0, CHUNK)], x_v)
        pltpu.async_copy(cen_hbm.at[idx_v], c_v, sem).wait()

        def row_body(i, acc):
            for j in range(GROUPS):
                xv = x_v[i, pl.ds(j * LANES, LANES)]
                cv = c_v[i, pl.ds(j * LANES, LANES)]
                d = xv - cv
                acc = acc + d * d
                c_v[i, pl.ds(j * LANES, LANES)] = cv + (1.0 - ALPHA) * d
            return acc

        acc_v[...] = lax.fori_loop(0, CHUNK, row_body, acc_v[...])
        pltpu.async_copy(c_v, out_hbm.at[idx_v], sem).wait()
    pltpu.sync_copy(acc_v, loss_hbm.at[wid])


_ema_sc = functools.partial(
    pl.kernel,
    out_type=jax.ShapeDtypeStruct((NW, LANES), jnp.float32),
    mesh=plsc.VectorSubcoreMesh(core_axis_name="c", subcore_axis_name="s",
                                num_cores=NC, num_subcores=NS),
    scratch_types=[
        pltpu.VMEM((CHUNK,), jnp.int32),
        pltpu.VMEM((CHUNK, DIMS), jnp.float32),
        pltpu.VMEM((CHUNK, DIMS), jnp.float32),
        pltpu.VMEM((LANES,), jnp.float32),
        pltpu.SemaphoreType.DMA,
    ],
)(_ema_body)


def kernel(x, labels, centers):
    cen2 = centers.reshape(NUM_CLASS, DIMS)
    out_ref = jax.new_ref(cen2)
    loss_parts = _ema_sc(x, labels, cen2, out_ref)
    new_centers = out_ref[...].reshape(NUM_CLASS, NUM_HEADS, HEAD_DIM)
    loss = jnp.sum(loss_parts) / (BATCH * HEAD_DIM)
    return loss, new_centers

# --- scband reference (transcript-rebuilt; emitter-appended) ---
"""Pipeline reference for scband-emaloss-54674933678414 (READ-ONLY COPY).

The authoritative reference and input builder live on the scoring server;
editing this copy changes nothing except your own understanding.
"""

import jax, jax.numpy as jnp
import numpy as np

NUM_CLASS = 8192
DIMS = 256
NUM_HEADS = 4
HEAD_DIM = DIMS // NUM_HEADS
ALPHA = 0.999
BATCH = 16384


def setup_inputs(seed: int = 0) -> dict:
    key = jax.random.key(seed)
    k1, k2, k3 = jax.random.split(key, 3)
    x = jax.random.normal(k1, (BATCH, DIMS), dtype=jnp.float32)
    labels = jax.random.randint(k2, (BATCH,), 0, NUM_CLASS, dtype=jnp.int32)
    # registered buffer 'centers' ~ randn(num_class, num_heads, dims // num_heads)
    centers = jax.random.normal(k3, (NUM_CLASS, NUM_HEADS, HEAD_DIM), dtype=jnp.float32)
    return {"x": x, "labels": labels, "centers": centers}


def reference(x, labels, centers):
    # centers = self.centers[labels]  -> gather
    c = jnp.take(centers, labels, axis=0)  # [B, H, Dh]
    xr = x.reshape(-1, NUM_HEADS, HEAD_DIM)  # [B, H, Dh]
    # mse_loss(reduction='none').mean(-1)
    loss = jnp.mean((xr - c) ** 2, axis=-1)  # [B, H]
    loss = jnp.mean(jnp.sum(loss, axis=-1))  # scalar
    # no_grad EMA update: self.centers[labels] = alpha*centers + (1-alpha)*x
    new_centers = centers.at[labels].set(ALPHA * c + (1.0 - ALPHA) * xr)
    return loss, new_centers

if __name__ == "__main__":
    import jax
    _d = setup_inputs()
    print(jax.jit(kernel)(*tuple(_d.values())))

</pallas_src>

<mosaic_0001>
#map = affine_map<(d0, d1) -> (0, 0)>
#map1 = affine_map<(d0, d1) -> (0)>
module attributes {stable_mosaic.version = 14 : i64} {
  func.func @new_body(%arg0: i32, %arg1: i32, %arg2: memref<16384x256xf32, #tpu.memory_space<hbm>>, %arg3: memref<16384xi32, #tpu.memory_space<hbm>>, %arg4: memref<8192x256xf32, #tpu.memory_space<hbm>>, %arg5: memref<8192x256xf32, #tpu.memory_space<hbm>>, %arg6: memref<32x16xf32, #tpu.memory_space<hbm>>, %arg7: memref<8192x256xf32, #tpu.memory_space<hbm>>, %arg8: memref<128xi32, #tpu.memory_space<vmem>>, %arg9: memref<128x256xf32, #tpu.memory_space<vmem>>, %arg10: memref<128x256xf32, #tpu.memory_space<vmem>>, %arg11: memref<16xf32, #tpu.memory_space<vmem>>, %arg12: memref<!tpu.dma_semaphore, #tpu.memory_space<semaphore_mem>>) attributes {dimension_semantics = [#tpu.dimension_semantics<core_parallel>, #tpu.dimension_semantics<subcore_parallel>], iteration_bounds = array<i64: 2, 16>, scalar_prefetch = 0 : i64, scratch_operands = 5 : i64, tpu.core_type = #tpu.core_type<sc_vector_subcore>, window_params = [{transform_indices = #map}, {transform_indices = #map1}, {transform_indices = #map}, {transform_indices = #map}, {transform_indices = #map}, {transform_indices = #map}]} {
    %mul3A = arith.constant 2 : i32
    %mul3A_0 = arith.muli %arg1, %mul3A : i32
    %add3A = arith.addi %mul3A_0, %arg0 : i32
    %mul3A_1 = arith.constant 512 : i32
    %mul3A_2 = arith.muli %add3A, %mul3A_1 : i32
    %broadcast_in_dim3A = arith.constant 0.000000e+00 : f32
    %broadcast_in_dim3A_3 = vector.broadcast %broadcast_in_dim3A : f32 to vector<16xf32>
    %swap3A = arith.constant 0 : index
    %swap3A_4 = tpu.vector_load %arg11[%swap3A] {strides = array<i32>} : memref<16xf32, #tpu.memory_space<vmem>>, vector<16xf32>,
    %swap3A_5 = vector.shape_cast %swap3A_4 : vector<16xf32> to vector<16xf32>
    %swap3A_6 = vector.shape_cast %broadcast_in_dim3A_3 : vector<16xf32> to vector<16xf32>
    tpu.vector_store %arg11[%swap3A], %swap3A_6 {strides = array<i32>} : memref<16xf32, #tpu.memory_space<vmem>>, vector<16xf32>,
    %add3A_7 = arith.constant 0 : i32
    %add3A_8 = arith.addi %mul3A_2, %add3A_7 : i32
    "tpu.region"() ({
      %run_scoped3A = tpu.sem_alloc : memref<!tpu.dma_semaphore, #tpu.memory_space<semaphore_mem>>
      %dma_start3A_111 = tpu.memref_slice %arg3[%add3A_8] : memref<16384xi32, #tpu.memory_space<hbm>> -> memref<128xi32, #tpu.memory_space<hbm>>
      %dma_start3A_112 = tpu.memref_slice %arg3[%add3A_8] : memref<16384xi32, #tpu.memory_space<hbm>> -> memref<128xi32, #tpu.memory_space<hbm>>
      tpu.enqueue_dma source(%dma_start3A_112 : memref<128xi32, #tpu.memory_space<hbm>>) target(%arg8 : memref<128xi32, #tpu.memory_space<vmem>>) target_semaphore(%run_scoped3A : memref<!tpu.dma_semaphore, #tpu.memory_space<semaphore_mem>>)
      %dma_wait3A_113 = tpu.memref_slice %arg3[%add3A_8] : memref<16384xi32, #tpu.memory_space<hbm>> -> memref<128xi32, #tpu.memory_space<hbm>>
      %dma_wait3A_114 = tpu.memref_slice %arg3[%add3A_8] : memref<16384xi32, #tpu.memory_space<hbm>> -> memref<128xi32, #tpu.memory_space<hbm>>
      tpu.wait_dma2 semaphore(%run_scoped3A : memref<!tpu.dma_semaphore, #tpu.memory_space<semaphore_mem>>) src(%dma_wait3A_114 : memref<128xi32, #tpu.memory_space<hbm>>) dst(%arg8 : memref<128xi32, #tpu.memory_space<vmem>>)
      tpu.yield
    }) : () -> ()
    "tpu.region"() ({
      %run_scoped3A = tpu.sem_alloc : memref<!tpu.dma_semaphore, #tpu.memory_space<semaphore_mem>>
      %dma_start3A_111 = arith.constant 0 : i32
      %dma_start3A_112 = tpu.memref_slice %arg2[%add3A_8, %dma_start3A_111] : memref<16384x256xf32, #tpu.memory_space<hbm>> -> memref<128x256xf32, #tpu.memory_space<hbm>>
      %dma_start3A_113 = arith.constant 0 : i32
      %dma_start3A_114 = tpu.memref_slice %arg2[%add3A_8, %dma_start3A_113] : memref<16384x256xf32, #tpu.memory_space<hbm>> -> memref<128x256xf32, #tpu.memory_space<hbm>>
      tpu.enqueue_dma source(%dma_start3A_114 : memref<128x256xf32, #tpu.memory_space<hbm>>) target(%arg9 : memref<128x256xf32, #tpu.memory_space<vmem>>) target_semaphore(%run_scoped3A : memref<!tpu.dma_semaphore, #tpu.memory_space<semaphore_mem>>)
      %dma_wait3A_115 = arith.constant 0 : i32
      %dma_wait3A_116 = tpu.memref_slice %arg2[%add3A_8, %dma_wait3A_115] : memref<16384x256xf32, #tpu.memory_space<hbm>> -> memref<128x256xf32, #tpu.memory_space<hbm>>
      %dma_wait3A_117 = arith.constant 0 : i32
      %dma_wait3A_118 = tpu.memref_slice %arg2[%add3A_8, %dma_wait3A_117] : memref<16384x256xf32, #tpu.memory_space<hbm>> -> memref<128x256xf32, #tpu.memory_space<hbm>>
      tpu.wait_dma2 semaphore(%run_scoped3A : memref<!tpu.dma_semaphore, #tpu.memory_space<semaphore_mem>>) src(%dma_wait3A_118 : memref<128x256xf32, #tpu.memory_space<hbm>>) dst(%arg9 : memref<128x256xf32, #tpu.memory_space<vmem>>)
      tpu.yield
    }) : () -> ()
    %dma_start3A = arith.constant 0 : i32
    %dma_start3A_9 = arith.constant 0 : i32
    %dma_start3A_10 = tpu.memref_slice %arg4[%dma_start3A, %dma_start3A_9] : memref<8192x256xf32, #tpu.memory_space<hbm>> -> memref<8192x256xf32, #tpu.memory_space<hbm>>
    tpu.enqueue_indirect_dma source(%dma_start3A_10 : memref<8192x256xf32, #tpu.memory_space<hbm>>) target(%arg10 : memref<128x256xf32, #tpu.memory_space<vmem>>) offsets(%arg8 : memref<128xi32, #tpu.memory_space<vmem>>) semaphore(%arg12 : memref<!tpu.dma_semaphore, #tpu.memory_space<semaphore_mem>>)
    %dma_wait3A = arith.constant 0 : i32
    %dma_wait3A_11 = arith.constant 0 : i32
    %dma_wait3A_12 = tpu.memref_slice %arg4[%dma_wait3A, %dma_wait3A_11] : memref<8192x256xf32, #tpu.memory_space<hbm>> -> memref<8192x256xf32, #tpu.memory_space<hbm>>
    tpu.wait_indirect_dma semaphore(%arg12 : memref<!tpu.dma_semaphore, #tpu.memory_space<semaphore_mem>>) src(%dma_wait3A_12 : memref<8192x256xf32, #tpu.memory_space<hbm>>) dst(%arg10 : memref<128x256xf32, #tpu.memory_space<vmem>>)
    %get3A = arith.constant 0 : index
    %get3A_13 = tpu.vector_load %arg11[%get3A] {strides = array<i32>} : memref<16xf32, #tpu.memory_space<vmem>>, vector<16xf32>,
    %get3A_14 = vector.shape_cast %get3A_13 : vector<16xf32> to vector<16xf32>
    %scan3A = arith.constant 0 : i32
    %scan3A_15 = arith.constant 128 : i32
    %scan3A_16 = arith.addi %scan3A, %scan3A_15 : i32
    %scan3A_17 = arith.constant 1 : i32
    %scan3A_18 = scf.for %scan3A_111 = %scan3A to %scan3A_16 step %scan3A_17 iter_args(%scan3A_112 = %get3A_14) -> (vector<16xf32>)  : i32 {
      %get3A_113 = arith.index_cast %scan3A_111 : i32 to index
      %get3A_114 = arith.constant 0 : index
      %get3A_115 = tpu.vector_load %arg9[%get3A_113, %get3A_114] {strides = array<i32>} : memref<128x256xf32, #tpu.memory_space<vmem>>, vector<1x16xf32>,
      %get3A_116 = vector.shape_cast %get3A_115 : vector<1x16xf32> to vector<16xf32>
      %get3A_117 = arith.index_cast %scan3A_111 : i32 to index
      %get3A_118 = arith.constant 0 : index
      %get3A_119 = tpu.vector_load %arg10[%get3A_117, %get3A_118] {strides = array<i32>} : memref<128x256xf32, #tpu.memory_space<vmem>>, vector<1x16xf32>,
      %get3A_120 = vector.shape_cast %get3A_119 : vector<1x16xf32> to vector<16xf32>
      %sub3A = arith.subf %get3A_116, %get3A_120 : vector<16xf32>
      %mul3A_121 = arith.mulf %sub3A, %sub3A : vector<16xf32>
      %add3A_122 = arith.addf %scan3A_112, %mul3A_121 : vector<16xf32>
      %mul3A_123 = arith.constant 1.000000e-03 : f32
      %mul3A_124 = vector.broadcast %mul3A_123 : f32 to vector<16xf32>
      %mul3A_125 = arith.mulf %mul3A_124, %sub3A : vector<16xf32>
      %add3A_126 = arith.addf %get3A_120, %mul3A_125 : vector<16xf32>
      %swap3A_127 = arith.index_cast %scan3A_111 : i32 to index
      %swap3A_128 = arith.constant 0 : index
      %swap3A_129 = tpu.vector_load %arg10[%swap3A_127, %swap3A_128] {strides = array<i32>} : memref<128x256xf32, #tpu.memory_space<vmem>>, vector<1x16xf32>,
      %swap3A_130 = vector.shape_cast %swap3A_129 : vector<1x16xf32> to vector<16xf32>
      %swap3A_131 = vector.shape_cast %add3A_126 : vector<16xf32> to vector<1x16xf32>
      tpu.vector_store %arg10[%swap3A_127, %swap3A_128], %swap3A_131 {strides = array<i32>} : memref<128x256xf32, #tpu.memory_space<vmem>>, vector<1x16xf32>,
      %get3A_132 = arith.index_cast %scan3A_111 : i32 to index
      %get3A_133 = arith.constant 16 : index
      %get3A_134 = tpu.vector_load %arg9[%get3A_132, %get3A_133] {strides = array<i32>} : memref<128x256xf32, #tpu.memory_space<vmem>>, vector<1x16xf32>,
      %get3A_135 = vector.shape_cast %get3A_134 : vector<1x16xf32> to vector<16xf32>
      %get3A_136 = arith.index_cast %scan3A_111 : i32 to index
      %get3A_137 = arith.constant 16 : index
      %get3A_138 = tpu.vector_load %arg10[%get3A_136, %get3A_137] {strides = array<i32>} : memref<128x256xf32, #tpu.memory_space<vmem>>, vector<1x16xf32>,
      %get3A_139 = vector.shape_cast %get3A_138 : vector<1x16xf32> to vector<16xf32>
      %sub3A_140 = arith.subf %get3A_135, %get3A_139 : vector<16xf32>
      %mul3A_141 = arith.mulf %sub3A_140, %sub3A_140 : vector<16xf32>
      %add3A_142 = arith.addf %add3A_122, %mul3A_141 : vector<16xf32>
      %mul3A_143 = arith.constant 1.000000e-03 : f32
      %mul3A_144 = vector.broadcast %mul3A_143 : f32 to vector<16xf32>
      %mul3A_145 = arith.mulf %mul3A_144, %sub3A_140 : vector<16xf32>
      %add3A_146 = arith.addf %get3A_139, %mul3A_145 : vector<16xf32>
      %swap3A_147 = arith.index_cast %scan3A_111 : i32 to index
      %swap3A_148 = arith.constant 16 : index
      %swap3A_149 = tpu.vector_load %arg10[%swap3A_147, %swap3A_148] {strides = array<i32>} : memref<128x256xf32, #tpu.memory_space<vmem>>, vector<1x16xf32>,
      %swap3A_150 = vector.shape_cast %swap3A_149 : vector<1x16xf32> to vector<16xf32>
      %swap3A_151 = vector.shape_cast %add3A_146 : vector<16xf32> to vector<1x16xf32>
      tpu.vector_store %arg10[%swap3A_147, %swap3A_148], %swap3A_151 {strides = array<i32>} : memref<128x256xf32, #tpu.memory_space<vmem>>, vector<1x16xf32>,
      %get3A_152 = arith.index_cast %scan3A_111 : i32 to index
      %get3A_153 = arith.constant 32 : index
      %get3A_154 = tpu.vector_load %arg9[%get3A_152, %get3A_153] {strides = array<i32>} : memref<128x256xf32, #tpu.memory_space<vmem>>, vector<1x16xf32>,
      %get3A_155 = vector.shape_cast %get3A_154 : vector<1x16xf32> to vector<16xf32>
      %get3A_156 = arith.index_cast %scan3A_111 : i32 to index
      %get3A_157 = arith.constant 32 : index
      %get3A_158 = tpu.vector_load %arg10[%get3A_156, %get3A_157] {strides = array<i32>} : memref<128x256xf32, #tpu.memory_space<vmem>>, vector<1x16xf32>,
      %get3A_159 = vector.shape_cast %get3A_158 : vector<1x16xf32> to vector<16xf32>
      %sub3A_160 = arith.subf %get3A_155, %get3A_159 : vector<16xf32>
      %mul3A_161 = arith.mulf %sub3A_160, %sub3A_160 : vector<16xf32>
      %add3A_162 = arith.addf %add3A_142, %mul3A_161 : vector<16xf32>
      %mul3A_163 = arith.constant 1.000000e-03 : f32
      %mul3A_164 = vector.broadcast %mul3A_163 : f32 to vector<16xf32>
      %mul3A_165 = arith.mulf %mul3A_164, %sub3A_160 : vector<16xf32>
      %add3A_166 = arith.addf %get3A_159, %mul3A_165 : vector<16xf32>
      %swap3A_167 = arith.index_cast %scan3A_111 : i32 to index
      %swap3A_168 = arith.constant 32 : index
      %swap3A_169 = tpu.vector_load %arg10[%swap3A_167, %swap3A_168] {strides = array<i32>} : memref<128x256xf32, #tpu.memory_space<vmem>>, vector<1x16xf32>,
      %swap3A_170 = vector.shape_cast %swap3A_169 : vector<1x16xf32> to vector<16xf32>
      %swap3A_171 = vector.shape_cast %add3A_166 : vector<16xf32> to vector<1x16xf32>
      tpu.vector_store %arg10[%swap3A_167, %swap3A_168], %swap3A_171 {strides = array<i32>} : memref<128x256xf32, #tpu.memory_space<vmem>>, vector<1x16xf32>,
      %get3A_172 = arith.index_cast %scan3A_111 : i32 to index
      %get3A_173 = arith.constant 48 : index
      %get3A_174 = tpu.vector_load %arg9[%get3A_172, %get3A_173] {strides = array<i32>} : memref<128x256xf32, #tpu.memory_space<vmem>>, vector<1x16xf32>,
      %get3A_175 = vector.shape_cast %get3A_174 : vector<1x16xf32> to vector<16xf32>
      %get3A_176 = arith.index_cast %scan3A_111 : i32 to index
      %get3A_177 = arith.constant 48 : index
      %get3A_178 = tpu.vector_load %arg10[%get3A_176, %get3A_177] {strides = array<i32>} : memref<128x256xf32, #tpu.memory_space<vmem>>, vector<1x16xf32>,
      %get3A_179 = vector.shape_cast %get3A_178 : vector<1x16xf32> to vector<16xf32>
      %sub3A_180 = arith.subf %get3A_175, %get3A_179 : vector<16xf32>
      %mul3A_181 = arith.mulf %sub3A_180, %sub3A_180 : vector<16xf32>
      %add3A_182 = arith.addf %add3A_162, %mul3A_181 : vector<16xf32>
      %mul3A_183 = arith.constant 1.000000e-03 : f32
      %mul3A_184 = vector.broadcast %mul3A_183 : f32 to vector<16xf32>
      %mul3A_185 = arith.mulf %mul3A_184, %sub3A_180 : vector<16xf32>
      %add3A_186 = arith.addf %get3A_179, %mul3A_185 : vector<16xf32>
      %swap3A_187 = arith.index_cast %scan3A_111 : i32 to index
      %swap3A_188 = arith.constant 48 : index
      %swap3A_189 = tpu.vector_load %arg10[%swap3A_187, %swap3A_188] {strides = array<i32>} : memref<128x256xf32, #tpu.memory_space<vmem>>, vector<1x16xf32>,
      %swap3A_190 = vector.shape_cast %swap3A_189 : vector<1x16xf32> to vector<16xf32>
      %swap3A_191 = vector.shape_cast %add3A_186 : vector<16xf32> to vector<1x16xf32>
      tpu.vector_store %arg10[%swap3A_187, %swap3A_188], %swap3A_191 {strides = array<i32>} : memref<128x256xf32, #tpu.memory_space<vmem>>, vector<1x16xf32>,
      %get3A_192 = arith.index_cast %scan3A_111 : i32 to index
      %get3A_193 = arith.constant 64 : index
      %get3A_194 = tpu.vector_load %arg9[%get3A_192, %get3A_193] {strides = array<i32>} : memref<128x256xf32, #tpu.memory_space<vmem>>, vector<1x16xf32>,
      %get3A_195 = vector.shape_cast %get3A_194 : vector<1x16xf32> to vector<16xf32>
      %get3A_196 = arith.index_cast %scan3A_111 : i32 to index
      %get3A_197 = arith.constant 64 : index
      %get3A_198 = tpu.vector_load %arg10[%get3A_196, %get3A_197] {strides = array<i32>} : memref<128x256xf32, #tpu.memory_space<vmem>>, vector<1x16xf32>,
      %get3A_199 = vector.shape_cast %get3A_198 : vector<1x16xf32> to vector<16xf32>
      %sub3A_200 = arith.subf %get3A_195, %get3A_199 : vector<16xf32>
      %mul3A_201 = arith.mulf %sub3A_200, %sub3A_200 : vector<16xf32>
      %add3A_202 = arith.addf %add3A_182, %mul3A_201 : vector<16xf32>
      %mul3A_203 = arith.constant 1.000000e-03 : f32
      %mul3A_204 = vector.broadcast %mul3A_203 : f32 to vector<16xf32>
      %mul3A_205 = arith.mulf %mul3A_204, %sub3A_200 : vector<16xf32>
      %add3A_206 = arith.addf %get3A_199, %mul3A_205 : vector<16xf32>
      %swap3A_207 = arith.index_cast %scan3A_111 : i32 to index
      %swap3A_208 = arith.constant 64 : index
      %swap3A_209 = tpu.vector_load %arg10[%swap3A_207, %swap3A_208] {strides = array<i32>} : memref<128x256xf32, #tpu.memory_space<vmem>>, vector<1x16xf32>,
      %swap3A_210 = vector.shape_cast %swap3A_209 : vector<1x16xf32> to vector<16xf32>
      %swap3A_211 = vector.shape_cast %add3A_206 : vector<16xf32> to vector<1x16xf32>
      tpu.vector_store %arg10[%swap3A_207, %swap3A_208], %swap3A_211 {strides = array<i32>} : memref<128x256xf32, #tpu.memory_space<vmem>>, vector<1x16xf32>,
      %get3A_212 = arith.index_cast %scan3A_111 : i32 to index
      %get3A_213 = arith.constant 80 : index
      %get3A_214 = tpu.vector_load %arg9[%get3A_212, %get3A_213] {strides = array<i32>} : memref<128x256xf32, #tpu.memory_space<vmem>>, vector<1x16xf32>,
      %get3A_215 = vector.shape_cast %get3A_214 : vector<1x16xf32> to vector<16xf32>
      %get3A_216 = arith.index_cast %scan3A_111 : i32 to index
      %get3A_217 = arith.constant 80 : index
      %get3A_218 = tpu.vector_load %arg10[%get3A_216, %get3A_217] {strides = array<i32>} : memref<128x256xf32, #tpu.memory_space<vmem>>, vector<1x16xf32>,
      %get3A_219 = vector.shape_cast %get3A_218 : vector<1x16xf32> to vector<16xf32>
      %sub3A_220 = arith.subf %get3A_215, %get3A_219 : vector<16xf32>
      %mul3A_221 = arith.mulf %sub3A_220, %sub3A_220 : vector<16xf32>
      %add3A_222 = arith.addf %add3A_202, %mul3A_221 : vector<16xf32>
      %mul3A_223 = arith.constant 1.000000e-03 : f32
      %mul3A_224 = vector.broadcast %mul3A_223 : f32 to vector<16xf32>
      %mul3A_225 = arith.mulf %mul3A_224, %sub3A_220 : vector<16xf32>
      %add3A_226 = arith.addf %get3A_219, %mul3A_225 : vector<16xf32>
      %swap3A_227 = arith.index_cast %scan3A_111 : i32 to index
      %swap3A_228 = arith.constant 80 : index
      %swap3A_229 = tpu.vector_load %arg10[%swap3A_227, %swap3A_228] {strides = array<i32>} : memref<128x256xf32, #tpu.memory_space<vmem>>, vector<1x16xf32>,
      %swap3A_230 = vector.shape_cast %swap3A_229 : vector<1x16xf32> to vector<16xf32>
      %swap3A_231 = vector.shape_cast %add3A_226 : vector<16xf32> to vector<1x16xf32>
      tpu.vector_store %arg10[%swap3A_227, %swap3A_228], %swap3A_231 {strides = array<i32>} : memref<128x256xf32, #tpu.memory_space<vmem>>, vector<1x16xf32>,
      %get3A_232 = arith.index_cast %scan3A_111 : i32 to index
      %get3A_233 = arith.constant 96 : index
      %get3A_234 = tpu.vector_load %arg9[%get3A_232, %get3A_233] {strides = array<i32>} : memref<128x256xf32, #tpu.memory_space<vmem>>, vector<1x16xf32>,
      %get3A_235 = vector.shape_cast %get3A_234 : vector<1x16xf32> to vector<16xf32>
      %get3A_236 = arith.index_cast %scan3A_111 : i32 to index
      %get3A_237 = arith.constant 96 : index
      %get3A_238 = tpu.vector_load %arg10[%get3A_236, %get3A_237] {strides = array<i32>} : memref<128x256xf32, #tpu.memory_space<vmem>>, vector<1x16xf32>,
      %get3A_239 = vector.shape_cast %get3A_238 : vector<1x16xf32> to vector<16xf32>
      %sub3A_240 = arith.subf %get3A_235, %get3A_239 : vector<16xf32>
      %mul3A_241 = arith.mulf %sub3A_240, %sub3A_240 : vector<16xf32>
      %add3A_242 = arith.addf %add3A_222, %mul3A_241 : vector<16xf32>
      %mul3A_243 = arith.constant 1.000000e-03 : f32
      %mul3A_244 = vector.broadcast %mul3A_243 : f32 to vector<16xf32>
      %mul3A_245 = arith.mulf %mul3A_244, %sub3A_240 : vector<16xf32>
      %add3A_246 = arith.addf %get3A_239, %mul3A_245 : vector<16xf32>
      %swap3A_247 = arith.index_cast %scan3A_111 : i32 to index
      %swap3A_248 = arith.constant 96 : index
      %swap3A_249 = tpu.vector_load %arg10[%swap3A_247, %swap3A_248] {strides = array<i32>} : memref<128x256xf32, #tpu.memory_space<vmem>>, vector<1x16xf32>,
      %swap3A_250 = vector.shape_cast %swap3A_249 : vector<1x16xf32> to vector<16xf32>
      %swap3A_251 = vector.shape_cast %add3A_246 : vector<16xf32> to vector<1x16xf32>
      tpu.vector_store %arg10[%swap3A_247, %swap3A_248], %swap3A_251 {strides = array<i32>} : memref<128x256xf32, #tpu.memory_space<vmem>>, vector<1x16xf32>,
      %get3A_252 = arith.index_cast %scan3A_111 : i32 to index
      %get3A_253 = arith.constant 112 : index
      %get3A_254 = tpu.vector_load %arg9[%get3A_252, %get3A_253] {strides = array<i32>} : memref<128x256xf32, #tpu.memory_space<vmem>>, vector<1x16xf32>,
      %get3A_255 = vector.shape_cast %get3A_254 : vector<1x16xf32> to vector<16xf32>
      %get3A_256 = arith.index_cast %scan3A_111 : i32 to index
      %get3A_257 = arith.constant 112 : index
      %get3A_258 = tpu.vector_load %arg10[%get3A_256, %get3A_257] {strides = array<i32>} : memref<128x256xf32, #tpu.memory_space<vmem>>, vector<1x16xf32>,
      %get3A_259 = vector.shape_cast %get3A_258 : vector<1x16xf32> to vector<16xf32>
      %sub3A_260 = arith.subf %get3A_255, %get3A_259 : vector<16xf32>
      %mul3A_261 = arith.mulf %sub3A_260, %sub3A_260 : vector<16xf32>
      %add3A_262 = arith.addf %add3A_242, %mul3A_261 : vector<16xf32>
      %mul3A_263 = arith.constant 1.000000e-03 : f32
      %mul3A_264 = vector.broadcast %mul3A_263 : f32 to vector<16xf32>
      %mul3A_265 = arith.mulf %mul3A_264, %sub3A_260 : vector<16xf32>
      %add3A_266 = arith.addf %get3A_259, %mul3A_265 : vector<16xf32>
      %swap3A_267 = arith.index_cast %scan3A_111 : i32 to index
      %swap3A_268 = arith.constant 112 : index
      %swap3A_269 = tpu.vector_load %arg10[%swap3A_267, %swap3A_268] {strides = array<i32>} : memref<128x256xf32, #tpu.memory_space<vmem>>, vector<1x16xf32>,
      %swap3A_270 = vector.shape_cast %swap3A_269 : vector<1x16xf32> to vector<16xf32>
      %swap3A_271 = vector.shape_cast %add3A_266 : vector<16xf32> to vector<1x16xf32>
      tpu.vector_store %arg10[%swap3A_267, %swap3A_268], %swap3A_271 {strides = array<i32>} : memref<128x256xf32, #tpu.memory_space<vmem>>, vector<1x16xf32>,
      %get3A_272 = arith.index_cast %scan3A_111 : i32 to index
      %get3A_273 = arith.constant 128 : index
      %get3A_274 = tpu.vector_load %arg9[%get3A_272, %get3A_273] {strides = array<i32>} : memref<128x256xf32, #tpu.memory_space<vmem>>, vector<1x16xf32>,
      %get3A_275 = vector.shape_cast %get3A_274 : vector<1x16xf32> to vector<16xf32>
      %get3A_276 = arith.index_cast %scan3A_111 : i32 to index
      %get3A_277 = arith.constant 128 : index
      %get3A_278 = tpu.vector_load %arg10[%get3A_276, %get3A_277] {strides = array<i32>} : memref<128x256xf32, #tpu.memory_space<vmem>>, vector<1x16xf32>,
      %get3A_279 = vector.shape_cast %get3A_278 : vector<1x16xf32> to vector<16xf32>
      %sub3A_280 = arith.subf %get3A_275, %get3A_279 : vector<16xf32>
      %mul3A_281 = arith.mulf %sub3A_280, %sub3A_280 : vector<16xf32>
      %add3A_282 = arith.addf %add3A_262, %mul3A_281 : vector<16xf32>
      %mul3A_283 = arith.constant 1.000000e-03 : f32
      %mul3A_284 = vector.broadcast %mul3A_283 : f32 to vector<16xf32>
      %mul3A_285 = arith.mulf %mul3A_284, %sub3A_280 : vector<16xf32>
      %add3A_286 = arith.addf %get3A_279, %mul3A_285 : vector<16xf32>
      %swap3A_287 = arith.index_cast %scan3A_111 : i32 to index
      %swap3A_288 = arith.constant 128 : index
      %swap3A_289 = tpu.vector_load %arg10[%swap3A_287, %swap3A_288] {strides = array<i32>} : memref<128x256xf32, #tpu.memory_space<vmem>>, vector<1x16xf32>,
      %swap3A_290 = vector.shape_cast %swap3A_289 : vector<1x16xf32> to vector<16xf32>
      %swap3A_291 = vector.shape_cast %add3A_286 : vector<16xf32> to vector<1x16xf32>
      tpu.vector_store %arg10[%swap3A_287, %swap3A_288], %swap3A_291 {strides = array<i32>} : memref<128x256xf32, #tpu.memory_space<vmem>>, vector<1x16xf32>,
      %get3A_292 = arith.index_cast %scan3A_111 : i32 to index
      %get3A_293 = arith.constant 144 : index
      %get3A_294 = tpu.vector_load %arg9[%get3A_292, %get3A_293] {strides = array<i32>} : memref<128x256xf32, #tpu.memory_space<vmem>>, vector<1x16xf32>,
      %get3A_295 = vector.shape_cast %get3A_294 : vector<1x16xf32> to vector<16xf32>
      %get3A_296 = arith.index_cast %scan3A_111 : i32 to index
      %get3A_297 = arith.constant 144 : index
      %get3A_298 = tpu.vector_load %arg10[%get3A_296, %get3A_297] {strides = array<i32>} : memref<128x256xf32, #tpu.memory_space<vmem>>, vector<1x16xf32>,
      %get3A_299 = vector.shape_cast %get3A_298 : vector<1x16xf32> to vector<16xf32>
      %sub3A_300 = arith.subf %get3A_295, %get3A_299 : vector<16xf32>
      %mul3A_301 = arith.mulf %sub3A_300, %sub3A_300 : vector<16xf32>
      %add3A_302 = arith.addf %add3A_282, %mul3A_301 : vector<16xf32>
      %mul3A_303 = arith.constant 1.000000e-03 : f32
      %mul3A_304 = vector.broadcast %mul3A_303 : f32 to vector<16xf32>
      %mul3A_305 = arith.mulf %mul3A_304, %sub3A_300 : vector<16xf32>
      %add3A_306 = arith.addf %get3A_299, %mul3A_305 : vector<16xf32>
      %swap3A_307 = arith.index_cast %scan3A_111 : i32 to index
      %swap3A_308 = arith.constant 144 : index
      %swap3A_309 = tpu.vector_load %arg10[%swap3A_307, %swap3A_308] {strides = array<i32>} : memref<128x256xf32, #tpu.memory_space<vmem>>, vector<1x16xf32>,
      %swap3A_310 = vector.shape_cast %swap3A_309 : vector<1x16xf32> to vector<16xf32>
      %swap3A_311 = vector.shape_cast %add3A_306 : vector<16xf32> to vector<1x16xf32>
      tpu.vector_store %arg10[%swap3A_307, %swap3A_308], %swap3A_311 {strides = array<i32>} : memref<128x256xf32, #tpu.memory_space<vmem>>, vector<1x16xf32>,
      %get3A_312 = arith.index_cast %scan3A_111 : i32 to index
      %get3A_313 = arith.constant 160 : index
      %get3A_314 = tpu.vector_load %arg9[%get3A_312, %get3A_313] {strides = array<i32>} : memref<128x256xf32, #tpu.memory_space<vmem>>, vector<1x16xf32>,
      %get3A_315 = vector.shape_cast %get3A_314 : vector<1x16xf32> to vector<16xf32>
      %get3A_316 = arith.index_cast %scan3A_111 : i32 to index
      %get3A_317 = arith.constant 160 : index
      %get3A_318 = tpu.vector_load %arg10[%get3A_316, %get3A_317] {strides = array<i32>} : memref<128x256xf32, #tpu.memory_space<vmem>>, vector<1x16xf32>,
      %get3A_319 = vector.shape_cast %get3A_318 : vector<1x16xf32> to vector<16xf32>
      %sub3A_320 = arith.subf %get3A_315, %get3A_319 : vector<16xf32>
      %mul3A_321 = arith.mulf %sub3A_320, %sub3A_320 : vector<16xf32>
      %add3A_322 = arith.addf %add3A_302, %mul3A_321 : vector<16xf32>
      %mul3A_323 = arith.constant 1.000000e-03 : f32
      %mul3A_324 = vector.broadcast %mul3A_323 : f32 to vector<16xf32>
      %mul3A_325 = arith.mulf %mul3A_324, %sub3A_320 : vector<16xf32>
      %add3A_326 = arith.addf %get3A_319, %mul3A_325 : vector<16xf32>
      %swap3A_327 = arith.index_cast %scan3A_111 : i32 to index
      %swap3A_328 = arith.constant 160 : index
      %swap3A_329 = tpu.vector_load %arg10[%swap3A_327, %swap3A_328] {strides = array<i32>} : memref<128x256xf32, #tpu.memory_space<vmem>>, vector<1x16xf32>,
      %swap3A_330 = vector.shape_cast %swap3A_329 : vector<1x16xf32> to vector<16xf32>
      %swap3A_331 = vector.shape_cast %add3A_326 : vector<16xf32> to vector<1x16xf32>
      tpu.vector_store %arg10[%swap3A_327, %swap3A_328], %swap3A_331 {strides = array<i32>} : memref<128x256xf32, #tpu.memory_space<vmem>>, vector<1x16xf32>,
      %get3A_332 = arith.index_cast %scan3A_111 : i32 to index
      %get3A_333 = arith.constant 176 : index
      %get3A_334 = tpu.vector_load %arg9[%get3A_332, %get3A_333] {strides = array<i32>} : memref<128x256xf32, #tpu.memory_space<vmem>>, vector<1x16xf32>,
      %get3A_335 = vector.shape_cast %get3A_334 : vector<1x16xf32> to vector<16xf32>
      %get3A_336 = arith.index_cast %scan3A_111 : i32 to index
      %get3A_337 = arith.constant 176 : index
      %get3A_338 = tpu.vector_load %arg10[%get3A_336, %get3A_337] {strides = array<i32>} : memref<128x256xf32, #tpu.memory_space<vmem>>, vector<1x16xf32>,
      %get3A_339 = vector.shape_cast %get3A_338 : vector<1x16xf32> to vector<16xf32>
      %sub3A_340 = arith.subf %get3A_335, %get3A_339 : vector<16xf32>
      %mul3A_341 = arith.mulf %sub3A_340, %sub3A_340 : vector<16xf32>
      %add3A_342 = arith.addf %add3A_322, %mul3A_341 : vector<16xf32>
      %mul3A_343 = arith.constant 1.000000e-03 : f32
      %mul3A_344 = vector.broadcast %mul3A_343 : f32 to vector<16xf32>
      %mul3A_345 = arith.mulf %mul3A_344, %sub3A_340 : vector<16xf32>
      %add3A_346 = arith.addf %get3A_339, %mul3A_345 : vector<16xf32>
      %swap3A_347 = arith.index_cast %scan3A_111 : i32 to index
      %swap3A_348 = arith.constant 176 : index
      %swap3A_349 = tpu.vector_load %arg10[%swap3A_347, %swap3A_348] {strides = array<i32>} : memref<128x256xf32, #tpu.memory_space<vmem>>, vector<1x16xf32>,
      %swap3A_350 = vector.shape_cast %swap3A_349 : vector<1x16xf32> to vector<16xf32>
      %swap3A_351 = vector.shape_cast %add3A_346 : vector<16xf32> to vector<1x16xf32>
      tpu.vector_store %arg10[%swap3A_347, %swap3A_348], %swap3A_351 {strides = array<i32>} : memref<128x256xf32, #tpu.memory_space<vmem>>, vector<1x16xf32>,
      %get3A_352 = arith.index_cast %scan3A_111 : i32 to index
      %get3A_353 = arith.constant 192 : index
      %get3A_354 = tpu.vector_load %arg9[%get3A_352, %get3A_353] {strides = array<i32>} : memref<128x256xf32, #tpu.memory_space<vmem>>, vector<1x16xf32>,
      %get3A_355 = vector.shape_cast %get3A_354 : vector<1x16xf32> to vector<16xf32>
      %get3A_356 = arith.index_cast %scan3A_111 : i32 to index
      %get3A_357 = arith.constant 192 : index
      %get3A_358 = tpu.vector_load %arg10[%get3A_356, %get3A_357] {strides = array<i32>} : memref<128x256xf32, #tpu.memory_space<vmem>>, vector<1x16xf32>,
      %get3A_359 = vector.shape_cast %get3A_358 : vector<1x16xf32> to vector<16xf32>
      %sub3A_360 = arith.subf %get3A_355, %get3A_359 : vector<16xf32>
      %mul3A_361 = arith.mulf %sub3A_360, %sub3A_360 : vector<16xf32>
      %add3A_362 = arith.addf %add3A_342, %mul3A_361 : vector<16xf32>
      %mul3A_363 = arith.constant 1.000000e-03 : f32
      %mul3A_364 = vector.broadcast %mul3A_363 : f32 to vector<16xf32>
      %mul3A_365 = arith.mulf %mul3A_364, %sub3A_360 : vector<16xf32>
      %add3A_366 = arith.addf %get3A_359, %mul3A_365 : vector<16xf32>
      %swap3A_367 = arith.index_cast %scan3A_111 : i32 to index
      %swap3A_368 = arith.constant 192 : index
      %swap3A_369 = tpu.vector_load %arg10[%swap3A_367, %swap3A_368] {strides = array<i32>} : memref<128x256xf32, #tpu.memory_space<vmem>>, vector<1x16xf32>,
      %swap3A_370 = vector.shape_cast %swap3A_369 : vector<1x16xf32> to vector<16xf32>
      %swap3A_371 = vector.shape_cast %add3A_366 : vector<16xf32> to vector<1x16xf32>
      tpu.vector_store %arg10[%swap3A_367, %swap3A_368], %swap3A_371 {strides = array<i32>} : memref<128x256xf32, #tpu.memory_space<vmem>>, vector<1x16xf32>,
      %get3A_372 = arith.index_cast %scan3A_111 : i32 to index
      %get3A_373 = arith.constant 208 : index
      %get3A_374 = tpu.vector_load %arg9[%get3A_372, %get3A_373] {strides = array<i32>} : memref<128x256xf32, #tpu.memory_space<vmem>>, vector<1x16xf32>,
      %get3A_375 = vector.shape_cast %get3A_374 : vector<1x16xf32> to vector<16xf32>
      %get3A_376 = arith.index_cast %scan3A_111 : i32 to index
      %get3A_377 = arith.constant 208 : index
      %get3A_378 = tpu.vector_load %arg10[%get3A_376, %get3A_377] {strides = array<i32>} : memref<128x256xf32, #tpu.memory_space<vmem>>, vector<1x16xf32>,
      %get3A_379 = vector.shape_cast %get3A_378 : vector<1x16xf32> to vector<16xf32>
      %sub3A_380 = arith.subf %get3A_375, %get3A_379 : vector<16xf32>
      %mul3A_381 = arith.mulf %sub3A_380, %sub3A_380 : vector<16xf32>
      %add3A_382 = arith.addf %add3A_362, %mul3A_381 : vector<16xf32>
      %mul3A_383 = arith.constant 1.000000e-03 : f32
      %mul3A_384 = vector.broadcast %mul3A_383 : f32 to vector<16xf32>
      %mul3A_385 = arith.mulf %mul3A_384, %sub3A_380 : vector<16xf32>
      %add3A_386 = arith.addf %get3A_379, %mul3A_385 : vector<16xf32>
      %swap3A_387 = arith.index_cast %scan3A_111 : i32 to index
      %swap3A_388 = arith.constant 208 : index
      %swap3A_389 = tpu.vector_load %arg10[%swap3A_387, %swap3A_388] {strides = array<i32>} : memref<128x256xf32, #tpu.memory_space<vmem>>, vector<1x16xf32>,
      %swap3A_390 = vector.shape_cast %swap3A_389 : vector<1x16xf32> to vector<16xf32>
      %swap3A_391 = vector.shape_cast %add3A_386 : vector<16xf32> to vector<1x16xf32>
      tpu.vector_store %arg10[%swap3A_387, %swap3A_388], %swap3A_391 {strides = array<i32>} : memref<128x256xf32, #tpu.memory_space<vmem>>, vector<1x16xf32>,
      %get3A_392 = arith.index_cast %scan3A_111 : i32 to index
      %get3A_393 = arith.constant 224 : index
      %get3A_394 = tpu.vector_load %arg9[%get3A_392, %get3A_393] {strides = array<i32>} : memref<128x256xf32, #tpu.memory_space<vmem>>, vector<1x16xf32>,
      %get3A_395 = vector.shape_cast %get3A_394 : vector<1x16xf32> to vector<16xf32>
      %get3A_396 = arith.index_cast %scan3A_111 : i32 to index
      %get3A_397 = arith.constant 224 : index
      %get3A_398 = tpu.vector_load %arg10[%get3A_396, %get3A_397] {strides = array<i32>} : memref<128x256xf32, #tpu.memory_space<vmem>>, vector<1x16xf32>,
      %get3A_399 = vector.shape_cast %get3A_398 : vector<1x16xf32> to vector<16xf32>
      %sub3A_400 = arith.subf %get3A_395, %get3A_399 : vector<16xf32>
      %mul3A_401 = arith.mulf %sub3A_400, %sub3A_400 : vector<16xf32>
      %add3A_402 = arith.addf %add3A_382, %mul3A_401 : vector<16xf32>
      %mul3A_403 = arith.constant 1.000000e-03 : f32
      %mul3A_404 = vector.broadcast %mul3A_403 : f32 to vector<16xf32>
      %mul3A_405 = arith.mulf %mul3A_404, %sub3A_400 : vector<16xf32>
      %add3A_406 = arith.addf %get3A_399, %mul3A_405 : vector<16xf32>
      %swap3A_407 = arith.index_cast %scan3A_111 : i32 to index
      %swap3A_408 = arith.constant 224 : index
      %swap3A_409 = tpu.vector_load %arg10[%swap3A_407, %swap3A_408] {strides = array<i32>} : memref<128x256xf32, #tpu.memory_space<vmem>>, vector<1x16xf32>,
      %swap3A_410 = vector.shape_cast %swap3A_409 : vector<1x16xf32> to vector<16xf32>
      %swap3A_411 = vector.shape_cast %add3A_406 : vector<16xf32> to vector<1x16xf32>
      tpu.vector_store %arg10[%swap3A_407, %swap3A_408], %swap3A_411 {strides = array<i32>} : memref<128x256xf32, #tpu.memory_space<vmem>>, vector<1x16xf32>,
      %get3A_412 = arith.index_cast %scan3A_111 : i32 to index
      %get3A_413 = arith.constant 240 : index
      %get3A_414 = tpu.vector_load %arg9[%get3A_412, %get3A_413] {strides = array<i32>} : memref<128x256xf32, #tpu.memory_space<vmem>>, vector<1x16xf32>,
      %get3A_415 = vector.shape_cast %get3A_414 : vector<1x16xf32> to vector<16xf32>
      %get3A_416 = arith.index_cast %scan3A_111 : i32 to index
      %get3A_417 = arith.constant 240 : index
      %get3A_418 = tpu.vector_load %arg10[%get3A_416, %get3A_417] {strides = array<i32>} : memref<128x256xf32, #tpu.memory_space<vmem>>, vector<1x16xf32>,
      %get3A_419 = vector.shape_cast %get3A_418 : vector<1x16xf32> to vector<16xf32>
      %sub3A_420 = arith.subf %get3A_415, %get3A_419 : vector<16xf32>
      %mul3A_421 = arith.mulf %sub3A_420, %sub3A_420 : vector<16xf32>
      %add3A_422 = arith.addf %add3A_402, %mul3A_421 : vector<16xf32>
      %mul3A_423 = arith.constant 1.000000e-03 : f32
      %mul3A_424 = vector.broadcast %mul3A_423 : f32 to vector<16xf32>
      %mul3A_425 = arith.mulf %mul3A_424, %sub3A_420 : vector<16xf32>
      %add3A_426 = arith.addf %get3A_419, %mul3A_425 : vector<16xf32>
      %swap3A_427 = arith.index_cast %scan3A_111 : i32 to index
      %swap3A_428 = arith.constant 240 : index
      %swap3A_429 = tpu.vector_load %arg10[%swap3A_427, %swap3A_428] {strides = array<i32>} : memref<128x256xf32, #tpu.memory_space<vmem>>, vector<1x16xf32>,
      %swap3A_430 = vector.shape_cast %swap3A_429 : vector<1x16xf32> to vector<16xf32>
      %swap3A_431 = vector.shape_cast %add3A_426 : vector<16xf32> to vector<1x16xf32>
      tpu.vector_store %arg10[%swap3A_427, %swap3A_428], %swap3A_431 {strides = array<i32>} : memref<128x256xf32, #tpu.memory_space<vmem>>, vector<1x16xf32>,
      scf.yield %add3A_422 : vector<16xf32>
    }
    %scan3A_19 = arith.constant 128 : i32
    %swap3A_20 = arith.constant 0 : index
    %swap3A_21 = tpu.vector_load %arg11[%swap3A_20] {strides = array<i32>} : memref<16xf32, #tpu.memory_space<vmem>>, vector<16xf32>,
    %swap3A_22 = vector.shape_cast %swap3A_21 : vector<16xf32> to vector<16xf32>
    %swap3A_23 = vector.shape_cast %scan3A_18 : vector<16xf32> to vector<16xf32>
    tpu.vector_store %arg11[%swap3A_20], %swap3A_23 {strides = array<i32>} : memref<16xf32, #tpu.memory_space<vmem>>, vector<16xf32>,
    %dma_start3A_24 = arith.constant 0 : i32
    %dma_start3A_25 = arith.constant 0 : i32
    %dma_start3A_26 = tpu.memref_slice %arg5[%dma_start3A_24, %dma_start3A_25] : memref<8192x256xf32, #tpu.memory_space<hbm>> -> memref<8192x256xf32, #tpu.memory_space<hbm>>
    tpu.enqueue_indirect_dma source(%arg10 : memref<128x256xf32, #tpu.memory_space<vmem>>) target(%dma_start3A_26 : memref<8192x256xf32, #tpu.memory_space<hbm>>) offsets(%arg8 : memref<128xi32, #tpu.memory_space<vmem>>) semaphore(%arg12 : memref<!tpu.dma_semaphore, #tpu.memory_space<semaphore_mem>>)
    %dma_wait3A_27 = arith.constant 0 : i32
    %dma_wait3A_28 = arith.constant 0 : i32
    %dma_wait3A_29 = tpu.memref_slice %arg5[%dma_wait3A_27, %dma_wait3A_28] : memref<8192x256xf32, #tpu.memory_space<hbm>> -> memref<8192x256xf32, #tpu.memory_space<hbm>>
    tpu.wait_indirect_dma semaphore(%arg12 : memref<!tpu.dma_semaphore, #tpu.memory_space<semaphore_mem>>) src(%arg10 : memref<128x256xf32, #tpu.memory_space<vmem>>) dst(%dma_wait3A_29 : memref<8192x256xf32, #tpu.memory_space<hbm>>)
    %add3A_30 = arith.constant 128 : i32
    %add3A_31 = arith.addi %mul3A_2, %add3A_30 : i32
    "tpu.region"() ({
      %run_scoped3A = tpu.sem_alloc : memref<!tpu.dma_semaphore, #tpu.memory_space<semaphore_mem>>
      %dma_start3A_111 = tpu.memref_slice %arg3[%add3A_31] : memref<16384xi32, #tpu.memory_space<hbm>> -> memref<128xi32, #tpu.memory_space<hbm>>
      %dma_start3A_112 = tpu.memref_slice %arg3[%add3A_31] : memref<16384xi32, #tpu.memory_space<hbm>> -> memref<128xi32, #tpu.memory_space<hbm>>
      tpu.enqueue_dma source(%dma_start3A_112 : memref<128xi32, #tpu.memory_space<hbm>>) target(%arg8 : memref<128xi32, #tpu.memory_space<vmem>>) target_semaphore(%run_scoped3A : memref<!tpu.dma_semaphore, #tpu.memory_space<semaphore_mem>>)
      %dma_wait3A_113 = tpu.memref_slice %arg3[%add3A_31] : memref<16384xi32, #tpu.memory_space<hbm>> -> memref<128xi32, #tpu.memory_space<hbm>>
      %dma_wait3A_114 = tpu.memref_slice %arg3[%add3A_31] : memref<16384xi32, #tpu.memory_space<hbm>> -> memref<128xi32, #tpu.memory_space<hbm>>
      tpu.wait_dma2 semaphore(%run_scoped3A : memref<!tpu.dma_semaphore, #tpu.memory_space<semaphore_mem>>) src(%dma_wait3A_114 : memref<128xi32, #tpu.memory_space<hbm>>) dst(%arg8 : memref<128xi32, #tpu.memory_space<vmem>>)
      tpu.yield
    }) : () -> ()
    "tpu.region"() ({
      %run_scoped3A = tpu.sem_alloc : memref<!tpu.dma_semaphore, #tpu.memory_space<semaphore_mem>>
      %dma_start3A_111 = arith.constant 0 : i32
      %dma_start3A_112 = tpu.memref_slice %arg2[%add3A_31, %dma_start3A_111] : memref<16384x256xf32, #tpu.memory_space<hbm>> -> memref<128x256xf32, #tpu.memory_space<hbm>>
      %dma_start3A_113 = arith.constant 0 : i32
      %dma_start3A_114 = tpu.memref_slice %arg2[%add3A_31, %dma_start3A_113] : memref<16384x256xf32, #tpu.memory_space<hbm>> -> memref<128x256xf32, #tpu.memory_space<hbm>>
      tpu.enqueue_dma source(%dma_start3A_114 : memref<128x256xf32, #tpu.memory_space<hbm>>) target(%arg9 : memref<128x256xf32, #tpu.memory_space<vmem>>) target_semaphore(%run_scoped3A : memref<!tpu.dma_semaphore, #tpu.memory_space<semaphore_mem>>)
      %dma_wait3A_115 = arith.constant 0 : i32
      %dma_wait3A_116 = tpu.memref_slice %arg2[%add3A_31, %dma_wait3A_115] : memref<16384x256xf32, #tpu.memory_space<hbm>> -> memref<128x256xf32, #tpu.memory_space<hbm>>
      %dma_wait3A_117 = arith.constant 0 : i32
      %dma_wait3A_118 = tpu.memref_slice %arg2[%add3A_31, %dma_wait3A_117] : memref<16384x256xf32, #tpu.memory_space<hbm>> -> memref<128x256xf32, #tpu.memory_space<hbm>>
      tpu.wait_dma2 semaphore(%run_scoped3A : memref<!tpu.dma_semaphore, #tpu.memory_space<semaphore_mem>>) src(%dma_wait3A_118 : memref<128x256xf32, #tpu.memory_space<hbm>>) dst(%arg9 : memref<128x256xf32, #tpu.memory_space<vmem>>)
      tpu.yield
    }) : () -> ()
    %dma_start3A_32 = arith.constant 0 : i32
    %dma_start3A_33 = arith.constant 0 : i32
    %dma_start3A_34 = tpu.memref_slice %arg4[%dma_start3A_32, %dma_start3A_33] : memref<8192x256xf32, #tpu.memory_space<hbm>> -> memref<8192x256xf32, #tpu.memory_space<hbm>>
    tpu.enqueue_indirect_dma source(%dma_start3A_34 : memref<8192x256xf32, #tpu.memory_space<hbm>>) target(%arg10 : memref<128x256xf32, #tpu.memory_space<vmem>>) offsets(%arg8 : memref<128xi32, #tpu.memory_space<vmem>>) semaphore(%arg12 : memref<!tpu.dma_semaphore, #tpu.memory_space<semaphore_mem>>)
    %dma_wait3A_35 = arith.constant 0 : i32
    %dma_wait3A_36 = arith.constant 0 : i32
    %dma_wait3A_37 = tpu.memref_slice %arg4[%dma_wait3A_35, %dma_wait3A_36] : memref<8192x256xf32, #tpu.memory_space<hbm>> -> memref<8192x256xf32, #tpu.memory_space<hbm>>
    tpu.wait_indirect_dma semaphore(%arg12 : memref<!tpu.dma_semaphore, #tpu.memory_space<semaphore_mem>>) src(%dma_wait3A_37 : memref<8192x256xf32, #tpu.memory_space<hbm>>) dst(%arg10 : memref<128x256xf32, #tpu.memory_space<vmem>>)
    %get3A_38 = arith.constant 0 : index
    %get3A_39 = tpu.vector_load %arg11[%get3A_38] {strides = array<i32>} : memref<16xf32, #tpu.memory_space<vmem>>, vector<16xf32>,
    %get3A_40 = vector.shape_cast %get3A_39 : vector<16xf32> to vector<16xf32>
    %scan3A_41 = arith.constant 0 : i32
    %scan3A_42 = arith.constant 128 : i32
    %scan3A_43 = arith.addi %scan3A_41, %scan3A_42 : i32
    %scan3A_44 = arith.constant 1 : i32
    %scan3A_45 = scf.for %scan3A_111 = %scan3A_41 to %scan3A_43 step %scan3A_44 iter_args(%scan3A_112 = %get3A_40) -> (vector<16xf32>)  : i32 {
      %get3A_113 = arith.index_cast %scan3A_111 : i32 to index
      %get3A_114 = arith.constant 0 : index
      %get3A_115 = tpu.vector_load %arg9[%get3A_113, %get3A_114] {strides = array<i32>} : memref<128x256xf32, #tpu.memory_space<vmem>>, vector<1x16xf32>,
      %get3A_116 = vector.shape_cast %get3A_115 : vector<1x16xf32> to vector<16xf32>
      %get3A_117 = arith.index_cast %scan3A_111 : i32 to index
      %get3A_118 = arith.constant 0 : index
      %get3A_119 = tpu.vector_load %arg10[%get3A_117, %get3A_118] {strides = array<i32>} : memref<128x256xf32, #tpu.memory_space<vmem>>, vector<1x16xf32>,
      %get3A_120 = vector.shape_cast %get3A_119 : vector<1x16xf32> to vector<16xf32>
      %sub3A = arith.subf %get3A_116, %get3A_120 : vector<16xf32>
      %mul3A_121 = arith.mulf %sub3A, %sub3A : vector<16xf32>
      %add3A_122 = arith.addf %scan3A_112, %mul3A_121 : vector<16xf32>
      %mul3A_123 = arith.constant 1.000000e-03 : f32
      %mul3A_124 = vector.broadcast %mul3A_123 : f32 to vector<16xf32>
      %mul3A_125 = arith.mulf %mul3A_124, %sub3A : vector<16xf32>
      %add3A_126 = arith.addf %get3A_120, %mul3A_125 : vector<16xf32>
      %swap3A_127 = arith.index_cast %scan3A_111 : i32 to index
      %swap3A_128 = arith.constant 0 : index
      %swap3A_129 = tpu.vector_load %arg10[%swap3A_127, %swap3A_128] {strides = array<i32>} : memref<128x256xf32, #tpu.memory_space<vmem>>, vector<1x16xf32>,
      %swap3A_130 = vector.shape_cast %swap3A_129 : vector<1x16xf32> to vector<16xf32>
      %swap3A_131 = vector.shape_cast %add3A_126 : vector<16xf32> to vector<1x16xf32>
      tpu.vector_store %arg10[%swap3A_127, %swap3A_128], %swap3A_131 {strides = array<i32>} : memref<128x256xf32, #tpu.memory_space<vmem>>, vector<1x16xf32>,
      %get3A_132 = arith.index_cast %scan3A_111 : i32 to index
      %get3A_133 = arith.constant 16 : index
      %get3A_134 = tpu.vector_load %arg9[%get3A_132, %get3A_133] {strides = array<i32>} : memref<128x256xf32, #tpu.memory_space<vmem>>, vector<1x16xf32>,
      %get3A_135 = vector.shape_cast %get3A_134 : vector<1x16xf32> to vector<16xf32>
      %get3A_136 = arith.index_cast %scan3A_111 : i32 to index
      %get3A_137 = arith.constant 16 : index
      %get3A_138 = tpu.vector_load %arg10[%get3A_136, %get3A_137] {strides = array<i32>} : memref<128x256xf32, #tpu.memory_space<vmem>>, vector<1x16xf32>,
      %get3A_139 = vector.shape_cast %get3A_138 : vector<1x16xf32> to vector<16xf32>
      %sub3A_140 = arith.subf %get3A_135, %get3A_139 : vector<16xf32>
      %mul3A_141 = arith.mulf %sub3A_140, %sub3A_140 : vector<16xf32>
      %add3A_142 = arith.addf %add3A_122, %mul3A_141 : vector<16xf32>
      %mul3A_143 = arith.constant 1.000000e-03 : f32
      %mul3A_144 = vector.broadcast %mul3A_143 : f32 to vector<16xf32>
      %mul3A_145 = arith.mulf %mul3A_144, %sub3A_140 : vector<16xf32>
      %add3A_146 = arith.addf %get3A_139, %mul3A_145 : vector<16xf32>
      %swap3A_147 = arith.index_cast %scan3A_111 : i32 to index
      %swap3A_148 = arith.constant 16 : index
      %swap3A_149 = tpu.vector_load %arg10[%swap3A_147, %swap3A_148] {strides = array<i32>} : memref<128x256xf32, #tpu.memory_space<vmem>>, vector<1x16xf32>,
      %swap3A_150 = vector.shape_cast %swap3A_149 : vector<1x16xf32> to vector<16xf32>
      %swap3A_151 = vector.shape_cast %add3A_146 : vector<16xf32> to vector<1x16xf32>
      tpu.vector_store %arg10[%swap3A_147, %swap3A_148], %swap3A_151 {strides = array<i32>} : memref<128x256xf32, #tpu.memory_space<vmem>>, vector<1x16xf32>,
      %get3A_152 = arith.index_cast %scan3A_111 : i32 to index
      %get3A_153 = arith.constant 32 : index
      %get3A_154 = tpu.vector_load %arg9[%get3A_152, %get3A_153] {strides = array<i32>} : memref<128x256xf32, #tpu.memory_space<vmem>>, vector<1x16xf32>,
      %get3A_155 = vector.shape_cast %get3A_154 : vector<1x16xf32> to vector<16xf32>
      %get3A_156 = arith.index_cast %scan3A_111 : i32 to index
      %get3A_157 = arith.constant 32 : index
      %get3A_158 = tpu.vector_load %arg10[%get3A_156, %get3A_157] {strides = array<i32>} : memref<128x256xf32, #tpu.memory_space<vmem>>, vector<1x16xf32>,
      %get3A_159 = vector.shape_cast %get3A_158 : vector<1x16xf32> to vector<16xf32>
      %sub3A_160 = arith.subf %get3A_155, %get3A_159 : vector<16xf32>
      %mul3A_161 = arith.mulf %sub3A_160, %sub3A_160 : vector<16xf32>
      %add3A_162 = arith.addf %add3A_142, %mul3A_161 : vector<16xf32>
      %mul3A_163 = arith.constant 1.000000e-03 : f32
      %mul3A_164 = vector.broadcast %mul3A_163 : f32 to vector<16xf32>
      %mul3A_165 = arith.mulf %mul3A_164, %sub3A_160 : vector<16xf32>
      %add3A_166 = arith.addf %get3A_159, %mul3A_165 : vector<16xf32>
      %swap3A_167 = arith.index_cast %scan3A_111 : i32 to index
      %swap3A_168 = arith.constant 32 : index
      %swap3A_169 = tpu.vector_load %arg10[%swap3A_167, %swap3A_168] {strides = array<i32>} : memref<128x256xf32, #tpu.memory_space<vmem>>, vector<1x16xf32>,
      %swap3A_170 = vector.shape_cast %swap3A_169 : vector<1x16xf32> to vector<16xf32>
      %swap3A_171 = vector.shape_cast %add3A_166 : vector<16xf32> to vector<1x16xf32>
      tpu.vector_store %arg10[%swap3A_167, %swap3A_168], %swap3A_171 {strides = array<i32>} : memref<128x256xf32, #tpu.memory_space<vmem>>, vector<1x16xf32>,
      %get3A_172 = arith.index_cast %scan3A_111 : i32 to index
      %get3A_173 = arith.constant 48 : index
      %get3A_174 = tpu.vector_load %arg9[%get3A_172, %get3A_173] {strides = array<i32>} : memref<128x256xf32, #tpu.memory_space<vmem>>, vector<1x16xf32>,
      %get3A_175 = vector.shape_cast %get3A_174 : vector<1x16xf32> to vector<16xf32>
      %get3A_176 = arith.index_cast %scan3A_111 : i32 to index
      %get3A_177 = arith.constant 48 : index
      %get3A_178 = tpu.vector_load %arg10[%get3A_176, %get3A_177] {strides = array<i32>} : memref<128x256xf32, #tpu.memory_space<vmem>>, vector<1x16xf32>,
      %get3A_179 = vector.shape_cast %get3A_178 : vector<1x16xf32> to vector<16xf32>
      %sub3A_180 = arith.subf %get3A_175, %get3A_179 : vector<16xf32>
      %mul3A_181 = arith.mulf %sub3A_180, %sub3A_180 : vector<16xf32>
      %add3A_182 = arith.addf %add3A_162, %mul3A_181 : vector<16xf32>
      %mul3A_183 = arith.constant 1.000000e-03 : f32
      %mul3A_184 = vector.broadcast %mul3A_183 : f32 to vector<16xf32>
      %mul3A_185 = arith.mulf %mul3A_184, %sub3A_180 : vector<16xf32>
      %add3A_186 = arith.addf %get3A_179, %mul3A_185 : vector<16xf32>
      %swap3A_187 = arith.index_cast %scan3A_111 : i32 to index
      %swap3A_188 = arith.constant 48 : index
      %swap3A_189 = tpu.vector_load %arg10[%swap3A_187, %swap3A_188] {strides = array<i32>} : memref<128x256xf32, #tpu.memory_space<vmem>>, vector<1x16xf32>,
      %swap3A_190 = vector.shape_cast %swap3A_189 : vector<1x16xf32> to vector<16xf32>
      %swap3A_191 = vector.shape_cast %add3A_186 : vector<16xf32> to vector<1x16xf32>
      tpu.vector_store %arg10[%swap3A_187, %swap3A_188], %swap3A_191 {strides = array<i32>} : memref<128x256xf32, #tpu.memory_space<vmem>>, vector<1x16xf32>,
      %get3A_192 = arith.index_cast %scan3A_111 : i32 to index
      %get3A_193 = arith.constant 64 : index
      %get3A_194 = tpu.vector_load %arg9[%get3A_192, %get3A_193] {strides = array<i32>} : memref<128x256xf32, #tpu.memory_space<vmem>>, vector<1x16xf32>,
      %get3A_195 = vector.shape_cast %get3A_194 : vector<1x16xf32> to vector<16xf32>
      %get3A_196 = arith.index_cast %scan3A_111 : i32 to index
      %get3A_197 = arith.constant 64 : index
      %get3A_198 = tpu.vector_load %arg10[%get3A_196, %get3A_197] {strides = array<i32>} : memref<128x256xf32, #tpu.memory_space<vmem>>, vector<1x16xf32>,
      %get3A_199 = vector.shape_cast %get3A_198 : vector<1x16xf32> to vector<16xf32>
      %sub3A_200 = arith.subf %get3A_195, %get3A_199 : vector<16xf32>
      %mul3A_201 = arith.mulf %sub3A_200, %sub3A_200 : vector<16xf32>
      %add3A_202 = arith.addf %add3A_182, %mul3A_201 : vector<16xf32>
      %mul3A_203 = arith.constant 1.000000e-03 : f32
      %mul3A_204 = vector.broadcast %mul3A_203 : f32 to vector<16xf32>
      %mul3A_205 = arith.mulf %mul3A_204, %sub3A_200 : vector<16xf32>
      %add3A_206 = arith.addf %get3A_199, %mul3A_205 : vector<16xf32>
      %swap3A_207 = arith.index_cast %scan3A_111 : i32 to index
      %swap3A_208 = arith.constant 64 : index
      %swap3A_209 = tpu.vector_load %arg10[%swap3A_207, %swap3A_208] {strides = array<i32>} : memref<128x256xf32, #tpu.memory_space<vmem>>, vector<1x16xf32>,
      %swap3A_210 = vector.shape_cast %swap3A_209 : vector<1x16xf32> to vector<16xf32>
      %swap3A_211 = vector.shape_cast %add3A_206 : vector<16xf32> to vector<1x16xf32>
      tpu.vector_store %arg10[%swap3A_207, %swap3A_208], %swap3A_211 {strides = array<i32>} : memref<128x256xf32, #tpu.memory_space<vmem>>, vector<1x16xf32>,
      %get3A_212 = arith.index_cast %scan3A_111 : i32 to index
      %get3A_213 = arith.constant 80 : index
      %get3A_214 = tpu.vector_load %arg9[%get3A_212, %get3A_213] {strides = array<i32>} : memref<128x256xf32, #tpu.memory_space<vmem>>, vector<1x16xf32>,
      %get3A_215 = vector.shape_cast %get3A_214 : vector<1x16xf32> to vector<16xf32>
      %get3A_216 = arith.index_cast %scan3A_111 : i32 to index
      %get3A_217 = arith.constant 80 : index
      %get3A_218 = tpu.vector_load %arg10[%get3A_216, %get3A_217] {strides = array<i32>} : memref<128x256xf32, #tpu.memory_space<vmem>>, vector<1x16xf32>,
      %get3A_219 = vector.shape_cast %get3A_218 : vector<1x16xf32> to vector<16xf32>
      %sub3A_220 = arith.subf %get3A_215, %get3A_219 : vector<16xf32>
      %mul3A_221 = arith.mulf %sub3A_220, %sub3A_220 : vector<16xf32>
      %add3A_222 = arith.addf %add3A_202, %mul3A_221 : vector<16xf32>
      %mul3A_223 = arith.constant 1.000000e-03 : f32
      %mul3A_224 = vector.broadcast %mul3A_223 : f32 to vector<16xf32>
      %mul3A_225 = arith.mulf %mul3A_224, %sub3A_220 : vector<16xf32>
      %add3A_226 = arith.addf %get3A_219, %mul3A_225 : vector<16xf32>
      %swap3A_227 = arith.index_cast %scan3A_111 : i32 to index
      %swap3A_228 = arith.constant 80 : index
      %swap3A_229 = tpu.vector_load %arg10[%swap3A_227, %swap3A_228] {strides = array<i32>} : memref<128x256xf32, #tpu.memory_space<vmem>>, vector<1x16xf32>,
      %swap3A_230 = vector.shape_cast %swap3A_229 : vector<1x16xf32> to vector<16xf32>
      %swap3A_231 = vector.shape_cast %add3A_226 : vector<16xf32> to vector<1x16xf32>
      tpu.vector_store %arg10[%swap3A_227, %swap3A_228], %swap3A_231 {strides = array<i32>} : memref<128x256xf32, #tpu.memory_space<vmem>>, vector<1x16xf32>,
      %get3A_232 = arith.index_cast %scan3A_111 : i32 to index
      %get3A_233 = arith.constant 96 : index
      %get3A_234 = tpu.vector_load %arg9[%get3A_232, %get3A_233] {strides = array<i32>} : memref<128x256xf32, #tpu.memory_space<vmem>>, vector<1x16xf32>,
      %get3A_235 = vector.shape_cast %get3A_234 : vector<1x16xf32> to vector<16xf32>
      %get3A_236 = arith.index_cast %scan3A_111 : i32 to index
      %get3A_237 = arith.constant 96 : index
      %get3A_238 = tpu.vector_load %arg10[%get3A_236, %get3A_237] {strides = array<i32>} : memref<128x256xf32, #tpu.memory_space<vmem>>, vector<1x16xf32>,
      %get3A_239 = vector.shape_cast %get3A_238 : vector<1x16xf32> to vector<16xf32>
      %sub3A_240 = arith.subf %get3A_235, %get3A_239 : vector<16xf32>
      %mul3A_241 = arith.mulf %sub3A_240, %sub3A_240 : vector<16xf32>
      %add3A_242 = arith.addf %add3A_222, %mul3A_241 : vector<16xf32>
      %mul3A_243 = arith.constant 1.000000e-03 : f32
      %mul3A_244 = vector.broadcast %mul3A_243 : f32 to vector<16xf32>
      %mul3A_245 = arith.mulf %mul3A_244, %sub3A_240 : vector<16xf32>
      %add3A_246 = arith.addf %get3A_239, %mul3A_245 : vector<16xf32>
      %swap3A_247 = arith.index_cast %scan3A_111 : i32 to index
      %swap3A_248 = arith.constant 96 : index
      %swap3A_249 = tpu.vector_load %arg10[%swap3A_247, %swap3A_248] {strides = array<i32>} : memref<128x256xf32, #tpu.memory_space<vmem>>, vector<1x16xf32>,
      %swap3A_250 = vector.shape_cast %swap3A_249 : vector<1x16xf32> to vector<16xf32>
      %swap3A_251 = vector.shape_cast %add3A_246 : vector<16xf32> to vector<1x16xf32>
      tpu.vector_store %arg10[%swap3A_247, %swap3A_248], %swap3A_251 {strides = array<i32>} : memref<128x256xf32, #tpu.memory_space<vmem>>, vector<1x16xf32>,
      %get3A_252 = arith.index_cast %scan3A_111 : i32 to index
      %get3A_253 = arith.constant 112 : index
      %get3A_254 = tpu.vector_load %arg9[%get3A_252, %get3A_253] {strides = array<i32>} : memref<128x256xf32, #tpu.memory_space<vmem>>, vector<1x16xf32>,
      %get3A_255 = vector.shape_cast %get3A_254 : vector<1x16xf32> to vector<16xf32>
      %get3A_256 = arith.index_cast %scan3A_111 : i32 to index
      %get3A_257 = arith.constant 112 : index
      %get3A_258 = tpu.vector_load %arg10[%get3A_256, %get3A_257] {strides = array<i32>} : memref<128x256xf32, #tpu.memory_space<vmem>>, vector<1x16xf32>,
      %get3A_259 = vector.shape_cast %get3A_258 : vector<1x16xf32> to vector<16xf32>
      %sub3A_260 = arith.subf %get3A_255, %get3A_259 : vector<16xf32>
      %mul3A_261 = arith.mulf %sub3A_260, %sub3A_260 : vector<16xf32>
      %add3A_262 = arith.addf %add3A_242, %mul3A_261 : vector<16xf32>
      %mul3A_263 = arith.constant 1.000000e-03 : f32
      %mul3A_264 = vector.broadcast %mul3A_263 : f32 to vector<16xf32>
      %mul3A_265 = arith.mulf %mul3A_264, %sub3A_260 : vector<16xf32>
      %add3A_266 = arith.addf %get3A_259, %mul3A_265 : vector<16xf32>
      %swap3A_267 = arith.index_cast %scan3A_111 : i32 to index
      %swap3A_268 = arith.constant 112 : index
      %swap3A_269 = tpu.vector_load %arg10[%swap3A_267, %swap3A_268] {strides = array<i32>} : memref<128x256xf32, #tpu.memory_space<vmem>>, vector<1x16xf32>,
      %swap3A_270 = vector.shape_cast %swap3A_269 : vector<1x16xf32> to vector<16xf32>
      %swap3A_271 = vector.shape_cast %add3A_266 : vector<16xf32> to vector<1x16xf32>
      tpu.vector_store %arg10[%swap3A_267, %swap3A_268], %swap3A_271 {strides = array<i32>} : memref<128x256xf32, #tpu.memory_space<vmem>>, vector<1x16xf32>,
      %get3A_272 = arith.index_cast %scan3A_111 : i32 to index
      %get3A_273 = arith.constant 128 : index
      %get3A_274 = tpu.vector_load %arg9[%get3A_272, %get3A_273] {strides = array<i32>} : memref<128x256xf32, #tpu.memory_space<vmem>>, vector<1x16xf32>,
      %get3A_275 = vector.shape_cast %get3A_274 : vector<1x16xf32> to vector<16xf32>
      %get3A_276 = arith.index_cast %scan3A_111 : i32 to index
      %get3A_277 = arith.constant 128 : index
      %get3A_278 = tpu.vector_load %arg10[%get3A_276, %get3A_277] {strides = array<i32>} : memref<128x256xf32, #tpu.memory_space<vmem>>, vector<1x16xf32>,
      %get3A_279 = vector.shape_cast %get3A_278 : vector<1x16xf32> to vector<16xf32>
      %sub3A_280 = arith.subf %get3A_275, %get3A_279 : vector<16xf32>
      %mul3A_281 = arith.mulf %sub3A_280, %sub3A_280 : vector<16xf32>
      %add3A_282 = arith.addf %add3A_262, %mul3A_281 : vector<16xf32>
      %mul3A_283 = arith.constant 1.000000e-03 : f32
      %mul3A_284 = vector.broadcast %mul3A_283 : f32 to vector<16xf32>
      %mul3A_285 = arith.mulf %mul3A_284, %sub3A_280 : vector<16xf32>
      %add3A_286 = arith.addf %get3A_279, %mul3A_285 : vector<16xf32>
      %swap3A_287 = arith.index_cast %scan3A_111 : i32 to index
      %swap3A_288 = arith.constant 128 : index
      %swap3A_289 = tpu.vector_load %arg10[%swap3A_287, %swap3A_288] {strides = array<i32>} : memref<128x256xf32, #tpu.memory_space<vmem>>, vector<1x16xf32>,
      %swap3A_290 = vector.shape_cast %swap3A_289 : vector<1x16xf32> to vector<16xf32>
      %swap3A_291 = vector.shape_cast %add3A_286 : vector<16xf32> to vector<1x16xf32>
      tpu.vector_store %arg10[%swap3A_287, %swap3A_288], %swap3A_291 {strides = array<i32>} : memref<128x256xf32, #tpu.memory_space<vmem>>, vector<1x16xf32>,
      %get3A_292 = arith.index_cast %scan3A_111 : i32 to index
      %get3A_293 = arith.constant 144 : index
      %get3A_294 = tpu.vector_load %arg9[%get3A_292, %get3A_293] {strides = array<i32>} : memref<128x256xf32, #tpu.memory_space<vmem>>, vector<1x16xf32>,
      %get3A_295 = vector.shape_cast %get3A_294 : vector<1x16xf32> to vector<16xf32>
      %get3A_296 = arith.index_cast %scan3A_111 : i32 to index
      %get3A_297 = arith.constant 144 : index
      %get3A_298 = tpu.vector_load %arg10[%get3A_296, %get3A_297] {strides = array<i32>} : memref<128x256xf32, #tpu.memory_space<vmem>>, vector<1x16xf32>,
      %get3A_299 = vector.shape_cast %get3A_298 : vector<1x16xf32> to vector<16xf32>
      %sub3A_300 = arith.subf %get3A_295, %get3A_299 : vector<16xf32>
      %mul3A_301 = arith.mulf %sub3A_300, %sub3A_300 : vector<16xf32>
      %add3A_302 = arith.addf %add3A_282, %mul3A_301 : vector<16xf32>
      %mul3A_303 = arith.constant 1.000000e-03 : f32
      %mul3A_304 = vector.broadcast %mul3A_303 : f32 to vector<16xf32>
      %mul3A_305 = arith.mulf %mul3A_304, %sub3A_300 : vector<16xf32>
      %add3A_306 = arith.addf %get3A_299, %mul3A_305 : vector<16xf32>
      %swap3A_307 = arith.index_cast %scan3A_111 : i32 to index
      %swap3A_308 = arith.constant 144 : index
      %swap3A_309 = tpu.vector_load %arg10[%swap3A_307, %swap3A_308] {strides = array<i32>} : memref<128x256xf32, #tpu.memory_space<vmem>>, vector<1x16xf32>,
      %swap3A_310 = vector.shape_cast %swap3A_309 : vector<1x16xf32> to vector<16xf32>
      %swap3A_311 = vector.shape_cast %add3A_306 : vector<16xf32> to vector<1x16xf32>
      tpu.vector_store %arg10[%swap3A_307, %swap3A_308], %swap3A_311 {strides = array<i32>} : memref<128x256xf32, #tpu.memory_space<vmem>>, vector<1x16xf32>,
      %get3A_312 = arith.index_cast %scan3A_111 : i32 to index
      %get3A_313 = arith.constant 160 : index
      %get3A_314 = tpu.vector_load %arg9[%get3A_312, %get3A_313] {strides = array<i32>} : memref<128x256xf32, #tpu.memory_space<vmem>>, vector<1x16xf32>,
      %get3A_315 = vector.shape_cast %get3A_314 : vector<1x16xf32> to vector<16xf32>
      %get3A_316 = arith.index_cast %scan3A_111 : i32 to index
      %get3A_317 = arith.constant 160 : index
      %get3A_318 = tpu.vector_load %arg10[%get3A_316, %get3A_317] {strides = array<i32>} : memref<128x256xf32, #tpu.memory_space<vmem>>, vector<1x16xf32>,
      %get3A_319 = vector.shape_cast %get3A_318 : vector<1x16xf32> to vector<16xf32>
      %sub3A_320 = arith.subf %get3A_315, %get3A_319 : vector<16xf32>
      %mul3A_321 = arith.mulf %sub3A_320, %sub3A_320 : vector<16xf32>
      %add3A_322 = arith.addf %add3A_302, %mul3A_321 : vector<16xf32>
      %mul3A_323 = arith.constant 1.000000e-03 : f32
      %mul3A_324 = vector.broadcast %mul3A_323 : f32 to vector<16xf32>
      %mul3A_325 = arith.mulf %mul3A_324, %sub3A_320 : vector<16xf32>
      %add3A_326 = arith.addf %get3A_319, %mul3A_325 : vector<16xf32>
      %swap3A_327 = arith.index_cast %scan3A_111 : i32 to index
      %swap3A_328 = arith.constant 160 : index
      %swap3A_329 = tpu.vector_load %arg10[%swap3A_327, %swap3A_328] {strides = array<i32>} : memref<128x256xf32, #tpu.memory_space<vmem>>, vector<1x16xf32>,
      %swap3A_330 = vector.shape_cast %swap3A_329 : vector<1x16xf32> to vector<16xf32>
      %swap3A_331 = vector.shape_cast %add3A_326 : vector<16xf32> to vector<1x16xf32>
      tpu.vector_store %arg10[%swap3A_327, %swap3A_328], %swap3A_331 {strides = array<i32>} : memref<128x256xf32, #tpu.memory_space<vmem>>, vector<1x16xf32>,
      %get3A_332 = arith.index_cast %scan3A_111 : i32 to index
      %get3A_333 = arith.constant 176 : index
      %get3A_334 = tpu.vector_load %arg9[%get3A_332, %get3A_333] {strides = array<i32>} : memref<128x256xf32, #tpu.memory_space<vmem>>, vector<1x16xf32>,
      %get3A_335 = vector.shape_cast %get3A_334 : vector<1x16xf32> to vector<16xf32>
      %get3A_336 = arith.index_cast %scan3A_111 : i32 to index
      %get3A_337 = arith.constant 176 : index
      %get3A_338 = tpu.vector_load %arg10[%get3A_336, %get3A_337] {strides = array<i32>} : memref<128x256xf32, #tpu.memory_space<vmem>>, vector<1x16xf32>,
      %get3A_339 = vector.shape_cast %get3A_338 : vector<1x16xf32> to vector<16xf32>
      %sub3A_340 = arith.subf %get3A_335, %get3A_339 : vector<16xf32>
      %mul3A_341 = arith.mulf %sub3A_340, %sub3A_340 : vector<16xf32>
      %add3A_342 = arith.addf %add3A_322, %mul3A_341 : vector<16xf32>
      %mul3A_343 = arith.constant 1.000000e-03 : f32
      %mul3A_344 = vector.broadcast %mul3A_343 : f32 to vector<16xf32>
      %mul3A_345 = arith.mulf %mul3A_344, %sub3A_340 : vector<16xf32>
      %add3A_346 = arith.addf %get3A_339, %mul3A_345 : vector<16xf32>
      %swap3A_347 = arith.index_cast %scan3A_111 : i32 to index
      %swap3A_348 = arith.constant 176 : index
      %swap3A_349 = tpu.vector_load %arg10[%swap3A_347, %swap3A_348] {strides = array<i32>} : memref<128x256xf32, #tpu.memory_space<vmem>>, vector<1x16xf32>,
      %swap3A_350 = vector.shape_cast %swap3A_349 : vector<1x16xf32> to vector<16xf32>
      %swap3A_351 = vector.shape_cast %add3A_346 : vector<16xf32> to vector<1x16xf32>
      tpu.vector_store %arg10[%swap3A_347, %swap3A_348], %swap3A_351 {strides = array<i32>} : memref<128x256xf32, #tpu.memory_space<vmem>>, vector<1x16xf32>,
      %get3A_352 = arith.index_cast %scan3A_111 : i32 to index
      %get3A_353 = arith.constant 192 : index
      %get3A_354 = tpu.vector_load %arg9[%get3A_352, %get3A_353] {strides = array<i32>} : memref<128x256xf32, #tpu.memory_space<vmem>>, vector<1x16xf32>,
      %get3A_355 = vector.shape_cast %get3A_354 : vector<1x16xf32> to vector<16xf32>
      %get3A_356 = arith.index_cast %scan3A_111 : i32 to index
      %get3A_357 = arith.constant 192 : index
      %get3A_358 = tpu.vector_load %arg10[%get3A_356, %get3A_357] {strides = array<i32>} : memref<128x256xf32, #tpu.memory_space<vmem>>, vector<1x16xf32>,
      %get3A_359 = vector.shape_cast %get3A_358 : vector<1x16xf32> to vector<16xf32>
      %sub3A_360 = arith.subf %get3A_355, %get3A_359 : vector<16xf32>
      %mul3A_361 = arith.mulf %sub3A_360, %sub3A_360 : vector<16xf32>
      %add3A_362 = arith.addf %add3A_342, %mul3A_361 : vector<16xf32>
      %mul3A_363 = arith.constant 1.000000e-03 : f32
      %mul3A_364 = vector.broadcast %mul3A_363 : f32 to vector<16xf32>
      %mul3A_365 = arith.mulf %mul3A_364, %sub3A_360 : vector<16xf32>
      %add3A_366 = arith.addf %get3A_359, %mul3A_365 : vector<16xf32>
      %swap3A_367 = arith.index_cast %scan3A_111 : i32 to index
      %swap3A_368 = arith.constant 192 : index
      %swap3A_369 = tpu.vector_load %arg10[%swap3A_367, %swap3A_368] {strides = array<i32>} : memref<128x256xf32, #tpu.memory_space<vmem>>, vector<1x16xf32>,
      %swap3A_370 = vector.shape_cast %swap3A_369 : vector<1x16xf32> to vector<16xf32>
      %swap3A_371 = vector.shape_cast %add3A_366 : vector<16xf32> to vector<1x16xf32>
      tpu.vector_store %arg10[%swap3A_367, %swap3A_368], %swap3A_371 {strides = array<i32>} : memref<128x256xf32, #tpu.memory_space<vmem>>, vector<1x16xf32>,
      %get3A_372 = arith.index_cast %scan3A_111 : i32 to index
      %get3A_373 = arith.constant 208 : index
      %get3A_374 = tpu.vector_load %arg9[%get3A_372, %get3A_373] {strides = array<i32>} : memref<128x256xf32, #tpu.memory_space<vmem>>, vector<1x16xf32>,
      %get3A_375 = vector.shape_cast %get3A_374 : vector<1x16xf32> to vector<16xf32>
      %get3A_376 = arith.index_cast %scan3A_111 : i32 to index
      %get3A_377 = arith.constant 208 : index
      %get3A_378 = tpu.vector_load %arg10[%get3A_376, %get3A_377] {strides = array<i32>} : memref<128x256xf32, #tpu.memory_space<vmem>>, vector<1x16xf32>,
      %get3A_379 = vector.shape_cast %get3A_378 : vector<1x16xf32> to vector<16xf32>
      %sub3A_380 = arith.subf %get3A_375, %get3A_379 : vector<16xf32>
      %mul3A_381 = arith.mulf %sub3A_380, %sub3A_380 : vector<16xf32>
      %add3A_382 = arith.addf %add3A_362, %mul3A_381 : vector<16xf32>
      %mul3A_383 = arith.constant 1.000000e-03 : f32
      %mul3A_384 = vector.broadcast %mul3A_383 : f32 to vector<16xf32>
      %mul3A_385 = arith.mulf %mul3A_384, %sub3A_380 : vector<16xf32>
      %add3A_386 = arith.addf %get3A_379, %mul3A_385 : vector<16xf32>
      %swap3A_387 = arith.index_cast %scan3A_111 : i32 to index
      %swap3A_388 = arith.constant 208 : index
      %swap3A_389 = tpu.vector_load %arg10[%swap3A_387, %swap3A_388] {strides = array<i32>} : memref<128x256xf32, #tpu.memory_space<vmem>>, vector<1x16xf32>,
      %swap3A_390 = vector.shape_cast %swap3A_389 : vector<1x16xf32> to vector<16xf32>
      %swap3A_391 = vector.shape_cast %add3A_386 : vector<16xf32> to vector<1x16xf32>
      tpu.vector_store %arg10[%swap3A_387, %swap3A_388], %swap3A_391 {strides = array<i32>} : memref<128x256xf32, #tpu.memory_space<vmem>>, vector<1x16xf32>,
      %get3A_392 = arith.index_cast %scan3A_111 : i32 to index
      %get3A_393 = arith.constant 224 : index
      %get3A_394 = tpu.vector_load %arg9[%get3A_392, %get3A_393] {strides = array<i32>} : memref<128x256xf32, #tpu.memory_space<vmem>>, vector<1x16xf32>,
      %get3A_395 = vector.shape_cast %get3A_394 : vector<1x16xf32> to vector<16xf32>
      %get3A_396 = arith.index_cast %scan3A_111 : i32 to index
      %get3A_397 = arith.constant 224 : index
      %get3A_398 = tpu.vector_load %arg10[%get3A_396, %get3A_397] {strides = array<i32>} : memref<128x256xf32, #tpu.memory_space<vmem>>, vector<1x16xf32>,
      %get3A_399 = vector.shape_cast %get3A_398 : vector<1x16xf32> to vector<16xf32>
      %sub3A_400 = arith.subf %get3A_395, %get3A_399 : vector<16xf32>
      %mul3A_401 = arith.mulf %sub3A_400, %sub3A_400 : vector<16xf32>
      %add3A_402 = arith.addf %add3A_382, %mul3A_401 : vector<16xf32>
      %mul3A_403 = arith.constant 1.000000e-03 : f32
      %mul3A_404 = vector.broadcast %mul3A_403 : f32 to vector<16xf32>
      %mul3A_405 = arith.mulf %mul3A_404, %sub3A_400 : vector<16xf32>
      %add3A_406 = arith.addf %get3A_399, %mul3A_405 : vector<16xf32>
      %swap3A_407 = arith.index_cast %scan3A_111 : i32 to index
      %swap3A_408 = arith.constant 224 : index
      %swap3A_409 = tpu.vector_load %arg10[%swap3A_407, %swap3A_408] {strides = array<i32>} : memref<128x256xf32, #tpu.memory_space<vmem>>, vector<1x16xf32>,
      %swap3A_410 = vector.shape_cast %swap3A_409 : vector<1x16xf32> to vector<16xf32>
      %swap3A_411 = vector.shape_cast %add3A_406 : vector<16xf32> to vector<1x16xf32>
      tpu.vector_store %arg10[%swap3A_407, %swap3A_408], %swap3A_411 {strides = array<i32>} : memref<128x256xf32, #tpu.memory_space<vmem>>, vector<1x16xf32>,
      %get3A_412 = arith.index_cast %scan3A_111 : i32 to index
      %get3A_413 = arith.constant 240 : index
      %get3A_414 = tpu.vector_load %arg9[%get3A_412, %get3A_413] {strides = array<i32>} : memref<128x256xf32, #tpu.memory_space<vmem>>, vector<1x16xf32>,
      %get3A_415 = vector.shape_cast %get3A_414 : vector<1x16xf32> to vector<16xf32>
      %get3A_416 = arith.index_cast %scan3A_111 : i32 to index
      %get3A_417 = arith.constant 240 : index
      %get3A_418 = tpu.vector_load %arg10[%get3A_416, %get3A_417] {strides = array<i32>} : memref<128x256xf32, #tpu.memory_space<vmem>>, vector<1x16xf32>,
      %get3A_419 = vector.shape_cast %get3A_418 : vector<1x16xf32> to vector<16xf32>
      %sub3A_420 = arith.subf %get3A_415, %get3A_419 : vector<16xf32>
      %mul3A_421 = arith.mulf %sub3A_420, %sub3A_420 : vector<16xf32>
      %add3A_422 = arith.addf %add3A_402, %mul3A_421 : vector<16xf32>
      %mul3A_423 = arith.constant 1.000000e-03 : f32
      %mul3A_424 = vector.broadcast %mul3A_423 : f32 to vector<16xf32>
      %mul3A_425 = arith.mulf %mul3A_424, %sub3A_420 : vector<16xf32>
      %add3A_426 = arith.addf %get3A_419, %mul3A_425 : vector<16xf32>
      %swap3A_427 = arith.index_cast %scan3A_111 : i32 to index
      %swap3A_428 = arith.constant 240 : index
      %swap3A_429 = tpu.vector_load %arg10[%swap3A_427, %swap3A_428] {strides = array<i32>} : memref<128x256xf32, #tpu.memory_space<vmem>>, vector<1x16xf32>,
      %swap3A_430 = vector.shape_cast %swap3A_429 : vector<1x16xf32> to vector<16xf32>
      %swap3A_431 = vector.shape_cast %add3A_426 : vector<16xf32> to vector<1x16xf32>
      tpu.vector_store %arg10[%swap3A_427, %swap3A_428], %swap3A_431 {strides = array<i32>} : memref<128x256xf32, #tpu.memory_space<vmem>>, vector<1x16xf32>,
      scf.yield %add3A_422 : vector<16xf32>
    }
    %scan3A_46 = arith.constant 128 : i32
    %swap3A_47 = arith.constant 0 : index
    %swap3A_48 = tpu.vector_load %arg11[%swap3A_47] {strides = array<i32>} : memref<16xf32, #tpu.memory_space<vmem>>, vector<16xf32>,
    %swap3A_49 = vector.shape_cast %swap3A_48 : vector<16xf32> to vector<16xf32>
    %swap3A_50 = vector.shape_cast %scan3A_45 : vector<16xf32> to vector<16xf32>
    tpu.vector_store %arg11[%swap3A_47], %swap3A_50 {strides = array<i32>} : memref<16xf32, #tpu.memory_space<vmem>>, vector<16xf32>,
    %dma_start3A_51 = arith.constant 0 : i32
    %dma_start3A_52 = arith.constant 0 : i32
    %dma_start3A_53 = tpu.memref_slice %arg5[%dma_start3A_51, %dma_start3A_52] : memref<8192x256xf32, #tpu.memory_space<hbm>> -> memref<8192x256xf32, #tpu.memory_space<hbm>>
    tpu.enqueue_indirect_dma source(%arg10 : memref<128x256xf32, #tpu.memory_space<vmem>>) target(%dma_start3A_53 : memref<8192x256xf32, #tpu.memory_space<hbm>>) offsets(%arg8 : memref<128xi32, #tpu.memory_space<vmem>>) semaphore(%arg12 : memref<!tpu.dma_semaphore, #tpu.memory_space<semaphore_mem>>)
    %dma_wait3A_54 = arith.constant 0 : i32
    %dma_wait3A_55 = arith.constant 0 : i32
    %dma_wait3A_56 = tpu.memref_slice %arg5[%dma_wait3A_54, %dma_wait3A_55] : memref<8192x256xf32, #tpu.memory_space<hbm>> -> memref<8192x256xf32, #tpu.memory_space<hbm>>
    tpu.wait_indirect_dma semaphore(%arg12 : memref<!tpu.dma_semaphore, #tpu.memory_space<semaphore_mem>>) src(%arg10 : memref<128x256xf32, #tpu.memory_space<vmem>>) dst(%dma_wait3A_56 : memref<8192x256xf32, #tpu.memory_space<hbm>>)
    %add3A_57 = arith.constant 256 : i32
    %add3A_58 = arith.addi %mul3A_2, %add3A_57 : i32
    "tpu.region"() ({
      %run_scoped3A = tpu.sem_alloc : memref<!tpu.dma_semaphore, #tpu.memory_space<semaphore_mem>>
      %dma_start3A_111 = tpu.memref_slice %arg3[%add3A_58] : memref<16384xi32, #tpu.memory_space<hbm>> -> memref<128xi32, #tpu.memory_space<hbm>>
      %dma_start3A_112 = tpu.memref_slice %arg3[%add3A_58] : memref<16384xi32, #tpu.memory_space<hbm>> -> memref<128xi32, #tpu.memory_space<hbm>>
      tpu.enqueue_dma source(%dma_start3A_112 : memref<128xi32, #tpu.memory_space<hbm>>) target(%arg8 : memref<128xi32, #tpu.memory_space<vmem>>) target_semaphore(%run_scoped3A : memref<!tpu.dma_semaphore, #tpu.memory_space<semaphore_mem>>)
      %dma_wait3A_113 = tpu.memref_slice %arg3[%add3A_58] : memref<16384xi32, #tpu.memory_space<hbm>> -> memref<128xi32, #tpu.memory_space<hbm>>
      %dma_wait3A_114 = tpu.memref_slice %arg3[%add3A_58] : memref<16384xi32, #tpu.memory_space<hbm>> -> memref<128xi32, #tpu.memory_space<hbm>>
      tpu.wait_dma2 semaphore(%run_scoped3A : memref<!tpu.dma_semaphore, #tpu.memory_space<semaphore_mem>>) src(%dma_wait3A_114 : memref<128xi32, #tpu.memory_space<hbm>>) dst(%arg8 : memref<128xi32, #tpu.memory_space<vmem>>)
      tpu.yield
    }) : () -> ()
    "tpu.region"() ({
      %run_scoped3A = tpu.sem_alloc : memref<!tpu.dma_semaphore, #tpu.memory_space<semaphore_mem>>
      %dma_start3A_111 = arith.constant 0 : i32
      %dma_start3A_112 = tpu.memref_slice %arg2[%add3A_58, %dma_start3A_111] : memref<16384x256xf32, #tpu.memory_space<hbm>> -> memref<128x256xf32, #tpu.memory_space<hbm>>
      %dma_start3A_113 = arith.constant 0 : i32
      %dma_start3A_114 = tpu.memref_slice %arg2[%add3A_58, %dma_start3A_113] : memref<16384x256xf32, #tpu.memory_space<hbm>> -> memref<128x256xf32, #tpu.memory_space<hbm>>
      tpu.enqueue_dma source(%dma_start3A_114 : memref<128x256xf32, #tpu.memory_space<hbm>>) target(%arg9 : memref<128x256xf32, #tpu.memory_space<vmem>>) target_semaphore(%run_scoped3A : memref<!tpu.dma_semaphore, #tpu.memory_space<semaphore_mem>>)
      %dma_wait3A_115 = arith.constant 0 : i32
      %dma_wait3A_116 = tpu.memref_slice %arg2[%add3A_58, %dma_wait3A_115] : memref<16384x256xf32, #tpu.memory_space<hbm>> -> memref<128x256xf32, #tpu.memory_space<hbm>>
      %dma_wait3A_117 = arith.constant 0 : i32
      %dma_wait3A_118 = tpu.memref_slice %arg2[%add3A_58, %dma_wait3A_117] : memref<16384x256xf32, #tpu.memory_space<hbm>> -> memref<128x256xf32, #tpu.memory_space<hbm>>
      tpu.wait_dma2 semaphore(%run_scoped3A : memref<!tpu.dma_semaphore, #tpu.memory_space<semaphore_mem>>) src(%dma_wait3A_118 : memref<128x256xf32, #tpu.memory_space<hbm>>) dst(%arg9 : memref<128x256xf32, #tpu.memory_space<vmem>>)
      tpu.yield
    }) : () -> ()
    %dma_start3A_59 = arith.constant 0 : i32
    %dma_start3A_60 = arith.constant 0 : i32
    %dma_start3A_61 = tpu.memref_slice %arg4[%dma_start3A_59, %dma_start3A_60] : memref<8192x256xf32, #tpu.memory_space<hbm>> -> memref<8192x256xf32, #tpu.memory_space<hbm>>
    tpu.enqueue_indirect_dma source(%dma_start3A_61 : memref<8192x256xf32, #tpu.memory_space<hbm>>) target(%arg10 : memref<128x256xf32, #tpu.memory_space<vmem>>) offsets(%arg8 : memref<128xi32, #tpu.memory_space<vmem>>) semaphore(%arg12 : memref<!tpu.dma_semaphore, #tpu.memory_space<semaphore_mem>>)
    %dma_wait3A_62 = arith.constant 0 : i32
    %dma_wait3A_63 = arith.constant 0 : i32
    %dma_wait3A_64 = tpu.memref_slice %arg4[%dma_wait3A_62, %dma_wait3A_63] : memref<8192x256xf32, #tpu.memory_space<hbm>> -> memref<8192x256xf32, #tpu.memory_space<hbm>>
    tpu.wait_indirect_dma semaphore(%arg12 : memref<!tpu.dma_semaphore, #tpu.memory_space<semaphore_mem>>) src(%dma_wait3A_64 : memref<8192x256xf32, #tpu.memory_space<hbm>>) dst(%arg10 : memref<128x256xf32, #tpu.memory_space<vmem>>)
    %get3A_65 = arith.constant 0 : index
    %get3A_66 = tpu.vector_load %arg11[%get3A_65] {strides = array<i32>} : memref<16xf32, #tpu.memory_space<vmem>>, vector<16xf32>,
    %get3A_67 = vector.shape_cast %get3A_66 : vector<16xf32> to vector<16xf32>
    %scan3A_68 = arith.constant 0 : i32
    %scan3A_69 = arith.constant 128 : i32
    %scan3A_70 = arith.addi %scan3A_68, %scan3A_69 : i32
    %scan3A_71 = arith.constant 1 : i32
    %scan3A_72 = scf.for %scan3A_111 = %scan3A_68 to %scan3A_70 step %scan3A_71 iter_args(%scan3A_112 = %get3A_67) -> (vector<16xf32>)  : i32 {
      %get3A_113 = arith.index_cast %scan3A_111 : i32 to index
      %get3A_114 = arith.constant 0 : index
      %get3A_115 = tpu.vector_load %arg9[%get3A_113, %get3A_114] {strides = array<i32>} : memref<128x256xf32, #tpu.memory_space<vmem>>, vector<1x16xf32>,
      %get3A_116 = vector.shape_cast %get3A_115 : vector<1x16xf32> to vector<16xf32>
      %get3A_117 = arith.index_cast %scan3A_111 : i32 to index
      %get3A_118 = arith.constant 0 : index
      %get3A_119 = tpu.vector_load %arg10[%get3A_117, %get3A_118] {strides = array<i32>} : memref<128x256xf32, #tpu.memory_space<vmem>>, vector<1x16xf32>,
      %get3A_120 = vector.shape_cast %get3A_119 : vector<1x16xf32> to vector<16xf32>
      %sub3A = arith.subf %get3A_116, %get3A_120 : vector<16xf32>
      %mul3A_121 = arith.mulf %sub3A, %sub3A : vector<16xf32>
      %add3A_122 = arith.addf %scan3A_112, %mul3A_121 : vector<16xf32>
      %mul3A_123 = arith.constant 1.000000e-03 : f32
      %mul3A_124 = vector.broadcast %mul3A_123 : f32 to vector<16xf32>
      %mul3A_125 = arith.mulf %mul3A_124, %sub3A : vector<16xf32>
      %add3A_126 = arith.addf %get3A_120, %mul3A_125 : vector<16xf32>
      %swap3A_127 = arith.index_cast %scan3A_111 : i32 to index
      %swap3A_128 = arith.constant 0 : index
      %swap3A_129 = tpu.vector_load %arg10[%swap3A_127, %swap3A_128] {strides = array<i32>} : memref<128x256xf32, #tpu.memory_space<vmem>>, vector<1x16xf32>,
      %swap3A_130 = vector.shape_cast %swap3A_129 : vector<1x16xf32> to vector<16xf32>
      %swap3A_131 = vector.shape_cast %add3A_126 : vector<16xf32> to vector<1x16xf32>
      tpu.vector_store %arg10[%swap3A_127, %swap3A_128], %swap3A_131 {strides = array<i32>} : memref<128x256xf32, #tpu.memory_space<vmem>>, vector<1x16xf32>,
      %get3A_132 = arith.index_cast %scan3A_111 : i32 to index
      %get3A_133 = arith.constant 16 : index
      %get3A_134 = tpu.vector_load %arg9[%get3A_132, %get3A_133] {strides = array<i32>} : memref<128x256xf32, #tpu.memory_space<vmem>>, vector<1x16xf32>,
      %get3A_135 = vector.shape_cast %get3A_134 : vector<1x16xf32> to vector<16xf32>
      %get3A_136 = arith.index_cast %scan3A_111 : i32 to index
      %get3A_137 = arith.constant 16 : index
      %get3A_138 = tpu.vector_load %arg10[%get3A_136, %get3A_137] {strides = array<i32>} : memref<128x256xf32, #tpu.memory_space<vmem>>, vector<1x16xf32>,
      %get3A_139 = vector.shape_cast %get3A_138 : vector<1x16xf32> to vector<16xf32>
      %sub3A_140 = arith.subf %get3A_135, %get3A_139 : vector<16xf32>
      %mul3A_141 = arith.mulf %sub3A_140, %sub3A_140 : vector<16xf32>
      %add3A_142 = arith.addf %add3A_122, %mul3A_141 : vector<16xf32>
      %mul3A_143 = arith.constant 1.000000e-03 : f32
      %mul3A_144 = vector.broadcast %mul3A_143 : f32 to vector<16xf32>
      %mul3A_145 = arith.mulf %mul3A_144, %sub3A_140 : vector<16xf32>
      %add3A_146 = arith.addf %get3A_139, %mul3A_145 : vector<16xf32>
      %swap3A_147 = arith.index_cast %scan3A_111 : i32 to index
      %swap3A_148 = arith.constant 16 : index
      %swap3A_149 = tpu.vector_load %arg10[%swap3A_147, %swap3A_148] {strides = array<i32>} : memref<128x256xf32, #tpu.memory_space<vmem>>, vector<1x16xf32>,
      %swap3A_150 = vector.shape_cast %swap3A_149 : vector<1x16xf32> to vector<16xf32>
      %swap3A_151 = vector.shape_cast %add3A_146 : vector<16xf32> to vector<1x16xf32>
      tpu.vector_store %arg10[%swap3A_147, %swap3A_148], %swap3A_151 {strides = array<i32>} : memref<128x256xf32, #tpu.memory_space<vmem>>, vector<1x16xf32>,
      %get3A_152 = arith.index_cast %scan3A_111 : i32 to index
      %get3A_153 = arith.constant 32 : index
      %get3A_154 = tpu.vector_load %arg9[%get3A_152, %get3A_153] {strides = array<i32>} : memref<128x256xf32, #tpu.memory_space<vmem>>, vector<1x16xf32>,
      %get3A_155 = vector.shape_cast %get3A_154 : vector<1x16xf32> to vector<16xf32>
      %get3A_156 = arith.index_cast %scan3A_111 : i32 to index
      %get3A_157 = arith.constant 32 : index
      %get3A_158 = tpu.vector_load %arg10[%get3A_156, %get3A_157] {strides = array<i32>} : memref<128x256xf32, #tpu.memory_space<vmem>>, vector<1x16xf32>,
      %get3A_159 = vector.shape_cast %get3A_158 : vector<1x16xf32> to vector<16xf32>
      %sub3A_160 = arith.subf %get3A_155, %get3A_159 : vector<16xf32>
      %mul3A_161 = arith.mulf %sub3A_160, %sub3A_160 : vector<16xf32>
      %add3A_162 = arith.addf %add3A_142, %mul3A_161 : vector<16xf32>
      %mul3A_163 = arith.constant 1.000000e-03 : f32
      %mul3A_164 = vector.broadcast %mul3A_163 : f32 to vector<16xf32>
      %mul3A_165 = arith.mulf %mul3A_164, %sub3A_160 : vector<16xf32>
      %add3A_166 = arith.addf %get3A_159, %mul3A_165 : vector<16xf32>
      %swap3A_167 = arith.index_cast %scan3A_111 : i32 to index
      %swap3A_168 = arith.constant 32 : index
      %swap3A_169 = tpu.vector_load %arg10[%swap3A_167, %swap3A_168] {strides = array<i32>} : memref<128x256xf32, #tpu.memory_space<vmem>>, vector<1x16xf32>,
      %swap3A_170 = vector.shape_cast %swap3A_169 : vector<1x16xf32> to vector<16xf32>
      %swap3A_171 = vector.shape_cast %add3A_166 : vector<16xf32> to vector<1x16xf32>
      tpu.vector_store %arg10[%swap3A_167, %swap3A_168], %swap3A_171 {strides = array<i32>} : memref<128x256xf32, #tpu.memory_space<vmem>>, vector<1x16xf32>,
      %get3A_172 = arith.index_cast %scan3A_111 : i32 to index
      %get3A_173 = arith.constant 48 : index
      %get3A_174 = tpu.vector_load %arg9[%get3A_172, %get3A_173] {strides = array<i32>} : memref<128x256xf32, #tpu.memory_space<vmem>>, vector<1x16xf32>,
      %get3A_175 = vector.shape_cast %get3A_174 : vector<1x16xf32> to vector<16xf32>
      %get3A_176 = arith.index_cast %scan3A_111 : i32 to index
      %get3A_177 = arith.constant 48 : index
      %get3A_178 = tpu.vector_load %arg10[%get3A_176, %get3A_177] {strides = array<i32>} : memref<128x256xf32, #tpu.memory_space<vmem>>, vector<1x16xf32>,
      %get3A_179 = vector.shape_cast %get3A_178 : vector<1x16xf32> to vector<16xf32>
      %sub3A_180 = arith.subf %get3A_175, %get3A_179 : vector<16xf32>
      %mul3A_181 = arith.mulf %sub3A_180, %sub3A_180 : vector<16xf32>
      %add3A_182 = arith.addf %add3A_162, %mul3A_181 : vector<16xf32>
      %mul3A_183 = arith.constant 1.000000e-03 : f32
      %mul3A_184 = vector.broadcast %mul3A_183 : f32 to vector<16xf32>
      %mul3A_185 = arith.mulf %mul3A_184, %sub3A_180 : vector<16xf32>
      %add3A_186 = arith.addf %get3A_179, %mul3A_185 : vector<16xf32>
      %swap3A_187 = arith.index_cast %scan3A_111 : i32 to index
      %swap3A_188 = arith.constant 48 : index
      %swap3A_189 = tpu.vector_load %arg10[%swap3A_187, %swap3A_188] {strides = array<i32>} : memref<128x256xf32, #tpu.memory_space<vmem>>, vector<1x16xf32>,
      %swap3A_190 = vector.shape_cast %swap3A_189 : vector<1x16xf32> to vector<16xf32>
      %swap3A_191 = vector.shape_cast %add3A_186 : vector<16xf32> to vector<1x16xf32>
      tpu.vector_store %arg10[%swap3A_187, %swap3A_188], %swap3A_191 {strides = array<i32>} : memref<128x256xf32, #tpu.memory_space<vmem>>, vector<1x16xf32>,
      %get3A_192 = arith.index_cast %scan3A_111 : i32 to index
      %get3A_193 = arith.constant 64 : index
      %get3A_194 = tpu.vector_load %arg9[%get3A_192, %get3A_193] {strides = array<i32>} : memref<128x256xf32, #tpu.memory_space<vmem>>, vector<1x16xf32>,
      %get3A_195 = vector.shape_cast %get3A_194 : vector<1x16xf32> to vector<16xf32>
      %get3A_196 = arith.index_cast %scan3A_111 : i32 to index
      %get3A_197 = arith.constant 64 : index
      %get3A_198 = tpu.vector_load %arg10[%get3A_196, %get3A_197] {strides = array<i32>} : memref<128x256xf32, #tpu.memory_space<vmem>>, vector<1x16xf32>,
      %get3A_199 = vector.shape_cast %get3A_198 : vector<1x16xf32> to vector<16xf32>
      %sub3A_200 = arith.subf %get3A_195, %get3A_199 : vector<16xf32>
      %mul3A_201 = arith.mulf %sub3A_200, %sub3A_200 : vector<16xf32>
      %add3A_202 = arith.addf %add3A_182, %mul3A_201 : vector<16xf32>
      %mul3A_203 = arith.constant 1.000000e-03 : f32
      %mul3A_204 = vector.broadcast %mul3A_203 : f32 to vector<16xf32>
      %mul3A_205 = arith.mulf %mul3A_204, %sub3A_200 : vector<16xf32>
      %add3A_206 = arith.addf %get3A_199, %mul3A_205 : vector<16xf32>
      %swap3A_207 = arith.index_cast %scan3A_111 : i32 to index
      %swap3A_208 = arith.constant 64 : index
      %swap3A_209 = tpu.vector_load %arg10[%swap3A_207, %swap3A_208] {strides = array<i32>} : memref<128x256xf32, #tpu.memory_space<vmem>>, vector<1x16xf32>,
      %swap3A_210 = vector.shape_cast %swap3A_209 : vector<1x16xf32> to vector<16xf32>
      %swap3A_211 = vector.shape_cast %add3A_206 : vector<16xf32> to vector<1x16xf32>
      tpu.vector_store %arg10[%swap3A_207, %swap3A_208], %swap3A_211 {strides = array<i32>} : memref<128x256xf32, #tpu.memory_space<vmem>>, vector<1x16xf32>,
      %get3A_212 = arith.index_cast %scan3A_111 : i32 to index
      %get3A_213 = arith.constant 80 : index
      %get3A_214 = tpu.vector_load %arg9[%get3A_212, %get3A_213] {strides = array<i32>} : memref<128x256xf32, #tpu.memory_space<vmem>>, vector<1x16xf32>,
      %get3A_215 = vector.shape_cast %get3A_214 : vector<1x16xf32> to vector<16xf32>
      %get3A_216 = arith.index_cast %scan3A_111 : i32 to index
      %get3A_217 = arith.constant 80 : index
      %get3A_218 = tpu.vector_load %arg10[%get3A_216, %get3A_217] {strides = array<i32>} : memref<128x256xf32, #tpu.memory_space<vmem>>, vector<1x16xf32>,
      %get3A_219 = vector.shape_cast %get3A_218 : vector<1x16xf32> to vector<16xf32>
      %sub3A_220 = arith.subf %get3A_215, %get3A_219 : vector<16xf32>
      %mul3A_221 = arith.mulf %sub3A_220, %sub3A_220 : vector<16xf32>
      %add3A_222 = arith.addf %add3A_202, %mul3A_221 : vector<16xf32>
      %mul3A_223 = arith.constant 1.000000e-03 : f32
      %mul3A_224 = vector.broadcast %mul3A_223 : f32 to vector<16xf32>
      %mul3A_225 = arith.mulf %mul3A_224, %sub3A_220 : vector<16xf32>
      %add3A_226 = arith.addf %get3A_219, %mul3A_225 : vector<16xf32>
      %swap3A_227 = arith.index_cast %scan3A_111 : i32 to index
      %swap3A_228 = arith.constant 80 : index
      %swap3A_229 = tpu.vector_load %arg10[%swap3A_227, %swap3A_228] {strides = array<i32>} : memref<128x256xf32, #tpu.memory_space<vmem>>, vector<1x16xf32>,
      %swap3A_230 = vector.shape_cast %swap3A_229 : vector<1x16xf32> to vector<16xf32>
      %swap3A_231 = vector.shape_cast %add3A_226 : vector<16xf32> to vector<1x16xf32>
      tpu.vector_store %arg10[%swap3A_227, %swap3A_228], %swap3A_231 {strides = array<i32>} : memref<128x256xf32, #tpu.memory_space<vmem>>, vector<1x16xf32>,
      %get3A_232 = arith.index_cast %scan3A_111 : i32 to index
      %get3A_233 = arith.constant 96 : index
      %get3A_234 = tpu.vector_load %arg9[%get3A_232, %get3A_233] {strides = array<i32>} : memref<128x256xf32, #tpu.memory_space<vmem>>, vector<1x16xf32>,
      %get3A_235 = vector.shape_cast %get3A_234 : vector<1x16xf32> to vector<16xf32>
      %get3A_236 = arith.index_cast %scan3A_111 : i32 to index
      %get3A_237 = arith.constant 96 : index
      %get3A_238 = tpu.vector_load %arg10[%get3A_236, %get3A_237] {strides = array<i32>} : memref<128x256xf32, #tpu.memory_space<vmem>>, vector<1x16xf32>,
      %get3A_239 = vector.shape_cast %get3A_238 : vector<1x16xf32> to vector<16xf32>
      %sub3A_240 = arith.subf %get3A_235, %get3A_239 : vector<16xf32>
      %mul3A_241 = arith.mulf %sub3A_240, %sub3A_240 : vector<16xf32>
      %add3A_242 = arith.addf %add3A_222, %mul3A_241 : vector<16xf32>
      %mul3A_243 = arith.constant 1.000000e-03 : f32
      %mul3A_244 = vector.broadcast %mul3A_243 : f32 to vector<16xf32>
      %mul3A_245 = arith.mulf %mul3A_244, %sub3A_240 : vector<16xf32>
      %add3A_246 = arith.addf %get3A_239, %mul3A_245 : vector<16xf32>
      %swap3A_247 = arith.index_cast %scan3A_111 : i32 to index
      %swap3A_248 = arith.constant 96 : index
      %swap3A_249 = tpu.vector_load %arg10[%swap3A_247, %swap3A_248] {strides = array<i32>} : memref<128x256xf32, #tpu.memory_space<vmem>>, vector<1x16xf32>,
      %swap3A_250 = vector.shape_cast %swap3A_249 : vector<1x16xf32> to vector<16xf32>
      %swap3A_251 = vector.shape_cast %add3A_246 : vector<16xf32> to vector<1x16xf32>
      tpu.vector_store %arg10[%swap3A_247, %swap3A_248], %swap3A_251 {strides = array<i32>} : memref<128x256xf32, #tpu.memory_space<vmem>>, vector<1x16xf32>,
      %get3A_252 = arith.index_cast %scan3A_111 : i32 to index
      %get3A_253 = arith.constant 112 : index
      %get3A_254 = tpu.vector_load %arg9[%get3A_252, %get3A_253] {strides = array<i32>} : memref<128x256xf32, #tpu.memory_space<vmem>>, vector<1x16xf32>,
      %get3A_255 = vector.shape_cast %get3A_254 : vector<1x16xf32> to vector<16xf32>
      %get3A_256 = arith.index_cast %scan3A_111 : i32 to index
      %get3A_257 = arith.constant 112 : index
      %get3A_258 = tpu.vector_load %arg10[%get3A_256, %get3A_257] {strides = array<i32>} : memref<128x256xf32, #tpu.memory_space<vmem>>, vector<1x16xf32>,
      %get3A_259 = vector.shape_cast %get3A_258 : vector<1x16xf32> to vector<16xf32>
      %sub3A_260 = arith.subf %get3A_255, %get3A_259 : vector<16xf32>
      %mul3A_261 = arith.mulf %sub3A_260, %sub3A_260 : vector<16xf32>
      %add3A_262 = arith.addf %add3A_242, %mul3A_261 : vector<16xf32>
      %mul3A_263 = arith.constant 1.000000e-03 : f32
      %mul3A_264 = vector.broadcast %mul3A_263 : f32 to vector<16xf32>
      %mul3A_265 = arith.mulf %mul3A_264, %sub3A_260 : vector<16xf32>
      %add3A_266 = arith.addf %get3A_259, %mul3A_265 : vector<16xf32>
      %swap3A_267 = arith.index_cast %scan3A_111 : i32 to index
      %swap3A_268 = arith.constant 112 : index
      %swap3A_269 = tpu.vector_load %arg10[%swap3A_267, %swap3A_268] {strides = array<i32>} : memref<128x256xf32, #tpu.memory_space<vmem>>, vector<1x16xf32>,
      %swap3A_270 = vector.shape_cast %swap3A_269 : vector<1x16xf32> to vector<16xf32>
      %swap3A_271 = vector.shape_cast %add3A_266 : vector<16xf32> to vector<1x16xf32>
      tpu.vector_store %arg10[%swap3A_267, %swap3A_268], %swap3A_271 {strides = array<i32>} : memref<128x256xf32, #tpu.memory_space<vmem>>, vector<1x16xf32>,
      %get3A_272 = arith.index_cast %scan3A_111 : i32 to index
      %get3A_273 = arith.constant 128 : index
      %get3A_274 = tpu.vector_load %arg9[%get3A_272, %get3A_273] {strides = array<i32>} : memref<128x256xf32, #tpu.memory_space<vmem>>, vector<1x16xf32>,
      %get3A_275 = vector.shape_cast %get3A_274 : vector<1x16xf32> to vector<16xf32>
      %get3A_276 = arith.index_cast %scan3A_111 : i32 to index
      %get3A_277 = arith.constant 128 : index
      %get3A_278 = tpu.vector_load %arg10[%get3A_276, %get3A_277] {strides = array<i32>} : memref<128x256xf32, #tpu.memory_space<vmem>>, vector<1x16xf32>,
      %get3A_279 = vector.shape_cast %get3A_278 : vector<1x16xf32> to vector<16xf32>
      %sub3A_280 = arith.subf %get3A_275, %get3A_279 : vector<16xf32>
      %mul3A_281 = arith.mulf %sub3A_280, %sub3A_280 : vector<16xf32>
      %add3A_282 = arith.addf %add3A_262, %mul3A_281 : vector<16xf32>
      %mul3A_283 = arith.constant 1.000000e-03 : f32
      %mul3A_284 = vector.broadcast %mul3A_283 : f32 to vector<16xf32>
      %mul3A_285 = arith.mulf %mul3A_284, %sub3A_280 : vector<16xf32>
      %add3A_286 = arith.addf %get3A_279, %mul3A_285 : vector<16xf32>
      %swap3A_287 = arith.index_cast %scan3A_111 : i32 to index
      %swap3A_288 = arith.constant 128 : index
      %swap3A_289 = tpu.vector_load %arg10[%swap3A_287, %swap3A_288] {strides = array<i32>} : memref<128x256xf32, #tpu.memory_space<vmem>>, vector<1x16xf32>,
      %swap3A_290 = vector.shape_cast %swap3A_289 : vector<1x16xf32> to vector<16xf32>
      %swap3A_291 = vector.shape_cast %add3A_286 : vector<16xf32> to vector<1x16xf32>
      tpu.vector_store %arg10[%swap3A_287, %swap3A_288], %swap3A_291 {strides = array<i32>} : memref<128x256xf32, #tpu.memory_space<vmem>>, vector<1x16xf32>,
      %get3A_292 = arith.index_cast %scan3A_111 : i32 to index
      %get3A_293 = arith.constant 144 : index
      %get3A_294 = tpu.vector_load %arg9[%get3A_292, %get3A_293] {strides = array<i32>} : memref<128x256xf32, #tpu.memory_space<vmem>>, vector<1x16xf32>,
      %get3A_295 = vector.shape_cast %get3A_294 : vector<1x16xf32> to vector<16xf32>
      %get3A_296 = arith.index_cast %scan3A_111 : i32 to index
      %get3A_297 = arith.constant 144 : index
      %get3A_298 = tpu.vector_load %arg10[%get3A_296, %get3A_297] {strides = array<i32>} : memref<128x256xf32, #tpu.memory_space<vmem>>, vector<1x16xf32>,
      %get3A_299 = vector.shape_cast %get3A_298 : vector<1x16xf32> to vector<16xf32>
      %sub3A_300 = arith.subf %get3A_295, %get3A_299 : vector<16xf32>
      %mul3A_301 = arith.mulf %sub3A_300, %sub3A_300 : vector<16xf32>
      %add3A_302 = arith.addf %add3A_282, %mul3A_301 : vector<16xf32>
      %mul3A_303 = arith.constant 1.000000e-03 : f32
      %mul3A_304 = vector.broadcast %mul3A_303 : f32 to vector<16xf32>
      %mul3A_305 = arith.mulf %mul3A_304, %sub3A_300 : vector<16xf32>
      %add3A_306 = arith.addf %get3A_299, %mul3A_305 : vector<16xf32>
      %swap3A_307 = arith.index_cast %scan3A_111 : i32 to index
      %swap3A_308 = arith.constant 144 : index
      %swap3A_309 = tpu.vector_load %arg10[%swap3A_307, %swap3A_308] {strides = array<i32>} : memref<128x256xf32, #tpu.memory_space<vmem>>, vector<1x16xf32>,
      %swap3A_310 = vector.shape_cast %swap3A_309 : vector<1x16xf32> to vector<16xf32>
      %swap3A_311 = vector.shape_cast %add3A_306 : vector<16xf32> to vector<1x16xf32>
      tpu.vector_store %arg10[%swap3A_307, %swap3A_308], %swap3A_311 {strides = array<i32>} : memref<128x256xf32, #tpu.memory_space<vmem>>, vector<1x16xf32>,
      %get3A_312 = arith.index_cast %scan3A_111 : i32 to index
      %get3A_313 = arith.constant 160 : index
      %get3A_314 = tpu.vector_load %arg9[%get3A_312, %get3A_313] {strides = array<i32>} : memref<128x256xf32, #tpu.memory_space<vmem>>, vector<1x16xf32>,
      %get3A_315 = vector.shape_cast %get3A_314 : vector<1x16xf32> to vector<16xf32>
      %get3A_316 = arith.index_cast %scan3A_111 : i32 to index
      %get3A_317 = arith.constant 160 : index
      %get3A_318 = tpu.vector_load %arg10[%get3A_316, %get3A_317] {strides = array<i32>} : memref<128x256xf32, #tpu.memory_space<vmem>>, vector<1x16xf32>,
      %get3A_319 = vector.shape_cast %get3A_318 : vector<1x16xf32> to vector<16xf32>
      %sub3A_320 = arith.subf %get3A_315, %get3A_319 : vector<16xf32>
      %mul3A_321 = arith.mulf %sub3A_320, %sub3A_320 : vector<16xf32>
      %add3A_322 = arith.addf %add3A_302, %mul3A_321 : vector<16xf32>
      %mul3A_323 = arith.constant 1.000000e-03 : f32
      %mul3A_324 = vector.broadcast %mul3A_323 : f32 to vector<16xf32>
      %mul3A_325 = arith.mulf %mul3A_324, %sub3A_320 : vector<16xf32>
      %add3A_326 = arith.addf %get3A_319, %mul3A_325 : vector<16xf32>
      %swap3A_327 = arith.index_cast %scan3A_111 : i32 to index
      %swap3A_328 = arith.constant 160 : index
      %swap3A_329 = tpu.vector_load %arg10[%swap3A_327, %swap3A_328] {strides = array<i32>} : memref<128x256xf32, #tpu.memory_space<vmem>>, vector<1x16xf32>,
      %swap3A_330 = vector.shape_cast %swap3A_329 : vector<1x16xf32> to vector<16xf32>
      %swap3A_331 = vector.shape_cast %add3A_326 : vector<16xf32> to vector<1x16xf32>
      tpu.vector_store %arg10[%swap3A_327, %swap3A_328], %swap3A_331 {strides = array<i32>} : memref<128x256xf32, #tpu.memory_space<vmem>>, vector<1x16xf32>,
      %get3A_332 = arith.index_cast %scan3A_111 : i32 to index
      %get3A_333 = arith.constant 176 : index
      %get3A_334 = tpu.vector_load %arg9[%get3A_332, %get3A_333] {strides = array<i32>} : memref<128x256xf32, #tpu.memory_space<vmem>>, vector<1x16xf32>,
      %get3A_335 = vector.shape_cast %get3A_334 : vector<1x16xf32> to vector<16xf32>
      %get3A_336 = arith.index_cast %scan3A_111 : i32 to index
      %get3A_337 = arith.constant 176 : index
      %get3A_338 = tpu.vector_load %arg10[%get3A_336, %get3A_337] {strides = array<i32>} : memref<128x256xf32, #tpu.memory_space<vmem>>, vector<1x16xf32>,
      %get3A_339 = vector.shape_cast %get3A_338 : vector<1x16xf32> to vector<16xf32>
      %sub3A_340 = arith.subf %get3A_335, %get3A_339 : vector<16xf32>
      %mul3A_341 = arith.mulf %sub3A_340, %sub3A_340 : vector<16xf32>
      %add3A_342 = arith.addf %add3A_322, %mul3A_341 : vector<16xf32>
      %mul3A_343 = arith.constant 1.000000e-03 : f32
      %mul3A_344 = vector.broadcast %mul3A_343 : f32 to vector<16xf32>
      %mul3A_345 = arith.mulf %mul3A_344, %sub3A_340 : vector<16xf32>
      %add3A_346 = arith.addf %get3A_339, %mul3A_345 : vector<16xf32>
      %swap3A_347 = arith.index_cast %scan3A_111 : i32 to index
      %swap3A_348 = arith.constant 176 : index
      %swap3A_349 = tpu.vector_load %arg10[%swap3A_347, %swap3A_348] {strides = array<i32>} : memref<128x256xf32, #tpu.memory_space<vmem>>, vector<1x16xf32>,
      %swap3A_350 = vector.shape_cast %swap3A_349 : vector<1x16xf32> to vector<16xf32>
      %swap3A_351 = vector.shape_cast %add3A_346 : vector<16xf32> to vector<1x16xf32>
      tpu.vector_store %arg10[%swap3A_347, %swap3A_348], %swap3A_351 {strides = array<i32>} : memref<128x256xf32, #tpu.memory_space<vmem>>, vector<1x16xf32>,
      %get3A_352 = arith.index_cast %scan3A_111 : i32 to index
      %get3A_353 = arith.constant 192 : index
      %get3A_354 = tpu.vector_load %arg9[%get3A_352, %get3A_353] {strides = array<i32>} : memref<128x256xf32, #tpu.memory_space<vmem>>, vector<1x16xf32>,
      %get3A_355 = vector.shape_cast %get3A_354 : vector<1x16xf32> to vector<16xf32>
      %get3A_356 = arith.index_cast %scan3A_111 : i32 to index
      %get3A_357 = arith.constant 192 : index
      %get3A_358 = tpu.vector_load %arg10[%get3A_356, %get3A_357] {strides = array<i32>} : memref<128x256xf32, #tpu.memory_space<vmem>>, vector<1x16xf32>,
      %get3A_359 = vector.shape_cast %get3A_358 : vector<1x16xf32> to vector<16xf32>
      %sub3A_360 = arith.subf %get3A_355, %get3A_359 : vector<16xf32>
      %mul3A_361 = arith.mulf %sub3A_360, %sub3A_360 : vector<16xf32>
      %add3A_362 = arith.addf %add3A_342, %mul3A_361 : vector<16xf32>
      %mul3A_363 = arith.constant 1.000000e-03 : f32
      %mul3A_364 = vector.broadcast %mul3A_363 : f32 to vector<16xf32>
      %mul3A_365 = arith.mulf %mul3A_364, %sub3A_360 : vector<16xf32>
      %add3A_366 = arith.addf %get3A_359, %mul3A_365 : vector<16xf32>
      %swap3A_367 = arith.index_cast %scan3A_111 : i32 to index
      %swap3A_368 = arith.constant 192 : index
      %swap3A_369 = tpu.vector_load %arg10[%swap3A_367, %swap3A_368] {strides = array<i32>} : memref<128x256xf32, #tpu.memory_space<vmem>>, vector<1x16xf32>,
      %swap3A_370 = vector.shape_cast %swap3A_369 : vector<1x16xf32> to vector<16xf32>
      %swap3A_371 = vector.shape_cast %add3A_366 : vector<16xf32> to vector<1x16xf32>
      tpu.vector_store %arg10[%swap3A_367, %swap3A_368], %swap3A_371 {strides = array<i32>} : memref<128x256xf32, #tpu.memory_space<vmem>>, vector<1x16xf32>,
      %get3A_372 = arith.index_cast %scan3A_111 : i32 to index
      %get3A_373 = arith.constant 208 : index
      %get3A_374 = tpu.vector_load %arg9[%get3A_372, %get3A_373] {strides = array<i32>} : memref<128x256xf32, #tpu.memory_space<vmem>>, vector<1x16xf32>,
      %get3A_375 = vector.shape_cast %get3A_374 : vector<1x16xf32> to vector<16xf32>
      %get3A_376 = arith.index_cast %scan3A_111 : i32 to index
      %get3A_377 = arith.constant 208 : index
      %get3A_378 = tpu.vector_load %arg10[%get3A_376, %get3A_377] {strides = array<i32>} : memref<128x256xf32, #tpu.memory_space<vmem>>, vector<1x16xf32>,
      %get3A_379 = vector.shape_cast %get3A_378 : vector<1x16xf32> to vector<16xf32>
      %sub3A_380 = arith.subf %get3A_375, %get3A_379 : vector<16xf32>
      %mul3A_381 = arith.mulf %sub3A_380, %sub3A_380 : vector<16xf32>
      %add3A_382 = arith.addf %add3A_362, %mul3A_381 : vector<16xf32>
      %mul3A_383 = arith.constant 1.000000e-03 : f32
      %mul3A_384 = vector.broadcast %mul3A_383 : f32 to vector<16xf32>
      %mul3A_385 = arith.mulf %mul3A_384, %sub3A_380 : vector<16xf32>
      %add3A_386 = arith.addf %get3A_379, %mul3A_385 : vector<16xf32>
      %swap3A_387 = arith.index_cast %scan3A_111 : i32 to index
      %swap3A_388 = arith.constant 208 : index
      %swap3A_389 = tpu.vector_load %arg10[%swap3A_387, %swap3A_388] {strides = array<i32>} : memref<128x256xf32, #tpu.memory_space<vmem>>, vector<1x16xf32>,
      %swap3A_390 = vector.shape_cast %swap3A_389 : vector<1x16xf32> to vector<16xf32>
      %swap3A_391 = vector.shape_cast %add3A_386 : vector<16xf32> to vector<1x16xf32>
      tpu.vector_store %arg10[%swap3A_387, %swap3A_388], %swap3A_391 {strides = array<i32>} : memref<128x256xf32, #tpu.memory_space<vmem>>, vector<1x16xf32>,
      %get3A_392 = arith.index_cast %scan3A_111 : i32 to index
      %get3A_393 = arith.constant 224 : index
      %get3A_394 = tpu.vector_load %arg9[%get3A_392, %get3A_393] {strides = array<i32>} : memref<128x256xf32, #tpu.memory_space<vmem>>, vector<1x16xf32>,
      %get3A_395 = vector.shape_cast %get3A_394 : vector<1x16xf32> to vector<16xf32>
      %get3A_396 = arith.index_cast %scan3A_111 : i32 to index
      %get3A_397 = arith.constant 224 : index
      %get3A_398 = tpu.vector_load %arg10[%get3A_396, %get3A_397] {strides = array<i32>} : memref<128x256xf32, #tpu.memory_space<vmem>>, vector<1x16xf32>,
      %get3A_399 = vector.shape_cast %get3A_398 : vector<1x16xf32> to vector<16xf32>
      %sub3A_400 = arith.subf %get3A_395, %get3A_399 : vector<16xf32>
      %mul3A_401 = arith.mulf %sub3A_400, %sub3A_400 : vector<16xf32>
      %add3A_402 = arith.addf %add3A_382, %mul3A_401 : vector<16xf32>
      %mul3A_403 = arith.constant 1.000000e-03 : f32
      %mul3A_404 = vector.broadcast %mul3A_403 : f32 to vector<16xf32>
      %mul3A_405 = arith.mulf %mul3A_404, %sub3A_400 : vector<16xf32>
      %add3A_406 = arith.addf %get3A_399, %mul3A_405 : vector<16xf32>
      %swap3A_407 = arith.index_cast %scan3A_111 : i32 to index
      %swap3A_408 = arith.constant 224 : index
      %swap3A_409 = tpu.vector_load %arg10[%swap3A_407, %swap3A_408] {strides = array<i32>} : memref<128x256xf32, #tpu.memory_space<vmem>>, vector<1x16xf32>,
      %swap3A_410 = vector.shape_cast %swap3A_409 : vector<1x16xf32> to vector<16xf32>
      %swap3A_411 = vector.shape_cast %add3A_406 : vector<16xf32> to vector<1x16xf32>
      tpu.vector_store %arg10[%swap3A_407, %swap3A_408], %swap3A_411 {strides = array<i32>} : memref<128x256xf32, #tpu.memory_space<vmem>>, vector<1x16xf32>,
      %get3A_412 = arith.index_cast %scan3A_111 : i32 to index
      %get3A_413 = arith.constant 240 : index
      %get3A_414 = tpu.vector_load %arg9[%get3A_412, %get3A_413] {strides = array<i32>} : memref<128x256xf32, #tpu.memory_space<vmem>>, vector<1x16xf32>,
      %get3A_415 = vector.shape_cast %get3A_414 : vector<1x16xf32> to vector<16xf32>
      %get3A_416 = arith.index_cast %scan3A_111 : i32 to index
      %get3A_417 = arith.constant 240 : index
      %get3A_418 = tpu.vector_load %arg10[%get3A_416, %get3A_417] {strides = array<i32>} : memref<128x256xf32, #tpu.memory_space<vmem>>, vector<1x16xf32>,
      %get3A_419 = vector.shape_cast %get3A_418 : vector<1x16xf32> to vector<16xf32>
      %sub3A_420 = arith.subf %get3A_415, %get3A_419 : vector<16xf32>
      %mul3A_421 = arith.mulf %sub3A_420, %sub3A_420 : vector<16xf32>
      %add3A_422 = arith.addf %add3A_402, %mul3A_421 : vector<16xf32>
      %mul3A_423 = arith.constant 1.000000e-03 : f32
      %mul3A_424 = vector.broadcast %mul3A_423 : f32 to vector<16xf32>
      %mul3A_425 = arith.mulf %mul3A_424, %sub3A_420 : vector<16xf32>
      %add3A_426 = arith.addf %get3A_419, %mul3A_425 : vector<16xf32>
      %swap3A_427 = arith.index_cast %scan3A_111 : i32 to index
      %swap3A_428 = arith.constant 240 : index
      %swap3A_429 = tpu.vector_load %arg10[%swap3A_427, %swap3A_428] {strides = array<i32>} : memref<128x256xf32, #tpu.memory_space<vmem>>, vector<1x16xf32>,
      %swap3A_430 = vector.shape_cast %swap3A_429 : vector<1x16xf32> to vector<16xf32>
      %swap3A_431 = vector.shape_cast %add3A_426 : vector<16xf32> to vector<1x16xf32>
      tpu.vector_store %arg10[%swap3A_427, %swap3A_428], %swap3A_431 {strides = array<i32>} : memref<128x256xf32, #tpu.memory_space<vmem>>, vector<1x16xf32>,
      scf.yield %add3A_422 : vector<16xf32>
    }
    %scan3A_73 = arith.constant 128 : i32
    %swap3A_74 = arith.constant 0 : index
    %swap3A_75 = tpu.vector_load %arg11[%swap3A_74] {strides = array<i32>} : memref<16xf32, #tpu.memory_space<vmem>>, vector<16xf32>,
    %swap3A_76 = vector.shape_cast %swap3A_75 : vector<16xf32> to vector<16xf32>
    %swap3A_77 = vector.shape_cast %scan3A_72 : vector<16xf32> to vector<16xf32>
    tpu.vector_store %arg11[%swap3A_74], %swap3A_77 {strides = array<i32>} : memref<16xf32, #tpu.memory_space<vmem>>, vector<16xf32>,
    %dma_start3A_78 = arith.constant 0 : i32
    %dma_start3A_79 = arith.constant 0 : i32
    %dma_start3A_80 = tpu.memref_slice %arg5[%dma_start3A_78, %dma_start3A_79] : memref<8192x256xf32, #tpu.memory_space<hbm>> -> memref<8192x256xf32, #tpu.memory_space<hbm>>
    tpu.enqueue_indirect_dma source(%arg10 : memref<128x256xf32, #tpu.memory_space<vmem>>) target(%dma_start3A_80 : memref<8192x256xf32, #tpu.memory_space<hbm>>) offsets(%arg8 : memref<128xi32, #tpu.memory_space<vmem>>) semaphore(%arg12 : memref<!tpu.dma_semaphore, #tpu.memory_space<semaphore_mem>>)
    %dma_wait3A_81 = arith.constant 0 : i32
    %dma_wait3A_82 = arith.constant 0 : i32
    %dma_wait3A_83 = tpu.memref_slice %arg5[%dma_wait3A_81, %dma_wait3A_82] : memref<8192x256xf32, #tpu.memory_space<hbm>> -> memref<8192x256xf32, #tpu.memory_space<hbm>>
    tpu.wait_indirect_dma semaphore(%arg12 : memref<!tpu.dma_semaphore, #tpu.memory_space<semaphore_mem>>) src(%arg10 : memref<128x256xf32, #tpu.memory_space<vmem>>) dst(%dma_wait3A_83 : memref<8192x256xf32, #tpu.memory_space<hbm>>)
    %add3A_84 = arith.constant 384 : i32
    %add3A_85 = arith.addi %mul3A_2, %add3A_84 : i32
    "tpu.region"() ({
      %run_scoped3A = tpu.sem_alloc : memref<!tpu.dma_semaphore, #tpu.memory_space<semaphore_mem>>
      %dma_start3A_111 = tpu.memref_slice %arg3[%add3A_85] : memref<16384xi32, #tpu.memory_space<hbm>> -> memref<128xi32, #tpu.memory_space<hbm>>
      %dma_start3A_112 = tpu.memref_slice %arg3[%add3A_85] : memref<16384xi32, #tpu.memory_space<hbm>> -> memref<128xi32, #tpu.memory_space<hbm>>
      tpu.enqueue_dma source(%dma_start3A_112 : memref<128xi32, #tpu.memory_space<hbm>>) target(%arg8 : memref<128xi32, #tpu.memory_space<vmem>>) target_semaphore(%run_scoped3A : memref<!tpu.dma_semaphore, #tpu.memory_space<semaphore_mem>>)
      %dma_wait3A_113 = tpu.memref_slice %arg3[%add3A_85] : memref<16384xi32, #tpu.memory_space<hbm>> -> memref<128xi32, #tpu.memory_space<hbm>>
      %dma_wait3A_114 = tpu.memref_slice %arg3[%add3A_85] : memref<16384xi32, #tpu.memory_space<hbm>> -> memref<128xi32, #tpu.memory_space<hbm>>
      tpu.wait_dma2 semaphore(%run_scoped3A : memref<!tpu.dma_semaphore, #tpu.memory_space<semaphore_mem>>) src(%dma_wait3A_114 : memref<128xi32, #tpu.memory_space<hbm>>) dst(%arg8 : memref<128xi32, #tpu.memory_space<vmem>>)
      tpu.yield
    }) : () -> ()
    "tpu.region"() ({
      %run_scoped3A = tpu.sem_alloc : memref<!tpu.dma_semaphore, #tpu.memory_space<semaphore_mem>>
      %dma_start3A_111 = arith.constant 0 : i32
      %dma_start3A_112 = tpu.memref_slice %arg2[%add3A_85, %dma_start3A_111] : memref<16384x256xf32, #tpu.memory_space<hbm>> -> memref<128x256xf32, #tpu.memory_space<hbm>>
      %dma_start3A_113 = arith.constant 0 : i32
      %dma_start3A_114 = tpu.memref_slice %arg2[%add3A_85, %dma_start3A_113] : memref<16384x256xf32, #tpu.memory_space<hbm>> -> memref<128x256xf32, #tpu.memory_space<hbm>>
      tpu.enqueue_dma source(%dma_start3A_114 : memref<128x256xf32, #tpu.memory_space<hbm>>) target(%arg9 : memref<128x256xf32, #tpu.memory_space<vmem>>) target_semaphore(%run_scoped3A : memref<!tpu.dma_semaphore, #tpu.memory_space<semaphore_mem>>)
      %dma_wait3A_115 = arith.constant 0 : i32
      %dma_wait3A_116 = tpu.memref_slice %arg2[%add3A_85, %dma_wait3A_115] : memref<16384x256xf32, #tpu.memory_space<hbm>> -> memref<128x256xf32, #tpu.memory_space<hbm>>
      %dma_wait3A_117 = arith.constant 0 : i32
      %dma_wait3A_118 = tpu.memref_slice %arg2[%add3A_85, %dma_wait3A_117] : memref<16384x256xf32, #tpu.memory_space<hbm>> -> memref<128x256xf32, #tpu.memory_space<hbm>>
      tpu.wait_dma2 semaphore(%run_scoped3A : memref<!tpu.dma_semaphore, #tpu.memory_space<semaphore_mem>>) src(%dma_wait3A_118 : memref<128x256xf32, #tpu.memory_space<hbm>>) dst(%arg9 : memref<128x256xf32, #tpu.memory_space<vmem>>)
      tpu.yield
    }) : () -> ()
    %dma_start3A_86 = arith.constant 0 : i32
    %dma_start3A_87 = arith.constant 0 : i32
    %dma_start3A_88 = tpu.memref_slice %arg4[%dma_start3A_86, %dma_start3A_87] : memref<8192x256xf32, #tpu.memory_space<hbm>> -> memref<8192x256xf32, #tpu.memory_space<hbm>>
    tpu.enqueue_indirect_dma source(%dma_start3A_88 : memref<8192x256xf32, #tpu.memory_space<hbm>>) target(%arg10 : memref<128x256xf32, #tpu.memory_space<vmem>>) offsets(%arg8 : memref<128xi32, #tpu.memory_space<vmem>>) semaphore(%arg12 : memref<!tpu.dma_semaphore, #tpu.memory_space<semaphore_mem>>)
    %dma_wait3A_89 = arith.constant 0 : i32
    %dma_wait3A_90 = arith.constant 0 : i32
    %dma_wait3A_91 = tpu.memref_slice %arg4[%dma_wait3A_89, %dma_wait3A_90] : memref<8192x256xf32, #tpu.memory_space<hbm>> -> memref<8192x256xf32, #tpu.memory_space<hbm>>
    tpu.wait_indirect_dma semaphore(%arg12 : memref<!tpu.dma_semaphore, #tpu.memory_space<semaphore_mem>>) src(%dma_wait3A_91 : memref<8192x256xf32, #tpu.memory_space<hbm>>) dst(%arg10 : memref<128x256xf32, #tpu.memory_space<vmem>>)
    %get3A_92 = arith.constant 0 : index
    %get3A_93 = tpu.vector_load %arg11[%get3A_92] {strides = array<i32>} : memref<16xf32, #tpu.memory_space<vmem>>, vector<16xf32>,
    %get3A_94 = vector.shape_cast %get3A_93 : vector<16xf32> to vector<16xf32>
    %scan3A_95 = arith.constant 0 : i32
    %scan3A_96 = arith.constant 128 : i32
    %scan3A_97 = arith.addi %scan3A_95, %scan3A_96 : i32
    %scan3A_98 = arith.constant 1 : i32
    %scan3A_99 = scf.for %scan3A_111 = %scan3A_95 to %scan3A_97 step %scan3A_98 iter_args(%scan3A_112 = %get3A_94) -> (vector<16xf32>)  : i32 {
      %get3A_113 = arith.index_cast %scan3A_111 : i32 to index
      %get3A_114 = arith.constant 0 : index
      %get3A_115 = tpu.vector_load %arg9[%get3A_113, %get3A_114] {strides = array<i32>} : memref<128x256xf32, #tpu.memory_space<vmem>>, vector<1x16xf32>,
      %get3A_116 = vector.shape_cast %get3A_115 : vector<1x16xf32> to vector<16xf32>
      %get3A_117 = arith.index_cast %scan3A_111 : i32 to index
      %get3A_118 = arith.constant 0 : index
      %get3A_119 = tpu.vector_load %arg10[%get3A_117, %get3A_118] {strides = array<i32>} : memref<128x256xf32, #tpu.memory_space<vmem>>, vector<1x16xf32>,
      %get3A_120 = vector.shape_cast %get3A_119 : vector<1x16xf32> to vector<16xf32>
      %sub3A = arith.subf %get3A_116, %get3A_120 : vector<16xf32>
      %mul3A_121 = arith.mulf %sub3A, %sub3A : vector<16xf32>
      %add3A_122 = arith.addf %scan3A_112, %mul3A_121 : vector<16xf32>
      %mul3A_123 = arith.constant 1.000000e-03 : f32
      %mul3A_124 = vector.broadcast %mul3A_123 : f32 to vector<16xf32>
      %mul3A_125 = arith.mulf %mul3A_124, %sub3A : vector<16xf32>
      %add3A_126 = arith.addf %get3A_120, %mul3A_125 : vector<16xf32>
      %swap3A_127 = arith.index_cast %scan3A_111 : i32 to index
      %swap3A_128 = arith.constant 0 : index
      %swap3A_129 = tpu.vector_load %arg10[%swap3A_127, %swap3A_128] {strides = array<i32>} : memref<128x256xf32, #tpu.memory_space<vmem>>, vector<1x16xf32>,
      %swap3A_130 = vector.shape_cast %swap3A_129 : vector<1x16xf32> to vector<16xf32>
      %swap3A_131 = vector.shape_cast %add3A_126 : vector<16xf32> to vector<1x16xf32>
      tpu.vector_store %arg10[%swap3A_127, %swap3A_128], %swap3A_131 {strides = array<i32>} : memref<128x256xf32, #tpu.memory_space<vmem>>, vector<1x16xf32>,
      %get3A_132 = arith.index_cast %scan3A_111 : i32 to index
      %get3A_133 = arith.constant 16 : index
      %get3A_134 = tpu.vector_load %arg9[%get3A_132, %get3A_133] {strides = array<i32>} : memref<128x256xf32, #tpu.memory_space<vmem>>, vector<1x16xf32>,
      %get3A_135 = vector.shape_cast %get3A_134 : vector<1x16xf32> to vector<16xf32>
      %get3A_136 = arith.index_cast %scan3A_111 : i32 to index
      %get3A_137 = arith.constant 16 : index
      %get3A_138 = tpu.vector_load %arg10[%get3A_136, %get3A_137] {strides = array<i32>} : memref<128x256xf32, #tpu.memory_space<vmem>>, vector<1x16xf32>,
      %get3A_139 = vector.shape_cast %get3A_138 : vector<1x16xf32> to vector<16xf32>
      %sub3A_140 = arith.subf %get3A_135, %get3A_139 : vector<16xf32>
      %mul3A_141 = arith.mulf %sub3A_140, %sub3A_140 : vector<16xf32>
      %add3A_142 = arith.addf %add3A_122, %mul3A_141 : vector<16xf32>
      %mul3A_143 = arith.constant 1.000000e-03 : f32
      %mul3A_144 = vector.broadcast %mul3A_143 : f32 to vector<16xf32>
      %mul3A_145 = arith.mulf %mul3A_144, %sub3A_140 : vector<16xf32>
      %add3A_146 = arith.addf %get3A_139, %mul3A_145 : vector<16xf32>
      %swap3A_147 = arith.index_cast %scan3A_111 : i32 to index
      %swap3A_148 = arith.constant 16 : index
      %swap3A_149 = tpu.vector_load %arg10[%swap3A_147, %swap3A_148] {strides = array<i32>} : memref<128x256xf32, #tpu.memory_space<vmem>>, vector<1x16xf32>,
      %swap3A_150 = vector.shape_cast %swap3A_149 : vector<1x16xf32> to vector<16xf32>
      %swap3A_151 = vector.shape_cast %add3A_146 : vector<16xf32> to vector<1x16xf32>
      tpu.vector_store %arg10[%swap3A_147, %swap3A_148], %swap3A_151 {strides = array<i32>} : memref<128x256xf32, #tpu.memory_space<vmem>>, vector<1x16xf32>,
      %get3A_152 = arith.index_cast %scan3A_111 : i32 to index
      %get3A_153 = arith.constant 32 : index
      %get3A_154 = tpu.vector_load %arg9[%get3A_152, %get3A_153] {strides = array<i32>} : memref<128x256xf32, #tpu.memory_space<vmem>>, vector<1x16xf32>,
      %get3A_155 = vector.shape_cast %get3A_154 : vector<1x16xf32> to vector<16xf32>
      %get3A_156 = arith.index_cast %scan3A_111 : i32 to index
      %get3A_157 = arith.constant 32 : index
      %get3A_158 = tpu.vector_load %arg10[%get3A_156, %get3A_157] {strides = array<i32>} : memref<128x256xf32, #tpu.memory_space<vmem>>, vector<1x16xf32>,
      %get3A_159 = vector.shape_cast %get3A_158 : vector<1x16xf32> to vector<16xf32>
      %sub3A_160 = arith.subf %get3A_155, %get3A_159 : vector<16xf32>
      %mul3A_161 = arith.mulf %sub3A_160, %sub3A_160 : vector<16xf32>
      %add3A_162 = arith.addf %add3A_142, %mul3A_161 : vector<16xf32>
      %mul3A_163 = arith.constant 1.000000e-03 : f32
      %mul3A_164 = vector.broadcast %mul3A_163 : f32 to vector<16xf32>
      %mul3A_165 = arith.mulf %mul3A_164, %sub3A_160 : vector<16xf32>
      %add3A_166 = arith.addf %get3A_159, %mul3A_165 : vector<16xf32>
      %swap3A_167 = arith.index_cast %scan3A_111 : i32 to index
      %swap3A_168 = arith.constant 32 : index
      %swap3A_169 = tpu.vector_load %arg10[%swap3A_167, %swap3A_168] {strides = array<i32>} : memref<128x256xf32, #tpu.memory_space<vmem>>, vector<1x16xf32>,
      %swap3A_170 = vector.shape_cast %swap3A_169 : vector<1x16xf32> to vector<16xf32>
      %swap3A_171 = vector.shape_cast %add3A_166 : vector<16xf32> to vector<1x16xf32>
      tpu.vector_store %arg10[%swap3A_167, %swap3A_168], %swap3A_171 {strides = array<i32>} : memref<128x256xf32, #tpu.memory_space<vmem>>, vector<1x16xf32>,
      %get3A_172 = arith.index_cast %scan3A_111 : i32 to index
      %get3A_173 = arith.constant 48 : index
      %get3A_174 = tpu.vector_load %arg9[%get3A_172, %get3A_173] {strides = array<i32>} : memref<128x256xf32, #tpu.memory_space<vmem>>, vector<1x16xf32>,
      %get3A_175 = vector.shape_cast %get3A_174 : vector<1x16xf32> to vector<16xf32>
      %get3A_176 = arith.index_cast %scan3A_111 : i32 to index
      %get3A_177 = arith.constant 48 : index
      %get3A_178 = tpu.vector_load %arg10[%get3A_176, %get3A_177] {strides = array<i32>} : memref<128x256xf32, #tpu.memory_space<vmem>>, vector<1x16xf32>,
      %get3A_179 = vector.shape_cast %get3A_178 : vector<1x16xf32> to vector<16xf32>
      %sub3A_180 = arith.subf %get3A_175, %get3A_179 : vector<16xf32>
      %mul3A_181 = arith.mulf %sub3A_180, %sub3A_180 : vector<16xf32>
      %add3A_182 = arith.addf %add3A_162, %mul3A_181 : vector<16xf32>
      %mul3A_183 = arith.constant 1.000000e-03 : f32
      %mul3A_184 = vector.broadcast %mul3A_183 : f32 to vector<16xf32>
      %mul3A_185 = arith.mulf %mul3A_184, %sub3A_180 : vector<16xf32>
      %add3A_186 = arith.addf %get3A_179, %mul3A_185 : vector<16xf32>
      %swap3A_187 = arith.index_cast %scan3A_111 : i32 to index
      %swap3A_188 = arith.constant 48 : index
      %swap3A_189 = tpu.vector_load %arg10[%swap3A_187, %swap3A_188] {strides = array<i32>} : memref<128x256xf32, #tpu.memory_space<vmem>>, vector<1x16xf32>,
      %swap3A_190 = vector.shape_cast %swap3A_189 : vector<1x16xf32> to vector<16xf32>
      %swap3A_191 = vector.shape_cast %add3A_186 : vector<16xf32> to vector<1x16xf32>
      tpu.vector_store %arg10[%swap3A_187, %swap3A_188], %swap3A_191 {strides = array<i32>} : memref<128x256xf32, #tpu.memory_space<vmem>>, vector<1x16xf32>,
      %get3A_192 = arith.index_cast %scan3A_111 : i32 to index
      %get3A_193 = arith.constant 64 : index
      %get3A_194 = tpu.vector_load %arg9[%get3A_192, %get3A_193] {strides = array<i32>} : memref<128x256xf32, #tpu.memory_space<vmem>>, vector<1x16xf32>,
      %get3A_195 = vector.shape_cast %get3A_194 : vector<1x16xf32> to vector<16xf32>
      %get3A_196 = arith.index_cast %scan3A_111 : i32 to index
      %get3A_197 = arith.constant 64 : index
      %get3A_198 = tpu.vector_load %arg10[%get3A_196, %get3A_197] {strides = array<i32>} : memref<128x256xf32, #tpu.memory_space<vmem>>, vector<1x16xf32>,
      %get3A_199 = vector.shape_cast %get3A_198 : vector<1x16xf32> to vector<16xf32>
      %sub3A_200 = arith.subf %get3A_195, %get3A_199 : vector<16xf32>
      %mul3A_201 = arith.mulf %sub3A_200, %sub3A_200 : vector<16xf32>
      %add3A_202 = arith.addf %add3A_182, %mul3A_201 : vector<16xf32>
      %mul3A_203 = arith.constant 1.000000e-03 : f32
      %mul3A_204 = vector.broadcast %mul3A_203 : f32 to vector<16xf32>
      %mul3A_205 = arith.mulf %mul3A_204, %sub3A_200 : vector<16xf32>
      %add3A_206 = arith.addf %get3A_199, %mul3A_205 : vector<16xf32>
      %swap3A_207 = arith.index_cast %scan3A_111 : i32 to index
      %swap3A_208 = arith.constant 64 : index
      %swap3A_209 = tpu.vector_load %arg10[%swap3A_207, %swap3A_208] {strides = array<i32>} : memref<128x256xf32, #tpu.memory_space<vmem>>, vector<1x16xf32>,
      %swap3A_210 = vector.shape_cast %swap3A_209 : vector<1x16xf32> to vector<16xf32>
      %swap3A_211 = vector.shape_cast %add3A_206 : vector<16xf32> to vector<1x16xf32>
      tpu.vector_store %arg10[%swap3A_207, %swap3A_208], %swap3A_211 {strides = array<i32>} : memref<128x256xf32, #tpu.memory_space<vmem>>, vector<1x16xf32>,
      %get3A_212 = arith.index_cast %scan3A_111 : i32 to index
      %get3A_213 = arith.constant 80 : index
      %get3A_214 = tpu.vector_load %arg9[%get3A_212, %get3A_213] {strides = array<i32>} : memref<128x256xf32, #tpu.memory_space<vmem>>, vector<1x16xf32>,
      %get3A_215 = vector.shape_cast %get3A_214 : vector<1x16xf32> to vector<16xf32>
      %get3A_216 = arith.index_cast %scan3A_111 : i32 to index
      %get3A_217 = arith.constant 80 : index
      %get3A_218 = tpu.vector_load %arg10[%get3A_216, %get3A_217] {strides = array<i32>} : memref<128x256xf32, #tpu.memory_space<vmem>>, vector<1x16xf32>,
      %get3A_219 = vector.shape_cast %get3A_218 : vector<1x16xf32> to vector<16xf32>
      %sub3A_220 = arith.subf %get3A_215, %get3A_219 : vector<16xf32>
      %mul3A_221 = arith.mulf %sub3A_220, %sub3A_220 : vector<16xf32>
      %add3A_222 = arith.addf %add3A_202, %mul3A_221 : vector<16xf32>
      %mul3A_223 = arith.constant 1.000000e-03 : f32
      %mul3A_224 = vector.broadcast %mul3A_223 : f32 to vector<16xf32>
      %mul3A_225 = arith.mulf %mul3A_224, %sub3A_220 : vector<16xf32>
      %add3A_226 = arith.addf %get3A_219, %mul3A_225 : vector<16xf32>
      %swap3A_227 = arith.index_cast %scan3A_111 : i32 to index
      %swap3A_228 = arith.constant 80 : index
      %swap3A_229 = tpu.vector_load %arg10[%swap3A_227, %swap3A_228] {strides = array<i32>} : memref<128x256xf32, #tpu.memory_space<vmem>>, vector<1x16xf32>,
      %swap3A_230 = vector.shape_cast %swap3A_229 : vector<1x16xf32> to vector<16xf32>
      %swap3A_231 = vector.shape_cast %add3A_226 : vector<16xf32> to vector<1x16xf32>
      tpu.vector_store %arg10[%swap3A_227, %swap3A_228], %swap3A_231 {strides = array<i32>} : memref<128x256xf32, #tpu.memory_space<vmem>>, vector<1x16xf32>,
      %get3A_232 = arith.index_cast %scan3A_111 : i32 to index
      %get3A_233 = arith.constant 96 : index
      %get3A_234 = tpu.vector_load %arg9[%get3A_232, %get3A_233] {strides = array<i32>} : memref<128x256xf32, #tpu.memory_space<vmem>>, vector<1x16xf32>,
      %get3A_235 = vector.shape_cast %get3A_234 : vector<1x16xf32> to vector<16xf32>
      %get3A_236 = arith.index_cast %scan3A_111 : i32 to index
      %get3A_237 = arith.constant 96 : index
      %get3A_238 = tpu.vector_load %arg10[%get3A_236, %get3A_237] {strides = array<i32>} : memref<128x256xf32, #tpu.memory_space<vmem>>, vector<1x16xf32>,
      %get3A_239 = vector.shape_cast %get3A_238 : vector<1x16xf32> to vector<16xf32>
      %sub3A_240 = arith.subf %get3A_235, %get3A_239 : vector<16xf32>
      %mul3A_241 = arith.mulf %sub3A_240, %sub3A_240 : vector<16xf32>
      %add3A_242 = arith.addf %add3A_222, %mul3A_241 : vector<16xf32>
      %mul3A_243 = arith.constant 1.000000e-03 : f32
      %mul3A_244 = vector.broadcast %mul3A_243 : f32 to vector<16xf32>
      %mul3A_245 = arith.mulf %mul3A_244, %sub3A_240 : vector<16xf32>
      %add3A_246 = arith.addf %get3A_239, %mul3A_245 : vector<16xf32>
      %swap3A_247 = arith.index_cast %scan3A_111 : i32 to index
      %swap3A_248 = arith.constant 96 : index
      %swap3A_249 = tpu.vector_load %arg10[%swap3A_247, %swap3A_248] {strides = array<i32>} : memref<128x256xf32, #tpu.memory_space<vmem>>, vector<1x16xf32>,
      %swap3A_250 = vector.shape_cast %swap3A_249 : vector<1x16xf32> to vector<16xf32>
      %swap3A_251 = vector.shape_cast %add3A_246 : vector<16xf32> to vector<1x16xf32>
      tpu.vector_store %arg10[%swap3A_247, %swap3A_248], %swap3A_251 {strides = array<i32>} : memref<128x256xf32, #tpu.memory_space<vmem>>, vector<1x16xf32>,
      %get3A_252 = arith.index_cast %scan3A_111 : i32 to index
      %get3A_253 = arith.constant 112 : index
      %get3A_254 = tpu.vector_load %arg9[%get3A_252, %get3A_253] {strides = array<i32>} : memref<128x256xf32, #tpu.memory_space<vmem>>, vector<1x16xf32>,
      %get3A_255 = vector.shape_cast %get3A_254 : vector<1x16xf32> to vector<16xf32>
      %get3A_256 = arith.index_cast %scan3A_111 : i32 to index
      %get3A_257 = arith.constant 112 : index
      %get3A_258 = tpu.vector_load %arg10[%get3A_256, %get3A_257] {strides = array<i32>} : memref<128x256xf32, #tpu.memory_space<vmem>>, vector<1x16xf32>,
      %get3A_259 = vector.shape_cast %get3A_258 : vector<1x16xf32> to vector<16xf32>
      %sub3A_260 = arith.subf %get3A_255, %get3A_259 : vector<16xf32>
      %mul3A_261 = arith.mulf %sub3A_260, %sub3A_260 : vector<16xf32>
      %add3A_262 = arith.addf %add3A_242, %mul3A_261 : vector<16xf32>
      %mul3A_263 = arith.constant 1.000000e-03 : f32
      %mul3A_264 = vector.broadcast %mul3A_263 : f32 to vector<16xf32>
      %mul3A_265 = arith.mulf %mul3A_264, %sub3A_260 : vector<16xf32>
      %add3A_266 = arith.addf %get3A_259, %mul3A_265 : vector<16xf32>
      %swap3A_267 = arith.index_cast %scan3A_111 : i32 to index
      %swap3A_268 = arith.constant 112 : index
      %swap3A_269 = tpu.vector_load %arg10[%swap3A_267, %swap3A_268] {strides = array<i32>} : memref<128x256xf32, #tpu.memory_space<vmem>>, vector<1x16xf32>,
      %swap3A_270 = vector.shape_cast %swap3A_269 : vector<1x16xf32> to vector<16xf32>
      %swap3A_271 = vector.shape_cast %add3A_266 : vector<16xf32> to vector<1x16xf32>
      tpu.vector_store %arg10[%swap3A_267, %swap3A_268], %swap3A_271 {strides = array<i32>} : memref<128x256xf32, #tpu.memory_space<vmem>>, vector<1x16xf32>,
      %get3A_272 = arith.index_cast %scan3A_111 : i32 to index
      %get3A_273 = arith.constant 128 : index
      %get3A_274 = tpu.vector_load %arg9[%get3A_272, %get3A_273] {strides = array<i32>} : memref<128x256xf32, #tpu.memory_space<vmem>>, vector<1x16xf32>,
      %get3A_275 = vector.shape_cast %get3A_274 : vector<1x16xf32> to vector<16xf32>
      %get3A_276 = arith.index_cast %scan3A_111 : i32 to index
      %get3A_277 = arith.constant 128 : index
      %get3A_278 = tpu.vector_load %arg10[%get3A_276, %get3A_277] {strides = array<i32>} : memref<128x256xf32, #tpu.memory_space<vmem>>, vector<1x16xf32>,
      %get3A_279 = vector.shape_cast %get3A_278 : vector<1x16xf32> to vector<16xf32>
      %sub3A_280 = arith.subf %get3A_275, %get3A_279 : vector<16xf32>
      %mul3A_281 = arith.mulf %sub3A_280, %sub3A_280 : vector<16xf32>
      %add3A_282 = arith.addf %add3A_262, %mul3A_281 : vector<16xf32>
      %mul3A_283 = arith.constant 1.000000e-03 : f32
      %mul3A_284 = vector.broadcast %mul3A_283 : f32 to vector<16xf32>
      %mul3A_285 = arith.mulf %mul3A_284, %sub3A_280 : vector<16xf32>
      %add3A_286 = arith.addf %get3A_279, %mul3A_285 : vector<16xf32>
      %swap3A_287 = arith.index_cast %scan3A_111 : i32 to index
      %swap3A_288 = arith.constant 128 : index
      %swap3A_289 = tpu.vector_load %arg10[%swap3A_287, %swap3A_288] {strides = array<i32>} : memref<128x256xf32, #tpu.memory_space<vmem>>, vector<1x16xf32>,
      %swap3A_290 = vector.shape_cast %swap3A_289 : vector<1x16xf32> to vector<16xf32>
      %swap3A_291 = vector.shape_cast %add3A_286 : vector<16xf32> to vector<1x16xf32>
      tpu.vector_store %arg10[%swap3A_287, %swap3A_288], %swap3A_291 {strides = array<i32>} : memref<128x256xf32, #tpu.memory_space<vmem>>, vector<1x16xf32>,
      %get3A_292 = arith.index_cast %scan3A_111 : i32 to index
      %get3A_293 = arith.constant 144 : index
      %get3A_294 = tpu.vector_load %arg9[%get3A_292, %get3A_293] {strides = array<i32>} : memref<128x256xf32, #tpu.memory_space<vmem>>, vector<1x16xf32>,
      %get3A_295 = vector.shape_cast %get3A_294 : vector<1x16xf32> to vector<16xf32>
      %get3A_296 = arith.index_cast %scan3A_111 : i32 to index
      %get3A_297 = arith.constant 144 : index
      %get3A_298 = tpu.vector_load %arg10[%get3A_296, %get3A_297] {strides = array<i32>} : memref<128x256xf32, #tpu.memory_space<vmem>>, vector<1x16xf32>,
      %get3A_299 = vector.shape_cast %get3A_298 : vector<1x16xf32> to vector<16xf32>
      %sub3A_300 = arith.subf %get3A_295, %get3A_299 : vector<16xf32>
      %mul3A_301 = arith.mulf %sub3A_300, %sub3A_300 : vector<16xf32>
      %add3A_302 = arith.addf %add3A_282, %mul3A_301 : vector<16xf32>
      %mul3A_303 = arith.constant 1.000000e-03 : f32
      %mul3A_304 = vector.broadcast %mul3A_303 : f32 to vector<16xf32>
      %mul3A_305 = arith.mulf %mul3A_304, %sub3A_300 : vector<16xf32>
      %add3A_306 = arith.addf %get3A_299, %mul3A_305 : vector<16xf32>
      %swap3A_307 = arith.index_cast %scan3A_111 : i32 to index
      %swap3A_308 = arith.constant 144 : index
      %swap3A_309 = tpu.vector_load %arg10[%swap3A_307, %swap3A_308] {strides = array<i32>} : memref<128x256xf32, #tpu.memory_space<vmem>>, vector<1x16xf32>,
      %swap3A_310 = vector.shape_cast %swap3A_309 : vector<1x16xf32> to vector<16xf32>
      %swap3A_311 = vector.shape_cast %add3A_306 : vector<16xf32> to vector<1x16xf32>
      tpu.vector_store %arg10[%swap3A_307, %swap3A_308], %swap3A_311 {strides = array<i32>} : memref<128x256xf32, #tpu.memory_space<vmem>>, vector<1x16xf32>,
      %get3A_312 = arith.index_cast %scan3A_111 : i32 to index
      %get3A_313 = arith.constant 160 : index
      %get3A_314 = tpu.vector_load %arg9[%get3A_312, %get3A_313] {strides = array<i32>} : memref<128x256xf32, #tpu.memory_space<vmem>>, vector<1x16xf32>,
      %get3A_315 = vector.shape_cast %get3A_314 : vector<1x16xf32> to vector<16xf32>
      %get3A_316 = arith.index_cast %scan3A_111 : i32 to index
      %get3A_317 = arith.constant 160 : index
      %get3A_318 = tpu.vector_load %arg10[%get3A_316, %get3A_317] {strides = array<i32>} : memref<128x256xf32, #tpu.memory_space<vmem>>, vector<1x16xf32>,
      %get3A_319 = vector.shape_cast %get3A_318 : vector<1x16xf32> to vector<16xf32>
      %sub3A_320 = arith.subf %get3A_315, %get3A_319 : vector<16xf32>
      %mul3A_321 = arith.mulf %sub3A_320, %sub3A_320 : vector<16xf32>
      %add3A_322 = arith.addf %add3A_302, %mul3A_321 : vector<16xf32>
      %mul3A_323 = arith.constant 1.000000e-03 : f32
      %mul3A_324 = vector.broadcast %mul3A_323 : f32 to vector<16xf32>
      %mul3A_325 = arith.mulf %mul3A_324, %sub3A_320 : vector<16xf32>
      %add3A_326 = arith.addf %get3A_319, %mul3A_325 : vector<16xf32>
      %swap3A_327 = arith.index_cast %scan3A_111 : i32 to index
      %swap3A_328 = arith.constant 160 : index
      %swap3A_329 = tpu.vector_load %arg10[%swap3A_327, %swap3A_328] {strides = array<i32>} : memref<128x256xf32, #tpu.memory_space<vmem>>, vector<1x16xf32>,
      %swap3A_330 = vector.shape_cast %swap3A_329 : vector<1x16xf32> to vector<16xf32>
      %swap3A_331 = vector.shape_cast %add3A_326 : vector<16xf32> to vector<1x16xf32>
      tpu.vector_store %arg10[%swap3A_327, %swap3A_328], %swap3A_331 {strides = array<i32>} : memref<128x256xf32, #tpu.memory_space<vmem>>, vector<1x16xf32>,
      %get3A_332 = arith.index_cast %scan3A_111 : i32 to index
      %get3A_333 = arith.constant 176 : index
      %get3A_334 = tpu.vector_load %arg9[%get3A_332, %get3A_333] {strides = array<i32>} : memref<128x256xf32, #tpu.memory_space<vmem>>, vector<1x16xf32>,
      %get3A_335 = vector.shape_cast %get3A_334 : vector<1x16xf32> to vector<16xf32>
      %get3A_336 = arith.index_cast %scan3A_111 : i32 to index
      %get3A_337 = arith.constant 176 : index
      %get3A_338 = tpu.vector_load %arg10[%get3A_336, %get3A_337] {strides = array<i32>} : memref<128x256xf32, #tpu.memory_space<vmem>>, vector<1x16xf32>,
      %get3A_339 = vector.shape_cast %get3A_338 : vector<1x16xf32> to vector<16xf32>
      %sub3A_340 = arith.subf %get3A_335, %get3A_339 : vector<16xf32>
      %mul3A_341 = arith.mulf %sub3A_340, %sub3A_340 : vector<16xf32>
      %add3A_342 = arith.addf %add3A_322, %mul3A_341 : vector<16xf32>
      %mul3A_343 = arith.constant 1.000000e-03 : f32
      %mul3A_344 = vector.broadcast %mul3A_343 : f32 to vector<16xf32>
      %mul3A_345 = arith.mulf %mul3A_344, %sub3A_340 : vector<16xf32>
      %add3A_346 = arith.addf %get3A_339, %mul3A_345 : vector<16xf32>
      %swap3A_347 = arith.index_cast %scan3A_111 : i32 to index
      %swap3A_348 = arith.constant 176 : index
      %swap3A_349 = tpu.vector_load %arg10[%swap3A_347, %swap3A_348] {strides = array<i32>} : memref<128x256xf32, #tpu.memory_space<vmem>>, vector<1x16xf32>,
      %swap3A_350 = vector.shape_cast %swap3A_349 : vector<1x16xf32> to vector<16xf32>
      %swap3A_351 = vector.shape_cast %add3A_346 : vector<16xf32> to vector<1x16xf32>
      tpu.vector_store %arg10[%swap3A_347, %swap3A_348], %swap3A_351 {strides = array<i32>} : memref<128x256xf32, #tpu.memory_space<vmem>>, vector<1x16xf32>,
      %get3A_352 = arith.index_cast %scan3A_111 : i32 to index
      %get3A_353 = arith.constant 192 : index
      %get3A_354 = tpu.vector_load %arg9[%get3A_352, %get3A_353] {strides = array<i32>} : memref<128x256xf32, #tpu.memory_space<vmem>>, vector<1x16xf32>,
      %get3A_355 = vector.shape_cast %get3A_354 : vector<1x16xf32> to vector<16xf32>
      %get3A_356 = arith.index_cast %scan3A_111 : i32 to index
      %get3A_357 = arith.constant 192 : index
      %get3A_358 = tpu.vector_load %arg10[%get3A_356, %get3A_357] {strides = array<i32>} : memref<128x256xf32, #tpu.memory_space<vmem>>, vector<1x16xf32>,
      %get3A_359 = vector.shape_cast %get3A_358 : vector<1x16xf32> to vector<16xf32>
      %sub3A_360 = arith.subf %get3A_355, %get3A_359 : vector<16xf32>
      %mul3A_361 = arith.mulf %sub3A_360, %sub3A_360 : vector<16xf32>
      %add3A_362 = arith.addf %add3A_342, %mul3A_361 : vector<16xf32>
      %mul3A_363 = arith.constant 1.000000e-03 : f32
      %mul3A_364 = vector.broadcast %mul3A_363 : f32 to vector<16xf32>
      %mul3A_365 = arith.mulf %mul3A_364, %sub3A_360 : vector<16xf32>
      %add3A_366 = arith.addf %get3A_359, %mul3A_365 : vector<16xf32>
      %swap3A_367 = arith.index_cast %scan3A_111 : i32 to index
      %swap3A_368 = arith.constant 192 : index
      %swap3A_369 = tpu.vector_load %arg10[%swap3A_367, %swap3A_368] {strides = array<i32>} : memref<128x256xf32, #tpu.memory_space<vmem>>, vector<1x16xf32>,
      %swap3A_370 = vector.shape_cast %swap3A_369 : vector<1x16xf32> to vector<16xf32>
      %swap3A_371 = vector.shape_cast %add3A_366 : vector<16xf32> to vector<1x16xf32>
      tpu.vector_store %arg10[%swap3A_367, %swap3A_368], %swap3A_371 {strides = array<i32>} : memref<128x256xf32, #tpu.memory_space<vmem>>, vector<1x16xf32>,
      %get3A_372 = arith.index_cast %scan3A_111 : i32 to index
      %get3A_373 = arith.constant 208 : index
      %get3A_374 = tpu.vector_load %arg9[%get3A_372, %get3A_373] {strides = array<i32>} : memref<128x256xf32, #tpu.memory_space<vmem>>, vector<1x16xf32>,
      %get3A_375 = vector.shape_cast %get3A_374 : vector<1x16xf32> to vector<16xf32>
      %get3A_376 = arith.index_cast %scan3A_111 : i32 to index
      %get3A_377 = arith.constant 208 : index
      %get3A_378 = tpu.vector_load %arg10[%get3A_376, %get3A_377] {strides = array<i32>} : memref<128x256xf32, #tpu.memory_space<vmem>>, vector<1x16xf32>,
      %get3A_379 = vector.shape_cast %get3A_378 : vector<1x16xf32> to vector<16xf32>
      %sub3A_380 = arith.subf %get3A_375, %get3A_379 : vector<16xf32>
      %mul3A_381 = arith.mulf %sub3A_380, %sub3A_380 : vector<16xf32>
      %add3A_382 = arith.addf %add3A_362, %mul3A_381 : vector<16xf32>
      %mul3A_383 = arith.constant 1.000000e-03 : f32
      %mul3A_384 = vector.broadcast %mul3A_383 : f32 to vector<16xf32>
      %mul3A_385 = arith.mulf %mul3A_384, %sub3A_380 : vector<16xf32>
      %add3A_386 = arith.addf %get3A_379, %mul3A_385 : vector<16xf32>
      %swap3A_387 = arith.index_cast %scan3A_111 : i32 to index
      %swap3A_388 = arith.constant 208 : index
      %swap3A_389 = tpu.vector_load %arg10[%swap3A_387, %swap3A_388] {strides = array<i32>} : memref<128x256xf32, #tpu.memory_space<vmem>>, vector<1x16xf32>,
      %swap3A_390 = vector.shape_cast %swap3A_389 : vector<1x16xf32> to vector<16xf32>
      %swap3A_391 = vector.shape_cast %add3A_386 : vector<16xf32> to vector<1x16xf32>
      tpu.vector_store %arg10[%swap3A_387, %swap3A_388], %swap3A_391 {strides = array<i32>} : memref<128x256xf32, #tpu.memory_space<vmem>>, vector<1x16xf32>,
      %get3A_392 = arith.index_cast %scan3A_111 : i32 to index
      %get3A_393 = arith.constant 224 : index
      %get3A_394 = tpu.vector_load %arg9[%get3A_392, %get3A_393] {strides = array<i32>} : memref<128x256xf32, #tpu.memory_space<vmem>>, vector<1x16xf32>,
      %get3A_395 = vector.shape_cast %get3A_394 : vector<1x16xf32> to vector<16xf32>
      %get3A_396 = arith.index_cast %scan3A_111 : i32 to index
      %get3A_397 = arith.constant 224 : index
      %get3A_398 = tpu.vector_load %arg10[%get3A_396, %get3A_397] {strides = array<i32>} : memref<128x256xf32, #tpu.memory_space<vmem>>, vector<1x16xf32>,
      %get3A_399 = vector.shape_cast %get3A_398 : vector<1x16xf32> to vector<16xf32>
      %sub3A_400 = arith.subf %get3A_395, %get3A_399 : vector<16xf32>
      %mul3A_401 = arith.mulf %sub3A_400, %sub3A_400 : vector<16xf32>
      %add3A_402 = arith.addf %add3A_382, %mul3A_401 : vector<16xf32>
      %mul3A_403 = arith.constant 1.000000e-03 : f32
      %mul3A_404 = vector.broadcast %mul3A_403 : f32 to vector<16xf32>
      %mul3A_405 = arith.mulf %mul3A_404, %sub3A_400 : vector<16xf32>
      %add3A_406 = arith.addf %get3A_399, %mul3A_405 : vector<16xf32>
      %swap3A_407 = arith.index_cast %scan3A_111 : i32 to index
      %swap3A_408 = arith.constant 224 : index
      %swap3A_409 = tpu.vector_load %arg10[%swap3A_407, %swap3A_408] {strides = array<i32>} : memref<128x256xf32, #tpu.memory_space<vmem>>, vector<1x16xf32>,
      %swap3A_410 = vector.shape_cast %swap3A_409 : vector<1x16xf32> to vector<16xf32>
      %swap3A_411 = vector.shape_cast %add3A_406 : vector<16xf32> to vector<1x16xf32>
      tpu.vector_store %arg10[%swap3A_407, %swap3A_408], %swap3A_411 {strides = array<i32>} : memref<128x256xf32, #tpu.memory_space<vmem>>, vector<1x16xf32>,
      %get3A_412 = arith.index_cast %scan3A_111 : i32 to index
      %get3A_413 = arith.constant 240 : index
      %get3A_414 = tpu.vector_load %arg9[%get3A_412, %get3A_413] {strides = array<i32>} : memref<128x256xf32, #tpu.memory_space<vmem>>, vector<1x16xf32>,
      %get3A_415 = vector.shape_cast %get3A_414 : vector<1x16xf32> to vector<16xf32>
      %get3A_416 = arith.index_cast %scan3A_111 : i32 to index
      %get3A_417 = arith.constant 240 : index
      %get3A_418 = tpu.vector_load %arg10[%get3A_416, %get3A_417] {strides = array<i32>} : memref<128x256xf32, #tpu.memory_space<vmem>>, vector<1x16xf32>,
      %get3A_419 = vector.shape_cast %get3A_418 : vector<1x16xf32> to vector<16xf32>
      %sub3A_420 = arith.subf %get3A_415, %get3A_419 : vector<16xf32>
      %mul3A_421 = arith.mulf %sub3A_420, %sub3A_420 : vector<16xf32>
      %add3A_422 = arith.addf %add3A_402, %mul3A_421 : vector<16xf32>
      %mul3A_423 = arith.constant 1.000000e-03 : f32
      %mul3A_424 = vector.broadcast %mul3A_423 : f32 to vector<16xf32>
      %mul3A_425 = arith.mulf %mul3A_424, %sub3A_420 : vector<16xf32>
      %add3A_426 = arith.addf %get3A_419, %mul3A_425 : vector<16xf32>
      %swap3A_427 = arith.index_cast %scan3A_111 : i32 to index
      %swap3A_428 = arith.constant 240 : index
      %swap3A_429 = tpu.vector_load %arg10[%swap3A_427, %swap3A_428] {strides = array<i32>} : memref<128x256xf32, #tpu.memory_space<vmem>>, vector<1x16xf32>,
      %swap3A_430 = vector.shape_cast %swap3A_429 : vector<1x16xf32> to vector<16xf32>
      %swap3A_431 = vector.shape_cast %add3A_426 : vector<16xf32> to vector<1x16xf32>
      tpu.vector_store %arg10[%swap3A_427, %swap3A_428], %swap3A_431 {strides = array<i32>} : memref<128x256xf32, #tpu.memory_space<vmem>>, vector<1x16xf32>,
      scf.yield %add3A_422 : vector<16xf32>
    }
    %scan3A_100 = arith.constant 128 : i32
    %swap3A_101 = arith.constant 0 : index
    %swap3A_102 = tpu.vector_load %arg11[%swap3A_101] {strides = array<i32>} : memref<16xf32, #tpu.memory_space<vmem>>, vector<16xf32>,
    %swap3A_103 = vector.shape_cast %swap3A_102 : vector<16xf32> to vector<16xf32>
    %swap3A_104 = vector.shape_cast %scan3A_99 : vector<16xf32> to vector<16xf32>
    tpu.vector_store %arg11[%swap3A_101], %swap3A_104 {strides = array<i32>} : memref<16xf32, #tpu.memory_space<vmem>>, vector<16xf32>,
    %dma_start3A_105 = arith.constant 0 : i32
    %dma_start3A_106 = arith.constant 0 : i32
    %dma_start3A_107 = tpu.memref_slice %arg5[%dma_start3A_105, %dma_start3A_106] : memref<8192x256xf32, #tpu.memory_space<hbm>> -> memref<8192x256xf32, #tpu.memory_space<hbm>>
    tpu.enqueue_indirect_dma source(%arg10 : memref<128x256xf32, #tpu.memory_space<vmem>>) target(%dma_start3A_107 : memref<8192x256xf32, #tpu.memory_space<hbm>>) offsets(%arg8 : memref<128xi32, #tpu.memory_space<vmem>>) semaphore(%arg12 : memref<!tpu.dma_semaphore, #tpu.memory_space<semaphore_mem>>)
    %dma_wait3A_108 = arith.constant 0 : i32
    %dma_wait3A_109 = arith.constant 0 : i32
    %dma_wait3A_110 = tpu.memref_slice %arg5[%dma_wait3A_108, %dma_wait3A_109] : memref<8192x256xf32, #tpu.memory_space<hbm>> -> memref<8192x256xf32, #tpu.memory_space<hbm>>
    tpu.wait_indirect_dma semaphore(%arg12 : memref<!tpu.dma_semaphore, #tpu.memory_space<semaphore_mem>>) src(%arg10 : memref<128x256xf32, #tpu.memory_space<vmem>>) dst(%dma_wait3A_110 : memref<8192x256xf32, #tpu.memory_space<hbm>>)
    "tpu.region"() ({
      %run_scoped3A = tpu.sem_alloc : memref<!tpu.dma_semaphore, #tpu.memory_space<semaphore_mem>>
      %dma_start3A_111 = arith.constant 0 : i32
      %dma_start3A_112 = tpu.memref_slice %arg6[%add3A, %dma_start3A_111] : memref<32x16xf32, #tpu.memory_space<hbm>> -> memref<1x16xf32, #tpu.memory_space<hbm>>
      %dma_start3A_113 = tpu.memref_squeeze %dma_start3A_112 : memref<1x16xf32, #tpu.memory_space<hbm>> -> memref<16xf32, #tpu.memory_space<hbm>>
      %dma_start3A_114 = arith.constant 0 : i32
      %dma_start3A_115 = tpu.memref_slice %arg6[%add3A, %dma_start3A_114] : memref<32x16xf32, #tpu.memory_space<hbm>> -> memref<1x16xf32, #tpu.memory_space<hbm>>
      %dma_start3A_116 = tpu.memref_squeeze %dma_start3A_115 : memref<1x16xf32, #tpu.memory_space<hbm>> -> memref<16xf32, #tpu.memory_space<hbm>>
      tpu.enqueue_dma source(%arg11 : memref<16xf32, #tpu.memory_space<vmem>>) target(%dma_start3A_116 : memref<16xf32, #tpu.memory_space<hbm>>) target_semaphore(%run_scoped3A : memref<!tpu.dma_semaphore, #tpu.memory_space<semaphore_mem>>)
      %dma_wait3A_117 = arith.constant 0 : i32
      %dma_wait3A_118 = tpu.memref_slice %arg6[%add3A, %dma_wait3A_117] : memref<32x16xf32, #tpu.memory_space<hbm>> -> memref<1x16xf32, #tpu.memory_space<hbm>>
      %dma_wait3A_119 = tpu.memref_squeeze %dma_wait3A_118 : memref<1x16xf32, #tpu.memory_space<hbm>> -> memref<16xf32, #tpu.memory_space<hbm>>
      %dma_wait3A_120 = arith.constant 0 : i32
      %dma_wait3A_121 = tpu.memref_slice %arg6[%add3A, %dma_wait3A_120] : memref<32x16xf32, #tpu.memory_space<hbm>> -> memref<1x16xf32, #tpu.memory_space<hbm>>
      %dma_wait3A_122 = tpu.memref_squeeze %dma_wait3A_121 : memref<1x16xf32, #tpu.memory_space<hbm>> -> memref<16xf32, #tpu.memory_space<hbm>>
      tpu.wait_dma2 semaphore(%run_scoped3A : memref<!tpu.dma_semaphore, #tpu.memory_space<semaphore_mem>>) src(%arg11 : memref<16xf32, #tpu.memory_space<vmem>>) dst(%dma_wait3A_122 : memref<16xf32, #tpu.memory_space<hbm>>)
      tpu.yield
    }) : () -> ()
    return
  }
}

</mosaic_0001>

<sc_bundles>
// kernel: kernel.3.cloned.1.call-start
scs
__scs_entry_jumppad:
0x0: {  	(pc) =	sbr.rel $0x88, $3  }
0x1: {  	(tag) =	ssettag $0x0;
	lr =	simm.s32 $0x1  }
0x2: {  	[smem:$0x3F9E] =	sst lr;
	_ =	strace $0xD0000000  }
0x3: {  	_ = 	snop  }
0x4: {  	_ = 	snop  }
0x5: {  	_ = 	snop  }
0x6: {  	_ = 	snop  }
0x7: {  	_ = 	snop  }
__scs_overlays_trampoline_lowered:
0x8: {  	[smem:$0x3FAD] =	sst s0  }
0x9: {  	[smem:$0x3FAE] =	sst s1  }
0xa: {  	[smem:$0x3FAF] =	sst s2  }
0xb: {  	[smem:$0x3FB0] =	sst s3  }
0xc: {  	[smem:$0x3FB1] =	sst s4  }
0xd: {  	[smem:$0x3FB2] =	sst s5  }
0xe: {  	[smem:$0x3FB3] =	sst s6  }
0xf: {  	[smem:$0x3FB4] =	sst s7  }
0x10: {  	[smem:$0x3FB5] =	sst s8  }
0x11: {  	[smem:$0x3FB6] =	sst s9;
	s0 =	simm.s32 @!p0 $0x0  }
0x12: {  	s1 =	sld [smem:$0x3F9C];
	s0 =	simm.s32 @p0 $0x1  }
0x13: {  	[smem:$0x3FB7] =	sst s0;
	s0 =	simm.s32 @!p1 $0x0  }
0x14: {  	s2 =	sld [smem:$0x3F9B];
	s0 =	simm.s32 @p1 $0x1  }
0x15: {  	[smem:$0x3FB8] =	sst s0;
	s0 =	simm.s32 @!p2 $0x0  }
0x16: {  	s3 =	sld [smem:$0x3FDB];
	s0 =	simm.s32 @p2 $0x1  }
0x17: {  	s4 =	simm.s32 $0x1BF5;
	[smem:$0x3FBA] =	sst s0  }
0x18: {  	s0 =	sld [smem:$0x3F9D];
	_ =	swait.ge [sflag:s4], $0x0  }
0x19: {  	s7 =	sld [smem:$0x3F9E]  }
0x1a: {  	s8 =	sadd.s32 $0xFFFFE003, lr  }
0x1b: {  	s9 =	sadd.s32 $0xFFFFFEF7, lr;
	s5 =	simm.s32 $0xFFFFFFFF;
	p2 =	slt.u32 s8, $0xFFFFF086  }
0x1c: {  	p1 =	slt.u32 s9, $0xF7A;
	s5 =	simm.s32 @!p2 $0x0  }
0x1d: {  	s5 =	simm.s32 @p1 $0x1;
	p0 =	seq.s32 s7, s2  }
0x1e: {  	s7 =	smul.u32 @!p0 $0xF7A, s2;
	p2 =	seq.s32 @!p0 s5, $0x0  }
0x1f: {  	s9 =	smul.u32 $0xF7A, s1;
	s8 =	simm.s32 @!p0 $0x1BF5;
	p2 =	por !p2, p0  }
0x20: {  	[sflag:s8] =	ssyncset.s32 @!p0 $0xFFFFF086;
	s6 =	sadd.s32 @!p0 s3, s7;
	s7 =	simm.s32 @!p0 $0x108  }
0x21: {  	s3 =	sadd.s32 s3, s9;
	s6 =	sadd.s32 @!p0 $0x88, s6;
	s7 =	simm.s32 @p2 $0x1082  }
0x22: {  	[simem:s7], [sflag:s8] =	dma.local @!p0 [hbm:s6], $0xF7A  }
0x23: {  	s9 =	sor.u32 $0xD0000000, s2;
	s6 =	simm.s32 $0x108;
	_ =	swait.ge @!p0 [sflag:s8], $0x0  }
0x24: {  	s3 =	sadd.s32 $0x88, s3;
	s6 =	simm.s32 @!p1 $0x1082;
	[sflag:s4] =	ssyncset.s32 $0xFFFFF086  }
0x25: {  	[simem:s6], [sflag:s4] =	dma.local [hbm:s3], $0xF7A  }
0x26: {  	[smem:$0x3F9E] =	sst s1;
	(tag) =	ssettag s2;
	_ =	strace s9  }
0x27: {  	s1 =	sld [smem:$0x3FAE]  }
0x28: {  	s2 =	sld [smem:$0x3FAF]  }
0x29: {  	s4 =	sld [smem:$0x3FB1]  }
0x2a: {  	p0 =	seq.s32 s5, $0x0;
	s5 =	sld [smem:$0x3FB2]  }
0x2b: {  	s6 =	sld [smem:$0x3FB3]  }
0x2c: {  	s7 =	sld [smem:$0x3FB4]  }
0x2d: {  	s3 =	simm.s32 $0x108;
	s8 =	sld [smem:$0x3FB5]  }
0x2e: {  	s3 =	simm.s32 @!p0 $0x1082;
	s9 =	sld [smem:$0x3FB6]  }
0x2f: {  	lr =	sadd.s32 s0, s3;
	s0 =	sld [smem:$0x3FAD]  }
0x30: {  	s3 =	sld [smem:$0x3FB0]  }
0x31: {  	[smem:$0x3FB9] =	sst s10  }
0x32: {  	s10 =	sld [smem:$0x3FB7];
	_ =	sdelay $0x3  }
0x33: {  	p0 =	seq.s32 s10, $0x1;
	s10 =	sld [smem:$0x3FB9];
	_ =	sdelay $0x3  }
0x34: {  	[smem:$0x3FB9] =	sst s10  }
0x35: {  	s10 =	sld [smem:$0x3FB8];
	_ =	sdelay $0x3  }
0x36: {  	p1 =	seq.s32 s10, $0x1;
	s10 =	sld [smem:$0x3FB9];
	_ =	sdelay $0x3  }
0x37: {  	[smem:$0x3FB9] =	sst s10  }
0x38: {  	s10 =	sld [smem:$0x3FBA]  }
0x39: {  	_ = 	snop;
	(pc) =	sbr.ind lr, $3  }
0x3a: {  	_ = 	snop  }
0x3b: {  	_ = 	snop  }
0x3c: {  	p2 =	seq.s32 s10, $0x1;
	s10 =	sld [smem:$0x3FB9]  }
0x3d: {  	_ =	shalt  }
0x3e: {  	_ =	shalt  }
0x3f: {  	_ =	shalt  }
0x40: {  	_ =	shalt  }
0x41: {  	_ =	shalt  }
0x42: {  	_ =	shalt  }
0x43: {  	_ =	shalt  }
0x44: {  	_ =	shalt  }
0x45: {  	_ =	shalt  }
0x46: {  	_ =	shalt  }
0x47: {  	_ =	shalt  }
0x48: {  	_ =	shalt  }
0x49: {  	_ =	shalt  }
0x4a: {  	_ =	shalt  }
0x4b: {  	_ =	shalt  }
0x4c: {  	_ =	shalt  }
0x4d: {  	_ =	shalt  }
0x4e: {  	_ =	shalt  }
0x4f: {  	_ =	shalt  }
0x50: {  	_ =	shalt  }
0x51: {  	_ =	shalt  }
0x52: {  	_ =	shalt  }
0x53: {  	_ =	shalt  }
0x54: {  	_ =	shalt  }
0x55: {  	_ =	shalt  }
0x56: {  	_ =	shalt  }
0x57: {  	_ =	shalt  }
0x58: {  	_ =	shalt  }
0x59: {  	_ =	shalt  }
0x5a: {  	_ =	shalt  }
0x5b: {  	_ =	shalt  }
0x5c: {  	_ =	shalt  }
0x5d: {  	_ =	shalt  }
0x5e: {  	_ =	shalt  }
0x5f: {  	_ =	shalt  }
0x60: {  	_ =	shalt  }
0x61: {  	_ =	shalt  }
0x62: {  	_ =	shalt  }
0x63: {  	_ =	shalt  }
0x64: {  	_ =	shalt  }
0x65: {  	_ =	shalt  }
0x66: {  	_ =	shalt  }
0x67: {  	_ =	shalt  }
0x68: {  	_ =	shalt  }
0x69: {  	_ =	shalt  }
0x6a: {  	_ =	shalt  }
0x6b: {  	_ =	shalt  }
0x6c: {  	_ =	shalt  }
0x6d: {  	_ =	shalt  }
0x6e: {  	_ =	shalt  }
0x6f: {  	_ =	shalt  }
0x70: {  	_ =	shalt  }
0x71: {  	_ =	shalt  }
0x72: {  	_ =	shalt  }
0x73: {  	_ =	shalt  }
0x74: {  	_ =	shalt  }
0x75: {  	_ =	shalt  }
0x76: {  	_ =	shalt  }
0x77: {  	_ =	shalt  }
0x78: {  	_ =	shalt  }
0x79: {  	_ =	shalt  }
0x7a: {  	_ =	shalt  }
0x7b: {  	_ =	shalt  }
0x7c: {  	_ =	shalt  }
0x7d: {  	_ =	shalt  }
0x7e: {  	_ =	shalt  }
0x7f: {  	_ =	shalt  }
0x80: {  	_ =	shalt  }
0x81: {  	_ =	shalt  }
0x82: {  	_ =	shalt  }
0x83: {  	_ =	shalt  }
0x84: {  	_ =	shalt  }
0x85: {  	_ =	shalt  }
0x86: {  	_ =	shalt  }
0x87: {  	_ =	shalt  }
.Lfunc_end0:
.L_simem_size_0:
called_computation_lowered:
.L_overlay_start_0:
0x88: {  	s2 =	sld [smem:$0x3FD9]  }
0x89: {  	s3 =	sld [smem:$0x3FFE];
	_ =	sdelay $0x1  }
0x8a: {  	s1 =	srdreg.scid  }
0x8b: {  	s0 =	sand.u32 $0x1, s1  }
0x8c: {  	s14 =	sshll.u32 s0, $0xA;
	s2 =	sadd.s32 s3, s2  }
0x8d: {  	s2 =	sadd.s32 s2, s14  }
0x8e: {  	[smem:$0x3FC5] =	sst s2  }
0x8f: {  	_ = 	snop  }
0x90: {  	s2 =	sld [smem:$0x3FD0];
	_ =	sdelay $0x1  }
0x91: {  	s15 =	sld [smem:$0x3FC9]  }
0x92: {  	s5 =	simm.s32 $0xA;
	s6 =	simm.s32 $0x10;
	s4 =	sld [smem:$0x3FC8]  }
0x93: {  	[smem:s6], [sflag:s5] =	dma.local [hbm:s2], $0x1  }
0x94: {  	_ =	swait.eq [sflag:s5], $0x1  }
0x95: {  	[sflag:s5] =	ssyncset.done $0x0  }
0x96: {  	[sflag:s5] =	ssyncadd.s32 $0xFFFFFFFF  }
0x97: {  	s16 =	sld [smem:$0x11];
	(tm) =	ssettm $0x1  }
0x98: {  	s17 =	sld [smem:$0x3FFB];
	_ =	sdelay $0x3  }
0x99: {  	_ =	strace s17  }
0x9a: {  	s5 =	sld [smem:$0x3FFC];
	_ =	sdelay $0x3  }
0x9b: {  	_ =	strace s5  }
0x9c: {  	s5 =	sld [smem:$0x3FFD];
	_ =	sdelay $0x3  }
0x9d: {  	_ =	strace s5  }
0x9e: {  	_ =	strace $0x8FFFFFFF  }
0x9f: {  	s18 =	sld [smem:$0x3FDB];
	_ =	sdelay $0x1  }
0xa0: {  	s19 =	simm.s32 $_scs_section_size  }
0xa1: {  	s7 =	simm.s32 $_size__tile_overlayer_lowered;
	s8 =	simm.s32 $_tile_overlayer_lowered  }
0xa2: {  	s22 =	simm.s32 $0x1BFF;
	s21 =	sshll.u32 s8, $0x1;
	s5 =	sadd.s32 s19, s18  }
0xa3: {  	s9 =	simm.s32 $0x0;
	s20 =	sshll.u32 s7, $0x1;
	s7 =	sadd.s32 s21, s5  }
0xa4: {  	[timem:s9], [sflag:s22] =	dma.local [hbm:s7], s20  }
0xa5: {  	_ =	swait.ge [sflag:s22], s20  }
0xa6: {  	s6 =	ssub.s32 $0x0, s20;
	[sflag:s22] =	ssyncset.done $0x0  }
0xa7: {  	[sflag:s22] =	ssyncadd.s32 s6;
	_ =	sdelay $0x1  }
0xa8: {  	s23 =	simm.s32 $0x1B8B  }
0xa9: {  	_ =	swait.ge [sflag:s23], $0x1  }
0xaa: {  	[sflag:s23] =	ssyncset.done $0x0  }
0xab: {  	s25 =	simm.s32 $0x1B8E;
	s24 =	sld [smem:$0x3FFE];
	[sflag:s23] =	ssyncadd.s32 $0xFFFFFFFF  }
0xac: {  	s26 =	simm.s32 $execute0_lowered;
	[smem:$0x3FD2] =	sst s25  }
0xad: {  	s7 =	sshll.u32 s26, $0x1;
	_ =	strace $0x80000046;
	[dreg:$0x1] =	wrdreg $0xFFFFFFFF  }
0xae: {  	s28 =	simm.s32 $_size_execute0_lowered;
	s5 =	sadd.s32 s5, s7;
	[dreg:$0x0] =	wrdreg $0x0  }
0xaf: {  	s7 =	sshll.u32 s28, $0x1;
	[dreg:$0x2] =	wrdreg s5  }
0xb0: {  	[dreg:$0x3] =	wrdreg s7  }
0xb1: {  	[dreg:$0x4] =	wrdreg $0xC0  }
0xb2: {  	_ =	task [dreg:s9], $0x5FFFF  }
0xb3: {  	[dreg:$0x1] =	wrdreg $0xFFFFFFFF  }
0xb4: {  	[dreg:$0x0] =	wrdreg $0x60  }
0xb5: {  	[dreg:$0x2] =	wrdreg s15  }
0xb6: {  	[dreg:$0x3] =	wrdreg s4  }
0xb7: {  	[dreg:$0x4] =	wrdreg s16  }
0xb8: {  	[dreg:$0x5] =	wrdreg s24  }
0xb9: {  	[dreg:$0x6] =	wrdreg $0x9  }
0xba: {  	_ =	task.clear_ibuf [dreg:s9], $0x7FFFF;
	_ =	strace $0x90000046  }
0xbb: {  	s29 =	simm.s32 $0x9;
	_ =	strace $0x80000048  }
0xbc: {  	_ =	swait.ge [sflag:s29], $0x1  }
0xbd: {  	[sflag:s29] =	ssyncadd.s32 $0xFFFFFFFF  }
0xbe: {  	_ =	strace $0x90000048  }
0xbf: {  	_ =	sfence  }
0xc0: {  	s30 =	sld [smem:$0x0];
	_ =	sdelay $0x2  }
0xc1: {  	s31 =	sshll.u32 s1, $0xD;
	s1 =	sshrl.u32 s1, $0x2  }
0xc2: {  	s3 =	sand.u32 $0x4000, s31;
	s1 =	sadd.s32 s1, s30  }
0xc3: {  	s0 =	sor.u32 s3, s0;
	s1 =	sshll.u32 s1, $0x11  }
0xc4: {  	s0 =	sor.u32 s1, s0  }
0xc5: {  	s0 =	sadd.s32 $0x8F2B, s0  }
0xc6: {  	[sflag:s0] =	ssyncadd.remote.s32 $0x1  }
0xc7: {  	_ =	sfence.sel $0xFFFF  }
0xc8: {  	[dreg:$0x0] =	wrdreg $0xFFFFFFFF;
	(pc) =	sbr.abs _section_cstart, $3  }
0xc9: {  	[dreg:$0x1] =	wrdreg $0xFFFFFFFF  }
0xca: {  	_ =	task.clear_ibuf [dreg:s9], $0x2FFFF;
	_ =	strace $0x9FFFFFFF  }
0xcb: {  	(tm) =	ssettm $0x7FFFFFFF  }
tec
execute0_lowered:
.L_overlay_start_1:
0x0: {  	(tag) =	ssettag $0x1  }
0x1: {  	s0 =	rddreg [dreg:$0x0]  }
0x2: {  	s2 =	rddreg [dreg:$0x1]  }
0x3: {  	s1 =	rddreg [dreg:$0x2]  }
0x4: {  	s5 =	rddreg [dreg:$0x3];
	s3 =	simm.s32 $0x0  }
0x5: {  	s4 =	srdreg.scid;
	s6 =	stileid.u32;
	s15 =	simm.s32 $0x2  }
0x6: {  	s16 =	simm.s32 $0x80;
	s17 =	simm.s32 $0x8080;
	s28 =	simm.s32 $0xD080  }
0x7: {  	s29 =	simm.s32 $0xD880;
	s30 =	simm.s32 $0xE080;
	s31 =	simm.s32 $0xE880  }
0x8: {  	[smem:$0x7FF] =	sst s3;
	s4 =	sand.u32 $0x1, s4;
	s6 =	sshll.u32 s6, $0x1  }
0x9: {  	_ =	strace $0x80000047;
	s6 =	sor.u32 s4, s6;
	s7 =	ssub.s32 $0x2, s4  }
0xa: {  	s4 =	sadd.s32 $0x800, s5;
	s8 =	sshll.u32 s6, $0x4;
	s9 =	sshrl.u32 s7, $0x1  }
0xb: {  	s18 =	sshll.u32 s6, $0x9;
	s19 =	sshll.u32 s6, $0x6;
	s6 =	sshll.u32 s6, $0xE  }
0xc: {  	s5 =	sadd.s32 s8, s5;
	s7 =	ssub.s32 s7, s9;
	s10 =	sor.u32 $0x80, s18  }
0xd: {  	s9 =	sadd.s32 s2, s19;
	s6 =	sadd.s32 s0, s6;
	s22 =	sor.u32 $0x100, s18  }
0xe: {  	s8 =	sor.u32 $0x180, s18;
	s18 =	simm.s32 $0x8880;
	[dreg:$0x5] =	wrdreg s9  }
0xf: {  	s19 =	simm.s32 $0x9080;
	[dreg:$0x6] =	wrdreg s6;
	s20 =	sshrl.u32 s10, $0x3  }
0x10: {  	s21 =	sshll.u32 s10, $0x5;
	s23 =	sshrl.u32 s22, $0x3;
	s24 =	sshll.u32 s22, $0x5  }
0x11: {  	s25 =	sshrl.u32 s8, $0x3;
	s26 =	sshll.u32 s8, $0x5;
	s13 =	sadd.s32 $0x40800, s5  }
0x12: {  	s14 =	smax.u32 s7, $0x1;
	s22 =	simm.s32 $0xA880;
	s6 =	sadd.s32 s2, s20  }
0x13: {  	s5 =	simm.s32 $0x1;
	[dreg:$0x7] =	wrdreg s6;
	s6 =	sadd.s32 s0, s21  }
0x14: {  	s20 =	simm.s32 $0x9880;
	s21 =	simm.s32 $0xA080;
	[dreg:$0x8] =	wrdreg s6  }
0x15: {  	s6 =	sadd.s32 s2, s23;
	s2 =	sadd.s32 s2, s25;
	s23 =	simm.s32 $0xB080  }
0x16: {  	s25 =	simm.s32 $0xC080;
	[dreg:$0x9] =	wrdreg s6;
	s6 =	sadd.s32 s0, s24  }
0x17: {  	v3 =	vlaneseq.u32;
	[dreg:$0xb] =	wrdreg s2;
	s0 =	sadd.s32 s0, s26;
	s24 =	simm.s32 $0xB880  }
0x18: {  	v0 =	vimm.f32 $0.0e+00;
	vm0 =	vmmov $0xffff;
	v2 =	vshrl.u32 v3, $0x3;
	s26 =	simm.s32 $0xC880;
	s2 =	simm.s32 $0xF880;
	[dreg:$0xa] =	wrdreg s6  }
0x19: {  	v1 =	vand.u32 $0x7, v3;
	v3 =	vor.u32 $0x8, v3;
	v2 =	vmul.u32 $0x8, v2;
	[dreg:$0xc] =	wrdreg s0;
	s0 =	simm.s32 $0xF080;
	s6 =	simm.s32 $0x0  }
.LBB2_1:
0x1a: {  	[tilespmem:$0x10080] =	vst v0;
	s7 =	rddreg [dreg:$0x5]  }
0x1b: {  	[tilespmem:s3], [sflag:$0x2] =	stream.linear.gather [hbm4b:s7+s3], $0x80, $0x38;
	[tilespmem:$0x10100] =	vst v63  }
0x1c: {  	_ =	swait.ge [sflag:s15], $0x80  }
0x1d: {  	[sflag:s15] =	ssyncset.done $0x0  }
0x1e: {  	s11 =	rddreg [dreg:$0x6];
	[sflag:s15] =	ssyncadd.s32 $0xFFFFFF80  }
0x1f: {  	[tilespmem:s16], [sflag:$0x2] =	stream.linear.gather [hbm4b:s11+s3], $0x8000, $0x38;
	[tilespmem:$0x10100] =	vst v63  }
0x20: {  	_ =	swait.ge [sflag:s15], $0x8000  }
0x21: {  	[sflag:s15] =	ssyncset.done $0x0  }
0x22: {  	[sflag:s15] =	ssyncadd.s32 $0xFFFF8000  }
0x23: {  	v4 =	vld [tilespmem:$0x0];
	_ =	sdelay $0x4  }
0x24: {  	v5 =	vshll.u32 v4, $0x1  }
0x25: {  	v4 =	vand.u32 $0x7, v4;
	v5 =	vand.u32 $0xFFFFFFF0, v5  }
0x26: {  	v4 =	vor.u32 v4, v5  }
0x27: {  	v5 =	vperm.xlane v4, v1;
	_ =	sdelay $0x1  }
0x28: {  	v4 =	vperm.xlane v4, v3;
	v5 =	vadd.s32 v2, v5;
	_ =	sdelay $0x1  }
0x29: {  	v4 =	vadd.s32 v2, v4;
	_ =	sdelay $0x2  }
0x2a: {  	[tilespmem:s17], [sflag:$0x1] =	stream.indirect_vreg.gather [hbm4b:s1+s3], $0x80, v5, vm0, $0xb8;
	[tilespmem:$0x10100] =	vst v63  }
0x2b: {  	_ = 	snop  }
0x2c: {  	[tilespmem:s18], [sflag:$0x1] =	stream.indirect_vreg.gather [hbm4b:s1+s3], $0x80, v4, vm0, $0xb8;
	[tilespmem:$0x10100] =	vst v63  }
0x2d: {  	v4 =	vld [tilespmem:$0x10];
	_ =	sdelay $0x4  }
0x2e: {  	v5 =	vshll.u32 v4, $0x1  }
0x2f: {  	v4 =	vand.u32 $0x7, v4;
	v5 =	vand.u32 $0xFFFFFFF0, v5  }
0x30: {  	v4 =	vor.u32 v4, v5  }
0x31: {  	v5 =	vperm.xlane v4, v1;
	_ =	sdelay $0x1  }
0x32: {  	v4 =	vperm.xlane v4, v3;
	v5 =	vadd.s32 v2, v5;
	_ =	sdelay $0x1  }
0x33: {  	v4 =	vadd.s32 v2, v4;
	_ =	sdelay $0x2  }
0x34: {  	[tilespmem:s19], [sflag:$0x1] =	stream.indirect_vreg.gather [hbm4b:s1+s3], $0x80, v5, vm0, $0xb8;
	[tilespmem:$0x10100] =	vst v63  }
0x35: {  	_ = 	snop  }
0x36: {  	[tilespmem:s20], [sflag:$0x1] =	stream.indirect_vreg.gather [hbm4b:s1+s3], $0x80, v4, vm0, $0xb8;
	[tilespmem:$0x10100] =	vst v63  }
0x37: {  	v4 =	vld [tilespmem:$0x20];
	_ =	sdelay $0x4  }
0x38: {  	v5 =	vshll.u32 v4, $0x1  }
0x39: {  	v4 =	vand.u32 $0x7, v4;
	v5 =	vand.u32 $0xFFFFFFF0, v5  }
0x3a: {  	v4 =	vor.u32 v4, v5  }
0x3b: {  	v5 =	vperm.xlane v4, v1;
	_ =	sdelay $0x1  }
0x3c: {  	v4 =	vperm.xlane v4, v3;
	v5 =	vadd.s32 v2, v5;
	_ =	sdelay $0x1  }
0x3d: {  	v4 =	vadd.s32 v2, v4;
	_ =	sdelay $0x2  }
0x3e: {  	[tilespmem:s21], [sflag:$0x1] =	stream.indirect_vreg.gather [hbm4b:s1+s3], $0x80, v5, vm0, $0xb8;
	[tilespmem:$0x10100] =	vst v63  }
0x3f: {  	_ = 	snop  }
0x40: {  	[tilespmem:s22], [sflag:$0x1] =	stream.indirect_vreg.gather [hbm4b:s1+s3], $0x80, v4, vm0, $0xb8;
	[tilespmem:$0x10100] =	vst v63  }
0x41: {  	v4 =	vld [tilespmem:$0x30];
	_ =	sdelay $0x4  }
0x42: {  	v5 =	vshll.u32 v4, $0x1  }
0x43: {  	v4 =	vand.u32 $0x7, v4;
	v5 =	vand.u32 $0xFFFFFFF0, v5  }
0x44: {  	v4 =	vor.u32 v4, v5  }
0x45: {  	v5 =	vperm.xlane v4, v1;
	_ =	sdelay $0x1  }
0x46: {  	v4 =	vperm.xlane v4, v3;
	v5 =	vadd.s32 v2, v5;
	_ =	sdelay $0x1  }
0x47: {  	v4 =	vadd.s32 v2, v4;
	_ =	sdelay $0x2  }
0x48: {  	[tilespmem:s23], [sflag:$0x1] =	stream.indirect_vreg.gather [hbm4b:s1+s3], $0x80, v5, vm0, $0xb8;
	[tilespmem:$0x10100] =	vst v63  }
0x49: {  	_ = 	snop  }
0x4a: {  	[tilespmem:s24], [sflag:$0x1] =	stream.indirect_vreg.gather [hbm4b:s1+s3], $0x80, v4, vm0, $0xb8;
	[tilespmem:$0x10100] =	vst v63  }
0x4b: {  	v4 =	vld [tilespmem:$0x40];
	_ =	sdelay $0x4  }
0x4c: {  	v5 =	vshll.u32 v4, $0x1  }
0x4d: {  	v4 =	vand.u32 $0x7, v4;
	v5 =	vand.u32 $0xFFFFFFF0, v5  }
0x4e: {  	v4 =	vor.u32 v4, v5  }
0x4f: {  	v5 =	vperm.xlane v4, v1;
	_ =	sdelay $0x1  }
0x50: {  	v4 =	vperm.xlane v4, v3;
	v5 =	vadd.s32 v2, v5;
	_ =	sdelay $0x1  }
0x51: {  	v4 =	vadd.s32 v2, v4;
	_ =	sdelay $0x2  }
0x52: {  	[tilespmem:s25], [sflag:$0x1] =	stream.indirect_vreg.gather [hbm4b:s1+s3], $0x80, v5, vm0, $0xb8;
	[tilespmem:$0x10100] =	vst v63  }
0x53: {  	_ = 	snop  }
0x54: {  	[tilespmem:s26], [sflag:$0x1] =	stream.indirect_vreg.gather [hbm4b:s1+s3], $0x80, v4, vm0, $0xb8;
	[tilespmem:$0x10100] =	vst v63  }
0x55: {  	v4 =	vld [tilespmem:$0x50];
	_ =	sdelay $0x4  }
0x56: {  	v5 =	vshll.u32 v4, $0x1  }
0x57: {  	v4 =	vand.u32 $0x7, v4;
	v5 =	vand.u32 $0xFFFFFFF0, v5  }
0x58: {  	v4 =	vor.u32 v4, v5  }
0x59: {  	v5 =	vperm.xlane v4, v1;
	_ =	sdelay $0x1  }
0x5a: {  	v4 =	vperm.xlane v4, v3;
	v5 =	vadd.s32 v2, v5;
	_ =	sdelay $0x1  }
0x5b: {  	v4 =	vadd.s32 v2, v4;
	_ =	sdelay $0x2  }
0x5c: {  	[tilespmem:s28], [sflag:$0x1] =	stream.indirect_vreg.gather [hbm4b:s1+s3], $0x80, v5, vm0, $0xb8;
	[tilespmem:$0x10100] =	vst v63  }
0x5d: {  	_ = 	snop  }
0x5e: {  	[tilespmem:s29], [sflag:$0x1] =	stream.indirect_vreg.gather [hbm4b:s1+s3], $0x80, v4, vm0, $0xb8;
	[tilespmem:$0x10100] =	vst v63  }
0x5f: {  	v4 =	vld [tilespmem:$0x60];
	_ =	sdelay $0x4  }
0x60: {  	v5 =	vshll.u32 v4, $0x1  }
0x61: {  	v4 =	vand.u32 $0x7, v4;
	v5 =	vand.u32 $0xFFFFFFF0, v5  }
0x62: {  	v4 =	vor.u32 v4, v5  }
0x63: {  	v5 =	vperm.xlane v4, v1;
	_ =	sdelay $0x1  }
0x64: {  	v4 =	vperm.xlane v4, v3;
	v5 =	vadd.s32 v2, v5;
	_ =	sdelay $0x1  }
0x65: {  	v4 =	vadd.s32 v2, v4;
	_ =	sdelay $0x2  }
0x66: {  	[tilespmem:s30], [sflag:$0x1] =	stream.indirect_vreg.gather [hbm4b:s1+s3], $0x80, v5, vm0, $0xb8;
	[tilespmem:$0x10100] =	vst v63  }
0x67: {  	_ = 	snop  }
0x68: {  	[tilespmem:s31], [sflag:$0x1] =	stream.indirect_vreg.gather [hbm4b:s1+s3], $0x80, v4, vm0, $0xb8;
	[tilespmem:$0x10100] =	vst v63  }
0x69: {  	v4 =	vld [tilespmem:$0x70];
	_ =	sdelay $0x4  }
0x6a: {  	v5 =	vshll.u32 v4, $0x1  }
0x6b: {  	v4 =	vand.u32 $0x7, v4;
	v5 =	vand.u32 $0xFFFFFFF0, v5  }
0x6c: {  	v4 =	vor.u32 v4, v5  }
0x6d: {  	v5 =	vperm.xlane v4, v1;
	_ =	sdelay $0x1  }
0x6e: {  	v4 =	vperm.xlane v4, v3;
	v5 =	vadd.s32 v2, v5;
	_ =	sdelay $0x1  }
0x6f: {  	v4 =	vadd.s32 v2, v4;
	_ =	sdelay $0x2  }
0x70: {  	[tilespmem:s0], [sflag:$0x1] =	stream.indirect_vreg.gather [hbm4b:s1+s3], $0x80, v5, vm0, $0xb8;
	[tilespmem:$0x10100] =	vst v63  }
0x71: {  	_ = 	snop  }
0x72: {  	[tilespmem:s2], [sflag:$0x1] =	stream.indirect_vreg.gather [hbm4b:s1+s3], $0x80, v4, vm0, $0xb8;
	[tilespmem:$0x10100] =	vst v63  }
0x73: {  	_ =	swait.ge [sflag:s5], $0x8000  }
0x74: {  	[sflag:s5] =	ssyncset.done $0x0  }
0x75: {  	s12 =	sand.u32 $0x7800, s3;
	s8 =	sand.u32 $0x380, s3;
	[sflag:s5] =	ssyncadd.s32 $0xFFFF8000  }
0x76: {  	s7 =	sor.u32 s8, s12;
	v25 =	vld [tilespmem:$0x10080]  }
0x77: {  	v6 =	vld [tilespmem:s7+$0x80F0]  }
0x78: {  	v4 =	vld [tilespmem:s7+$0xF0]  }
0x79: {  	v8 =	vld [tilespmem:s7+$0x80E0]  }
0x7a: {  	v9 =	vld [tilespmem:s7+$0xE0]  }
0x7b: {  	v13 =	vld [tilespmem:s7+$0x80D0]  }
0x7c: {  	v11 =	vld [tilespmem:s7+$0xD0]  }
0x7d: {  	v12 =	vld [tilespmem:s7+$0x80C0]  }
0x7e: {  	v14 =	vld [tilespmem:s7+$0x80B0]  }
0x7f: {  	v5 =	vld [tilespmem:s7+$0xB0]  }
0x80: {  	v10 =	vld [tilespmem:s7+$0x80A0]  }
0x81: {  	v15 =	vld [tilespmem:s7+$0xA0]  }
0x82: {  	v16 =	vld [tilespmem:s7+$0xC0]  }
0x83: {  	v31 =	vld [tilespmem:s7+$0x8080]  }
0x84: {  	v20 =	vld [tilespmem:s7+$0x80]  }
0x85: {  	v22 =	vld [tilespmem:s7+$0x490]  }
0x86: {  	v17 =	vld [tilespmem:s7+$0x8490]  }
0x87: {  	v7 =	vld [tilespmem:s7+$0x8090]  }
0x88: {  	v18 =	vld [tilespmem:s7+$0x90];
	v19 =	vsub.f32 v5, v14  }
0x89: {  	v26 =	vld [tilespmem:s7+$0x4A0];
	v9 =	vsub.f32 v9, v8;
	v16 =	vsub.f32 v16, v12  }
0x8a: {  	v32 =	vld [tilespmem:s7+$0x4D0];
	v24 =	vsub.f32 v4, v6;
	v27 =	vsub.f32 v20, v31;
	v21 =	vmul.f32 $1.000000050e-03, v19  }
0x8b: {  	v5 =	vld [tilespmem:s7+$0x84B0];
	v11 =	vsub.f32 v11, v13;
	v22 =	vsub.f32 v22, v17;
	v23 =	vmul.f32 $1.000000050e-03, v9  }
0x8c: {  	v20 =	vld [tilespmem:s7+$0x4E0];
	v33 =	vmul.f32 v27, v27;
	v34 =	vmul.f32 $1.000000050e-03, v27;
	v4 =	vadd.f32 v21, v14  }
0x8d: {  	v8 =	vadd.f32 v23, v8;
	v23 =	vsub.f32 v15, v10;
	v15 =	vmul.f32 v19, v19;
	v19 =	vld [tilespmem:s7+$0x84A0]  }
0x8e: {  	v14 =	vmul.f32 $1.000000050e-03, v16;
	v21 =	vmul.f32 $1.000000050e-03, v24;
	v33 =	vadd.f32 v33, v25;
	v25 =	vld [tilespmem:s7+$0x480]  }
0x8f: {  	v29 =	vmul.f32 $1.000000050e-03, v11;
	v11 =	vmul.f32 v11, v11;
	v31 =	vadd.f32 v34, v31;
	[tilespmem:s7+$0x80B0] =	vst v4;
	v4 =	vld [tilespmem:s7+$0x84D0]  }
0x90: {  	v12 =	vadd.f32 v14, v12;
	[tilespmem:s7+$0x80E0] =	vst v8;
	v8 =	vmul.f32 v9, v9;
	v14 =	vadd.f32 v21, v6;
	v6 =	vld [tilespmem:s7+$0x8480]  }
0x91: {  	v9 =	vmul.f32 v24, v24;
	v21 =	vsub.f32 v18, v7;
	v28 =	vmul.f32 $1.000000050e-03, v23;
	v18 =	vld [tilespmem:s7+$0x84E0]  }
0x92: {  	v24 =	vmul.f32 $1.000000050e-03, v22;
	[tilespmem:s7+$0x80C0] =	vst v12;
	v12 =	vmul.f32 v22, v22;
	v22 =	vld [tilespmem:s7+$0x84F0];
	v35 =	vsub.f32 v26, v19  }
0x93: {  	v27 =	vmul.f32 v23, v23;
	v23 =	vadd.f32 v29, v13;
	v30 =	vmul.f32 v21, v21;
	v26 =	vld [tilespmem:s7+$0x4F0]  }
0x94: {  	s9 =	simm.s32 $0x100;
	s8 =	simm.s32 $0x80;
	v29 =	vld [tilespmem:s7+$0x4B0];
	[tilespmem:s7+$0x80F0] =	vst v14;
	v13 =	vmul.f32 v35, v35;
	v14 =	vsub.f32 v32, v4;
	v32 =	vmul.f32 $1.000000050e-03, v35  }
.LBB2_2:
0x95: {  	s11 =	smov.u32 s9  }
0x96: {  	s10 =	sand.u32 $0x7800, s9;
	s12 =	sand.u32 $0x380, s8;
	v21 =	vmul.f32 $1.000000050e-03, v21;
	v10 =	vadd.f32 v28, v10;
	v17 =	vadd.f32 v24, v17;
	v24 =	vld [tilespmem:s7+$0x4C0];
	s11 =	sadd.s32 $0x100, s9  }
0x97: {  	p0 =	sne.s32 s9, $0x7F00;
	s10 =	sor.u32 s12, s10;
	v28 =	vadd.f32 v30, v33;
	v19 =	vadd.f32 v32, v19;
	[tilespmem:s7+$0x8080] =	vst v31;
	v30 =	vld [tilespmem:s7+$0x84C0]  }
0x98: {  	v7 =	vadd.f32 v21, v7;
	v31 =	vld [tilespmem:s10+$0x80F0];
	[tilespmem:s7+$0x80A0] =	vst v10;
	v10 =	vsub.f32 v26, v22  }
0x99: {  	v16 =	vmul.f32 v16, v16;
	v21 =	vadd.f32 v27, v28;
	v26 =	vld [tilespmem:s10+$0xF0];
	[tilespmem:s7+$0x84A0] =	vst v19;
	v19 =	vsub.f32 v29, v5  }
0x9a: {  	v28 =	vmul.f32 v14, v14;
	v27 =	vld [tilespmem:s10+$0x80E0];
	[tilespmem:s7+$0x8090] =	vst v7;
	v7 =	vsub.f32 v20, v18;
	v20 =	vmul.f32 $1.000000050e-03, v10  }
0x9b: {  	v15 =	vadd.f32 v15, v21;
	v29 =	vld [tilespmem:s10+$0xE0];
	[tilespmem:s7+$0x80D0] =	vst v23;
	v23 =	vmul.f32 v19, v19;
	v19 =	vmul.f32 $1.000000050e-03, v19  }
0x9c: {  	v32 =	vld [tilespmem:s10+$0x80D0];
	v33 =	vmul.f32 v7, v7;
	v7 =	vmul.f32 $1.000000050e-03, v7;
	v20 =	vadd.f32 v20, v22  }
0x9d: {  	v15 =	vadd.f32 v16, v15;
	v21 =	vld [tilespmem:s10+$0xD0];
	v5 =	vadd.f32 v19, v5  }
0x9e: {  	v16 =	vsub.f32 v25, v6;
	v25 =	vmul.f32 v10, v10;
	v22 =	vld [tilespmem:s10+$0x80C0];
	v7 =	vadd.f32 v7, v18;
	[tilespmem:s7+$0x84F0] =	vst v20  }
0x9f: {  	v11 =	vadd.f32 v11, v15;
	v18 =	vld [tilespmem:s10+$0x80B0];
	[tilespmem:s7+$0x84B0] =	vst v5;
	v5 =	vsub.f32 v24, v30  }
0xa0: {  	v19 =	vmul.f32 $1.000000050e-03, v16;
	v15 =	vld [tilespmem:s10+$0xB0];
	[tilespmem:s7+$0x84E0] =	vst v7  }
0xa1: {  	v8 =	vadd.f32 v8, v11;
	v11 =	vmul.f32 v16, v16;
	v10 =	vld [tilespmem:s10+$0x80A0];
	v16 =	vmul.f32 $1.000000050e-03, v5  }
0xa2: {  	v6 =	vadd.f32 v19, v6;
	v20 =	vld [tilespmem:s10+$0xA0]  }
0xa3: {  	v8 =	vadd.f32 v9, v8;
	v7 =	vld [tilespmem:s10+$0x8090];
	v9 =	vadd.f32 v16, v30  }
0xa4: {  	v16 =	vld [tilespmem:s10+$0xC0];
	[tilespmem:s7+$0x8480] =	vst v6  }
0xa5: {  	v6 =	vadd.f32 v11, v8;
	v19 =	vld [tilespmem:s10+$0x90];
	[tilespmem:s7+$0x84C0] =	vst v9  }
0xa6: {  	v8 =	vsub.f32 v15, v18;
	v34 =	vld [tilespmem:s10+$0x8080]  }
0xa7: {  	v11 =	vadd.f32 v12, v6;
	v12 =	vmul.f32 v5, v5;
	v9 =	vld [tilespmem:s10+$0x80];
	v35 =	vsub.f32 v20, v10  }
0xa8: {  	v14 =	vmul.f32 $1.000000050e-03, v14;
	v24 =	vsub.f32 v21, v32;
	v20 =	vmul.f32 $1.000000050e-03, v8;
	v5 =	vld [tilespmem:s10+$0x84B0]  }
0xa9: {  	v15 =	vmul.f32 v8, v8;
	v8 =	vadd.f32 v13, v11;
	v16 =	vsub.f32 v16, v22;
	v6 =	vld [tilespmem:s10+$0x8480]  }
0xaa: {  	v13 =	vmul.f32 $1.000000050e-03, v24;
	v21 =	vsub.f32 v19, v7;
	v19 =	vsub.f32 v29, v27;
	v29 =	vld [tilespmem:s10+$0x490];
	[tilespmem:s7+$0x8490] =	vst v17  }
0xab: {  	v11 =	vmul.f32 v24, v24;
	v23 =	vadd.f32 v23, v8;
	v30 =	vmul.f32 $1.000000050e-03, v16;
	v17 =	vld [tilespmem:s10+$0x8490]  }
0xac: {  	v4 =	vadd.f32 v14, v4;
	v26 =	vsub.f32 v26, v31;
	v24 =	vmul.f32 $1.000000050e-03, v19;
	v36 =	vld [tilespmem:s10+$0x4A0]  }
0xad: {  	v14 =	vadd.f32 v20, v18;
	v8 =	vmul.f32 v19, v19;
	v12 =	vadd.f32 v12, v23;
	v19 =	vld [tilespmem:s10+$0x84A0]  }
0xae: {  	v18 =	vsub.f32 v9, v34;
	v23 =	vmul.f32 $1.000000050e-03, v26;
	v20 =	vadd.f32 v24, v27;
	v37 =	vld [tilespmem:s10+$0x4D0];
	[tilespmem:s7+$0x84D0] =	vst v4;
	s7 =	smov.u32 s10  }
0xaf: {  	v9 =	vmul.f32 v26, v26;
	v12 =	vadd.f32 v28, v12;
	[tilespmem:s7+$0x80B0] =	vst v14;
	v14 =	vadd.f32 v30, v22;
	v4 =	vld [tilespmem:s7+$0x84D0]  }
0xb0: {  	v38 =	vmul.f32 v18, v18;
	v22 =	vadd.f32 v23, v31;
	[tilespmem:s7+$0x80E0] =	vst v20;
	v23 =	vsub.f32 v29, v17;
	v20 =	vld [tilespmem:s7+$0x4E0]  }
.Ltmp0:
0xb1: {  	v28 =	vmul.f32 $1.000000050e-03, v35;
	v31 =	vmul.f32 $1.000000050e-03, v18;
	[tilespmem:s7+$0x80C0] =	vst v14;
	v18 =	vld [tilespmem:s7+$0x84E0];
	v14 =	vadd.f32 v33, v12;
	(pc) =	sbr.rel @p0 .LBB2_2-.Ltmp0, $4  }
0xb2: {  	[tilespmem:s7+$0x80F0] =	vst v22;
	v12 =	vmul.f32 v23, v23;
	v24 =	vmul.f32 $1.000000050e-03, v23;
	v36 =	vsub.f32 v36, v19;
	v26 =	vld [tilespmem:s7+$0x4F0]  }
0xb3: {  	v27 =	vmul.f32 v35, v35;
	v30 =	vmul.f32 v21, v21;
	v22 =	vld [tilespmem:s7+$0x84F0];
	v25 =	vadd.f32 v25, v14  }
0xb4: {  	v23 =	vadd.f32 v13, v32;
	v13 =	vmul.f32 v36, v36;
	v29 =	vld [tilespmem:s7+$0x4B0];
	v14 =	vsub.f32 v37, v4  }
0xb5: {  	s8 =	sadd.s32 $0x80, s8;
	s9 =	smov.u32 s11;
	v31 =	vadd.f32 v31, v34;
	v32 =	vmul.f32 $1.000000050e-03, v36;
	v33 =	vadd.f32 v38, v25;
	v25 =	vld [tilespmem:s7+$0x480]  }
0xb6: {  	_ = 	snop  }
0xb7: {  	v61 =	vld [tilespmem:s7+$0x4C0];
	v30 =	vadd.f32 v30, v33  }
0xb8: {  	v10 =	vadd.f32 v28, v10;
	v28 =	vld [tilespmem:s7+$0x84C0];
	v21 =	vmul.f32 $1.000000050e-03, v21  }
0xb9: {  	v19 =	vadd.f32 v32, v19;
	v27 =	vadd.f32 v27, v30  }
0xba: {  	v7 =	vadd.f32 v21, v7;
	[tilespmem:s7+$0x80A0] =	vst v10;
	v10 =	vsub.f32 v20, v18  }
0xbb: {  	v16 =	vmul.f32 v16, v16;
	v29 =	vsub.f32 v29, v5;
	v15 =	vadd.f32 v15, v27  }
0xbc: {  	v26 =	vsub.f32 v26, v22;
	[tilespmem:s7+$0x8090] =	vst v7;
	v7 =	vmul.f32 $1.000000050e-03, v10  }
0xbd: {  	[tilespmem:s7+$0x84A0] =	vst v19;
	v19 =	vmul.f32 $1.000000050e-03, v29;
	v21 =	vsub.f32 v61, v28;
	v15 =	vadd.f32 v16, v15  }
0xbe: {  	[tilespmem:s7+$0x80D0] =	vst v23;
	v20 =	vmul.f32 $1.000000050e-03, v26;
	v7 =	vadd.f32 v7, v18;
	v16 =	vsub.f32 v25, v6  }
0xbf: {  	[tilespmem:s7+$0x8080] =	vst v31;
	v5 =	vadd.f32 v19, v5;
	v18 =	vmul.f32 $1.000000050e-03, v21;
	v11 =	vadd.f32 v11, v15  }
0xc0: {  	v20 =	vadd.f32 v20, v22;
	[tilespmem:s7+$0x84E0] =	vst v7;
	v15 =	vmul.f32 $1.000000050e-03, v16  }
0xc1: {  	[tilespmem:s7+$0x84B0] =	vst v5;
	v7 =	vadd.f32 v18, v28;
	v5 =	vadd.f32 v8, v11  }
0xc2: {  	[tilespmem:s7+$0x84F0] =	vst v20;
	v6 =	vadd.f32 v15, v6;
	v8 =	vmul.f32 $1.000000050e-03, v14  }
0xc3: {  	v11 =	vadd.f32 v24, v17;
	v15 =	vmul.f32 v16, v16;
	[tilespmem:s7+$0x84C0] =	vst v7;
	v5 =	vadd.f32 v9, v5  }
0xc4: {  	[tilespmem:s7+$0x8480] =	vst v6;
	v4 =	vadd.f32 v8, v4  }
0xc5: {  	[tilespmem:s7+$0x8490] =	vst v11;
	v5 =	vadd.f32 v15, v5  }
0xc6: {  	[tilespmem:s7+$0x84D0] =	vst v4  }
0xc7: {  	v4 =	vadd.f32 v12, v5;
	v5 =	vld [tilespmem:$0x0];
	_ =	sdelay $0x1  }
0xc8: {  	v6 =	vmul.f32 v29, v29;
	v4 =	vadd.f32 v13, v4;
	_ =	sdelay $0x1  }
0xc9: {  	v7 =	vmul.f32 v21, v21;
	v4 =	vadd.f32 v6, v4  }
0xca: {  	v6 =	vmul.f32 v14, v14;
	v8 =	vshll.u32 v5, $0x1  }
0xcb: {  	v5 =	vand.u32 $0x7, v5;
	v4 =	vadd.f32 v7, v4;
	v7 =	vand.u32 $0xFFFFFFF0, v8  }
0xcc: {  	v5 =	vor.u32 v5, v7  }
0xcd: {  	v7 =	vmul.f32 v10, v10;
	v4 =	vadd.f32 v6, v4;
	v6 =	vperm.xlane v5, v1  }
0xce: {  	v8 =	vmul.f32 v26, v26  }
0xcf: {  	v5 =	vperm.xlane v5, v3;
	v4 =	vadd.f32 v7, v4;
	v6 =	vadd.s32 v2, v6;
	_ =	sdelay $0x1  }
0xd0: {  	v5 =	vadd.s32 v2, v5;
	v4 =	vadd.f32 v8, v4;
	_ =	sdelay $0x1  }
0xd1: {  	s10 =	simm.s32 $0x0;
	[tilespmem:$0x10080] =	vst v4  }
0xd2: {  	[hbm4b:s4+s10] =	stream.indirect_vreg.scatter [tilespmem:s17], [sflag:$0x1], $0x80, v6, vm0, $0xb8;
	[tilespmem:$0x10100] =	vst v63  }
0xd3: {  	_ = 	snop  }
0xd4: {  	[hbm4b:s4+s10] =	stream.indirect_vreg.scatter [tilespmem:s18], [sflag:$0x1], $0x80, v5, vm0, $0xb8;
	[tilespmem:$0x10100] =	vst v63  }
0xd5: {  	v4 =	vld [tilespmem:$0x10];
	_ =	sdelay $0x4  }
0xd6: {  	v5 =	vshll.u32 v4, $0x1  }
0xd7: {  	v4 =	vand.u32 $0x7, v4;
	v5 =	vand.u32 $0xFFFFFFF0, v5  }
0xd8: {  	v4 =	vor.u32 v4, v5  }
0xd9: {  	v5 =	vperm.xlane v4, v1;
	_ =	sdelay $0x1  }
0xda: {  	v4 =	vperm.xlane v4, v3;
	v5 =	vadd.s32 v2, v5;
	_ =	sdelay $0x1  }
0xdb: {  	v4 =	vadd.s32 v2, v4;
	_ =	sdelay $0x2  }
0xdc: {  	[hbm4b:s4+s10] =	stream.indirect_vreg.scatter [tilespmem:s19], [sflag:$0x1], $0x80, v5, vm0, $0xb8;
	[tilespmem:$0x10100] =	vst v63  }
0xdd: {  	_ = 	snop  }
0xde: {  	[hbm4b:s4+s10] =	stream.indirect_vreg.scatter [tilespmem:s20], [sflag:$0x1], $0x80, v4, vm0, $0xb8;
	[tilespmem:$0x10100] =	vst v63  }
0xdf: {  	v4 =	vld [tilespmem:$0x20];
	_ =	sdelay $0x4  }
0xe0: {  	v5 =	vshll.u32 v4, $0x1  }
0xe1: {  	v4 =	vand.u32 $0x7, v4;
	v5 =	vand.u32 $0xFFFFFFF0, v5  }
0xe2: {  	v4 =	vor.u32 v4, v5  }
0xe3: {  	v5 =	vperm.xlane v4, v1;
	_ =	sdelay $0x1  }
0xe4: {  	v4 =	vperm.xlane v4, v3;
	v5 =	vadd.s32 v2, v5;
	_ =	sdelay $0x1  }
0xe5: {  	v4 =	vadd.s32 v2, v4;
	_ =	sdelay $0x2  }
0xe6: {  	[hbm4b:s4+s10] =	stream.indirect_vreg.scatter [tilespmem:s21], [sflag:$0x1], $0x80, v5, vm0, $0xb8;
	[tilespmem:$0x10100] =	vst v63  }
0xe7: {  	_ = 	snop  }
0xe8: {  	[hbm4b:s4+s10] =	stream.indirect_vreg.scatter [tilespmem:s22], [sflag:$0x1], $0x80, v4, vm0, $0xb8;
	[tilespmem:$0x10100] =	vst v63  }
0xe9: {  	v4 =	vld [tilespmem:$0x30];
	_ =	sdelay $0x4  }
0xea: {  	v5 =	vshll.u32 v4, $0x1  }
0xeb: {  	v4 =	vand.u32 $0x7, v4;
	v5 =	vand.u32 $0xFFFFFFF0, v5  }
0xec: {  	v4 =	vor.u32 v4, v5  }
0xed: {  	v5 =	vperm.xlane v4, v1;
	_ =	sdelay $0x1  }
0xee: {  	v4 =	vperm.xlane v4, v3;
	v5 =	vadd.s32 v2, v5;
	_ =	sdelay $0x1  }
0xef: {  	v4 =	vadd.s32 v2, v4;
	_ =	sdelay $0x2  }
0xf0: {  	[hbm4b:s4+s10] =	stream.indirect_vreg.scatter [tilespmem:s23], [sflag:$0x1], $0x80, v5, vm0, $0xb8;
	[tilespmem:$0x10100] =	vst v63  }
0xf1: {  	_ = 	snop  }
0xf2: {  	[hbm4b:s4+s10] =	stream.indirect_vreg.scatter [tilespmem:s24], [sflag:$0x1], $0x80, v4, vm0, $0xb8;
	[tilespmem:$0x10100] =	vst v63  }
0xf3: {  	v4 =	vld [tilespmem:$0x40];
	_ =	sdelay $0x4  }
0xf4: {  	v5 =	vshll.u32 v4, $0x1  }
0xf5: {  	v4 =	vand.u32 $0x7, v4;
	v5 =	vand.u32 $0xFFFFFFF0, v5  }
0xf6: {  	v4 =	vor.u32 v4, v5  }
0xf7: {  	v5 =	vperm.xlane v4, v1;
	_ =	sdelay $0x1  }
0xf8: {  	v4 =	vperm.xlane v4, v3;
	v5 =	vadd.s32 v2, v5;
	_ =	sdelay $0x1  }
0xf9: {  	v4 =	vadd.s32 v2, v4;
	_ =	sdelay $0x2  }
0xfa: {  	[hbm4b:s4+s10] =	stream.indirect_vreg.scatter [tilespmem:s25], [sflag:$0x1], $0x80, v5, vm0, $0xb8;
	[tilespmem:$0x10100] =	vst v63  }
0xfb: {  	_ = 	snop  }
0xfc: {  	[hbm4b:s4+s10] =	stream.indirect_vreg.scatter [tilespmem:s26], [sflag:$0x1], $0x80, v4, vm0, $0xb8;
	[tilespmem:$0x10100] =	vst v63  }
0xfd: {  	v4 =	vld [tilespmem:$0x50];
	_ =	sdelay $0x4  }
0xfe: {  	v5 =	vshll.u32 v4, $0x1  }
0xff: {  	v4 =	vand.u32 $0x7, v4;
	v5 =	vand.u32 $0xFFFFFFF0, v5  }
0x100: {  	v4 =	vor.u32 v4, v5  }
0x101: {  	v5 =	vperm.xlane v4, v1;
	_ =	sdelay $0x1  }
0x102: {  	v4 =	vperm.xlane v4, v3;
	v5 =	vadd.s32 v2, v5;
	_ =	sdelay $0x1  }
0x103: {  	v4 =	vadd.s32 v2, v4;
	_ =	sdelay $0x2  }
0x104: {  	[hbm4b:s4+s10] =	stream.indirect_vreg.scatter [tilespmem:s28], [sflag:$0x1], $0x80, v5, vm0, $0xb8;
	[tilespmem:$0x10100] =	vst v63  }
0x105: {  	_ = 	snop  }
0x106: {  	[hbm4b:s4+s10] =	stream.indirect_vreg.scatter [tilespmem:s29], [sflag:$0x1], $0x80, v4, vm0, $0xb8;
	[tilespmem:$0x10100] =	vst v63  }
0x107: {  	v4 =	vld [tilespmem:$0x60];
	_ =	sdelay $0x4  }
0x108: {  	v5 =	vshll.u32 v4, $0x1  }
0x109: {  	v4 =	vand.u32 $0x7, v4;
	v5 =	vand.u32 $0xFFFFFFF0, v5  }
0x10a: {  	v4 =	vor.u32 v4, v5  }
0x10b: {  	v5 =	vperm.xlane v4, v1;
	_ =	sdelay $0x1  }
0x10c: {  	v4 =	vperm.xlane v4, v3;
	v5 =	vadd.s32 v2, v5;
	_ =	sdelay $0x1  }
0x10d: {  	v4 =	vadd.s32 v2, v4;
	_ =	sdelay $0x2  }
0x10e: {  	[hbm4b:s4+s10] =	stream.indirect_vreg.scatter [tilespmem:s30], [sflag:$0x1], $0x80, v5, vm0, $0xb8;
	[tilespmem:$0x10100] =	vst v63  }
0x10f: {  	_ = 	snop  }
0x110: {  	[hbm4b:s4+s10] =	stream.indirect_vreg.scatter [tilespmem:s31], [sflag:$0x1], $0x80, v4, vm0, $0xb8;
	[tilespmem:$0x10100] =	vst v63  }
0x111: {  	v4 =	vld [tilespmem:$0x70];
	_ =	sdelay $0x4  }
0x112: {  	v5 =	vshll.u32 v4, $0x1  }
0x113: {  	v4 =	vand.u32 $0x7, v4;
	v5 =	vand.u32 $0xFFFFFFF0, v5  }
0x114: {  	v4 =	vor.u32 v4, v5  }
0x115: {  	v5 =	vperm.xlane v4, v1;
	_ =	sdelay $0x1  }
0x116: {  	v4 =	vperm.xlane v4, v3;
	v5 =	vadd.s32 v2, v5;
	_ =	sdelay $0x1  }
0x117: {  	v4 =	vadd.s32 v2, v4;
	_ =	sdelay $0x2  }
0x118: {  	[hbm4b:s4+s10] =	stream.indirect_vreg.scatter [tilespmem:s0], [sflag:$0x1], $0x80, v5, vm0, $0xb8;
	[tilespmem:$0x10100] =	vst v63  }
0x119: {  	_ = 	snop  }
0x11a: {  	[hbm4b:s4+s10] =	stream.indirect_vreg.scatter [tilespmem:s2], [sflag:$0x1], $0x80, v4, vm0, $0xb8;
	[tilespmem:$0x10100] =	vst v63  }
0x11b: {  	_ =	swait.ge [sflag:s5], $0x8000  }
0x11c: {  	[sflag:s5] =	ssyncset.done $0x0  }
0x11d: {  	s8 =	rddreg [dreg:$0x7];
	[sflag:s5] =	ssyncadd.s32 $0xFFFF8000  }
0x11e: {  	[tilespmem:s10], [sflag:$0x2] =	stream.linear.gather [hbm4b:s8+s10], $0x80, $0x38;
	[tilespmem:$0x10100] =	vst v63  }
0x11f: {  	_ =	swait.ge [sflag:s15], $0x80  }
0x120: {  	[sflag:s15] =	ssyncset.done $0x0  }
0x121: {  	s11 =	rddreg [dreg:$0x8];
	[sflag:s15] =	ssyncadd.s32 $0xFFFFFF80  }
0x122: {  	[tilespmem:s16], [sflag:$0x2] =	stream.linear.gather [hbm4b:s11+s10], $0x8000, $0x38;
	[tilespmem:$0x10100] =	vst v63  }
0x123: {  	_ =	swait.ge [sflag:s15], $0x8000  }
0x124: {  	[sflag:s15] =	ssyncset.done $0x0  }
0x125: {  	[sflag:s15] =	ssyncadd.s32 $0xFFFF8000  }
0x126: {  	v4 =	vld [tilespmem:$0x0];
	_ =	sdelay $0x4  }
0x127: {  	v5 =	vshll.u32 v4, $0x1  }
0x128: {  	v4 =	vand.u32 $0x7, v4;
	v5 =	vand.u32 $0xFFFFFFF0, v5  }
0x129: {  	v4 =	vor.u32 v4, v5  }
0x12a: {  	v5 =	vperm.xlane v4, v1;
	_ =	sdelay $0x1  }
0x12b: {  	v4 =	vperm.xlane v4, v3;
	v5 =	vadd.s32 v2, v5;
	_ =	sdelay $0x1  }
0x12c: {  	v4 =	vadd.s32 v2, v4;
	_ =	sdelay $0x2  }
0x12d: {  	[tilespmem:s17], [sflag:$0x1] =	stream.indirect_vreg.gather [hbm4b:s1+s10], $0x80, v5, vm0, $0xb8;
	[tilespmem:$0x10100] =	vst v63  }
0x12e: {  	_ = 	snop  }
0x12f: {  	[tilespmem:s18], [sflag:$0x1] =	stream.indirect_vreg.gather [hbm4b:s1+s10], $0x80, v4, vm0, $0xb8;
	[tilespmem:$0x10100] =	vst v63  }
0x130: {  	v4 =	vld [tilespmem:$0x10];
	_ =	sdelay $0x4  }
0x131: {  	v5 =	vshll.u32 v4, $0x1  }
0x132: {  	v4 =	vand.u32 $0x7, v4;
	v5 =	vand.u32 $0xFFFFFFF0, v5  }
0x133: {  	v4 =	vor.u32 v4, v5  }
0x134: {  	v5 =	vperm.xlane v4, v1;
	_ =	sdelay $0x1  }
0x135: {  	v4 =	vperm.xlane v4, v3;
	v5 =	vadd.s32 v2, v5;
	_ =	sdelay $0x1  }
0x136: {  	v4 =	vadd.s32 v2, v4;
	_ =	sdelay $0x2  }
0x137: {  	[tilespmem:s19], [sflag:$0x1] =	stream.indirect_vreg.gather [hbm4b:s1+s10], $0x80, v5, vm0, $0xb8;
	[tilespmem:$0x10100] =	vst v63  }
0x138: {  	_ = 	snop  }
0x139: {  	[tilespmem:s20], [sflag:$0x1] =	stream.indirect_vreg.gather [hbm4b:s1+s10], $0x80, v4, vm0, $0xb8;
	[tilespmem:$0x10100] =	vst v63  }
0x13a: {  	v4 =	vld [tilespmem:$0x20];
	_ =	sdelay $0x4  }
0x13b: {  	v5 =	vshll.u32 v4, $0x1  }
0x13c: {  	v4 =	vand.u32 $0x7, v4;
	v5 =	vand.u32 $0xFFFFFFF0, v5  }
0x13d: {  	v4 =	vor.u32 v4, v5  }
0x13e: {  	v5 =	vperm.xlane v4, v1;
	_ =	sdelay $0x1  }
0x13f: {  	v4 =	vperm.xlane v4, v3;
	v5 =	vadd.s32 v2, v5;
	_ =	sdelay $0x1  }
0x140: {  	v4 =	vadd.s32 v2, v4;
	_ =	sdelay $0x2  }
0x141: {  	[tilespmem:s21], [sflag:$0x1] =	stream.indirect_vreg.gather [hbm4b:s1+s10], $0x80, v5, vm0, $0xb8;
	[tilespmem:$0x10100] =	vst v63  }
0x142: {  	_ = 	snop  }
0x143: {  	[tilespmem:s22], [sflag:$0x1] =	stream.indirect_vreg.gather [hbm4b:s1+s10], $0x80, v4, vm0, $0xb8;
	[tilespmem:$0x10100] =	vst v63  }
0x144: {  	v4 =	vld [tilespmem:$0x30];
	_ =	sdelay $0x4  }
0x145: {  	v5 =	vshll.u32 v4, $0x1  }
0x146: {  	v4 =	vand.u32 $0x7, v4;
	v5 =	vand.u32 $0xFFFFFFF0, v5  }
0x147: {  	v4 =	vor.u32 v4, v5  }
0x148: {  	v5 =	vperm.xlane v4, v1;
	_ =	sdelay $0x1  }
0x149: {  	v4 =	vperm.xlane v4, v3;
	v5 =	vadd.s32 v2, v5;
	_ =	sdelay $0x1  }
0x14a: {  	v4 =	vadd.s32 v2, v4;
	_ =	sdelay $0x2  }
0x14b: {  	[tilespmem:s23], [sflag:$0x1] =	stream.indirect_vreg.gather [hbm4b:s1+s10], $0x80, v5, vm0, $0xb8;
	[tilespmem:$0x10100] =	vst v63  }
0x14c: {  	_ = 	snop  }
0x14d: {  	[tilespmem:s24], [sflag:$0x1] =	stream.indirect_vreg.gather [hbm4b:s1+s10], $0x80, v4, vm0, $0xb8;
	[tilespmem:$0x10100] =	vst v63  }
0x14e: {  	v4 =	vld [tilespmem:$0x40];
	_ =	sdelay $0x4  }
0x14f: {  	v5 =	vshll.u32 v4, $0x1  }
0x150: {  	v4 =	vand.u32 $0x7, v4;
	v5 =	vand.u32 $0xFFFFFFF0, v5  }
0x151: {  	v4 =	vor.u32 v4, v5  }
0x152: {  	v5 =	vperm.xlane v4, v1;
	_ =	sdelay $0x1  }
0x153: {  	v4 =	vperm.xlane v4, v3;
	v5 =	vadd.s32 v2, v5;
	_ =	sdelay $0x1  }
0x154: {  	v4 =	vadd.s32 v2, v4;
	_ =	sdelay $0x2  }
0x155: {  	[tilespmem:s25], [sflag:$0x1] =	stream.indirect_vreg.gather [hbm4b:s1+s10], $0x80, v5, vm0, $0xb8;
	[tilespmem:$0x10100] =	vst v63  }
0x156: {  	_ = 	snop  }
0x157: {  	[tilespmem:s26], [sflag:$0x1] =	stream.indirect_vreg.gather [hbm4b:s1+s10], $0x80, v4, vm0, $0xb8;
	[tilespmem:$0x10100] =	vst v63  }
0x158: {  	v4 =	vld [tilespmem:$0x50];
	_ =	sdelay $0x4  }
0x159: {  	v5 =	vshll.u32 v4, $0x1  }
0x15a: {  	v4 =	vand.u32 $0x7, v4;
	v5 =	vand.u32 $0xFFFFFFF0, v5  }
0x15b: {  	v4 =	vor.u32 v4, v5  }
0x15c: {  	v5 =	vperm.xlane v4, v1;
	_ =	sdelay $0x1  }
0x15d: {  	v4 =	vperm.xlane v4, v3;
	v5 =	vadd.s32 v2, v5;
	_ =	sdelay $0x1  }
0x15e: {  	v4 =	vadd.s32 v2, v4;
	_ =	sdelay $0x2  }
0x15f: {  	[tilespmem:s28], [sflag:$0x1] =	stream.indirect_vreg.gather [hbm4b:s1+s10], $0x80, v5, vm0, $0xb8;
	[tilespmem:$0x10100] =	vst v63  }
0x160: {  	_ = 	snop  }
0x161: {  	[tilespmem:s29], [sflag:$0x1] =	stream.indirect_vreg.gather [hbm4b:s1+s10], $0x80, v4, vm0, $0xb8;
	[tilespmem:$0x10100] =	vst v63  }
0x162: {  	v4 =	vld [tilespmem:$0x60];
	_ =	sdelay $0x4  }
0x163: {  	v5 =	vshll.u32 v4, $0x1  }
0x164: {  	v4 =	vand.u32 $0x7, v4;
	v5 =	vand.u32 $0xFFFFFFF0, v5  }
0x165: {  	v4 =	vor.u32 v4, v5  }
0x166: {  	v5 =	vperm.xlane v4, v1;
	_ =	sdelay $0x1  }
0x167: {  	v4 =	vperm.xlane v4, v3;
	v5 =	vadd.s32 v2, v5;
	_ =	sdelay $0x1  }
0x168: {  	v4 =	vadd.s32 v2, v4;
	_ =	sdelay $0x2  }
0x169: {  	[tilespmem:s30], [sflag:$0x1] =	stream.indirect_vreg.gather [hbm4b:s1+s10], $0x80, v5, vm0, $0xb8;
	[tilespmem:$0x10100] =	vst v63  }
0x16a: {  	_ = 	snop  }
0x16b: {  	[tilespmem:s31], [sflag:$0x1] =	stream.indirect_vreg.gather [hbm4b:s1+s10], $0x80, v4, vm0, $0xb8;
	[tilespmem:$0x10100] =	vst v63  }
0x16c: {  	v4 =	vld [tilespmem:$0x70];
	_ =	sdelay $0x4  }
0x16d: {  	v5 =	vshll.u32 v4, $0x1  }
0x16e: {  	v4 =	vand.u32 $0x7, v4;
	v5 =	vand.u32 $0xFFFFFFF0, v5  }
0x16f: {  	v4 =	vor.u32 v4, v5  }
0x170: {  	v5 =	vperm.xlane v4, v1;
	_ =	sdelay $0x1  }
0x171: {  	v4 =	vperm.xlane v4, v3;
	v5 =	vadd.s32 v2, v5;
	_ =	sdelay $0x1  }
0x172: {  	v4 =	vadd.s32 v2, v4;
	_ =	sdelay $0x2  }
0x173: {  	[tilespmem:s0], [sflag:$0x1] =	stream.indirect_vreg.gather [hbm4b:s1+s10], $0x80, v5, vm0, $0xb8;
	[tilespmem:$0x10100] =	vst v63  }
0x174: {  	_ = 	snop  }
0x175: {  	[tilespmem:s2], [sflag:$0x1] =	stream.indirect_vreg.gather [hbm4b:s1+s10], $0x80, v4, vm0, $0xb8;
	[tilespmem:$0x10100] =	vst v63  }
0x176: {  	_ =	swait.ge [sflag:s5], $0x8000  }
0x177: {  	[sflag:s5] =	ssyncset.done $0x0  }
0x178: {  	s12 =	sand.u32 $0x7800, s10;
	s7 =	sand.u32 $0x380, s10;
	[sflag:s5] =	ssyncadd.s32 $0xFFFF8000  }
0x179: {  	s7 =	sor.u32 s7, s12;
	v25 =	vld [tilespmem:$0x10080]  }
0x17a: {  	v6 =	vld [tilespmem:s7+$0x80F0]  }
0x17b: {  	v4 =	vld [tilespmem:s7+$0xF0]  }
0x17c: {  	v8 =	vld [tilespmem:s7+$0x80E0]  }
0x17d: {  	v9 =	vld [tilespmem:s7+$0xE0]  }
0x17e: {  	v13 =	vld [tilespmem:s7+$0x80D0]  }
0x17f: {  	v11 =	vld [tilespmem:s7+$0xD0]  }
0x180: {  	v12 =	vld [tilespmem:s7+$0x80C0]  }
0x181: {  	v14 =	vld [tilespmem:s7+$0x80B0]  }
0x182: {  	v5 =	vld [tilespmem:s7+$0xB0]  }
0x183: {  	v10 =	vld [tilespmem:s7+$0x80A0]  }
0x184: {  	v15 =	vld [tilespmem:s7+$0xA0]  }
0x185: {  	v16 =	vld [tilespmem:s7+$0xC0]  }
0x186: {  	v31 =	vld [tilespmem:s7+$0x8080]  }
0x187: {  	v20 =	vld [tilespmem:s7+$0x80]  }
0x188: {  	v22 =	vld [tilespmem:s7+$0x490]  }
0x189: {  	v17 =	vld [tilespmem:s7+$0x8490]  }
0x18a: {  	v7 =	vld [tilespmem:s7+$0x8090]  }
0x18b: {  	v18 =	vld [tilespmem:s7+$0x90];
	v19 =	vsub.f32 v5, v14  }
0x18c: {  	v26 =	vld [tilespmem:s7+$0x4A0];
	v9 =	vsub.f32 v9, v8;
	v16 =	vsub.f32 v16, v12  }
0x18d: {  	v62 =	vld [tilespmem:s7+$0x4D0];
	v24 =	vsub.f32 v4, v6;
	v27 =	vsub.f32 v20, v31;
	v21 =	vmul.f32 $1.000000050e-03, v19  }
0x18e: {  	v5 =	vld [tilespmem:s7+$0x84B0];
	v11 =	vsub.f32 v11, v13;
	v22 =	vsub.f32 v22, v17;
	v23 =	vmul.f32 $1.000000050e-03, v9  }
0x18f: {  	v20 =	vld [tilespmem:s7+$0x4E0];
	v63 =	vmul.f32 v27, v27;
	v34 =	vmul.f32 $1.000000050e-03, v27;
	v4 =	vadd.f32 v21, v14  }
0x190: {  	v8 =	vadd.f32 v23, v8;
	v23 =	vsub.f32 v15, v10;
	v15 =	vmul.f32 v19, v19;
	v19 =	vld [tilespmem:s7+$0x84A0]  }
0x191: {  	v14 =	vmul.f32 $1.000000050e-03, v16;
	v21 =	vmul.f32 $1.000000050e-03, v24;
	v33 =	vadd.f32 v63, v25;
	v25 =	vld [tilespmem:s7+$0x480]  }
0x192: {  	v29 =	vmul.f32 $1.000000050e-03, v11;
	v11 =	vmul.f32 v11, v11;
	v31 =	vadd.f32 v34, v31;
	[tilespmem:s7+$0x80B0] =	vst v4;
	v4 =	vld [tilespmem:s7+$0x84D0]  }
0x193: {  	v12 =	vadd.f32 v14, v12;
	[tilespmem:s7+$0x80E0] =	vst v8;
	v8 =	vmul.f32 v9, v9;
	v14 =	vadd.f32 v21, v6;
	v6 =	vld [tilespmem:s7+$0x8480]  }
0x194: {  	v9 =	vmul.f32 v24, v24;
	v21 =	vsub.f32 v18, v7;
	v28 =	vmul.f32 $1.000000050e-03, v23;
	v18 =	vld [tilespmem:s7+$0x84E0]  }
0x195: {  	v24 =	vmul.f32 $1.000000050e-03, v22;
	[tilespmem:s7+$0x80C0] =	vst v12;
	v12 =	vmul.f32 v22, v22;
	v22 =	vld [tilespmem:s7+$0x84F0];
	v35 =	vsub.f32 v26, v19  }
0x196: {  	v27 =	vmul.f32 v23, v23;
	v23 =	vadd.f32 v29, v13;
	v30 =	vmul.f32 v21, v21;
	v26 =	vld [tilespmem:s7+$0x4F0]  }
0x197: {  	s8 =	simm.s32 $0x80;
	s11 =	simm.s32 $0x100;
	v29 =	vld [tilespmem:s7+$0x4B0];
	[tilespmem:s7+$0x80F0] =	vst v14;
	v13 =	vmul.f32 v35, v35;
	v14 =	vsub.f32 v62, v4;
	v32 =	vmul.f32 $1.000000050e-03, v35  }
.LBB2_4:
0x198: {  	s9 =	smov.u32 s11  }
0x199: {  	s10 =	sand.u32 $0x7800, s11;
	s12 =	sand.u32 $0x380, s8;
	v21 =	vmul.f32 $1.000000050e-03, v21;
	v10 =	vadd.f32 v28, v10;
	v17 =	vadd.f32 v24, v17;
	v24 =	vld [tilespmem:s7+$0x4C0];
	s9 =	sadd.s32 $0x100, s11  }
0x19a: {  	p0 =	sne.s32 s11, $0x7F00;
	s10 =	sor.u32 s12, s10;
	v28 =	vadd.f32 v30, v33;
	v19 =	vadd.f32 v32, v19;
	[tilespmem:s7+$0x8080] =	vst v31;
	v30 =	vld [tilespmem:s7+$0x84C0]  }
0x19b: {  	v7 =	vadd.f32 v21, v7;
	v31 =	vld [tilespmem:s10+$0x80F0];
	[tilespmem:s7+$0x80A0] =	vst v10;
	v10 =	vsub.f32 v26, v22  }
0x19c: {  	v16 =	vmul.f32 v16, v16;
	v21 =	vadd.f32 v27, v28;
	v26 =	vld [tilespmem:s10+$0xF0];
	[tilespmem:s7+$0x84A0] =	vst v19;
	v19 =	vsub.f32 v29, v5  }
0x19d: {  	v28 =	vmul.f32 v14, v14;
	v27 =	vld [tilespmem:s10+$0x80E0];
	[tilespmem:s7+$0x8090] =	vst v7;
	v7 =	vsub.f32 v20, v18;
	v20 =	vmul.f32 $1.000000050e-03, v10  }
0x19e: {  	v15 =	vadd.f32 v15, v21;
	v29 =	vld [tilespmem:s10+$0xE0];
	[tilespmem:s7+$0x80D0] =	vst v23;
	v23 =	vmul.f32 v19, v19;
	v19 =	vmul.f32 $1.000000050e-03, v19  }
0x19f: {  	v32 =	vld [tilespmem:s10+$0x80D0];
	v33 =	vmul.f32 v7, v7;
	v7 =	vmul.f32 $1.000000050e-03, v7;
	v20 =	vadd.f32 v20, v22  }
0x1a0: {  	v15 =	vadd.f32 v16, v15;
	v21 =	vld [tilespmem:s10+$0xD0];
	v5 =	vadd.f32 v19, v5  }
0x1a1: {  	v16 =	vsub.f32 v25, v6;
	v25 =	vmul.f32 v10, v10;
	v22 =	vld [tilespmem:s10+$0x80C0];
	v7 =	vadd.f32 v7, v18;
	[tilespmem:s7+$0x84F0] =	vst v20  }
0x1a2: {  	v11 =	vadd.f32 v11, v15;
	v18 =	vld [tilespmem:s10+$0x80B0];
	[tilespmem:s7+$0x84B0] =	vst v5;
	v5 =	vsub.f32 v24, v30  }
0x1a3: {  	v19 =	vmul.f32 $1.000000050e-03, v16;
	v15 =	vld [tilespmem:s10+$0xB0];
	[tilespmem:s7+$0x84E0] =	vst v7  }
0x1a4: {  	v8 =	vadd.f32 v8, v11;
	v11 =	vmul.f32 v16, v16;
	v10 =	vld [tilespmem:s10+$0x80A0];
	v16 =	vmul.f32 $1.000000050e-03, v5  }
0x1a5: {  	v6 =	vadd.f32 v19, v6;
	v20 =	vld [tilespmem:s10+$0xA0]  }
0x1a6: {  	v8 =	vadd.f32 v9, v8;
	v7 =	vld [tilespmem:s10+$0x8090];
	v9 =	vadd.f32 v16, v30  }
0x1a7: {  	v16 =	vld [tilespmem:s10+$0xC0];
	[tilespmem:s7+$0x8480] =	vst v6  }
0x1a8: {  	v6 =	vadd.f32 v11, v8;
	v19 =	vld [tilespmem:s10+$0x90];
	[tilespmem:s7+$0x84C0] =	vst v9  }
0x1a9: {  	v8 =	vsub.f32 v15, v18;
	v34 =	vld [tilespmem:s10+$0x8080]  }
0x1aa: {  	v11 =	vadd.f32 v12, v6;
	v12 =	vmul.f32 v5, v5;
	v9 =	vld [tilespmem:s10+$0x80];
	v35 =	vsub.f32 v20, v10  }
0x1ab: {  	v14 =	vmul.f32 $1.000000050e-03, v14;
	v24 =	vsub.f32 v21, v32;
	v20 =	vmul.f32 $1.000000050e-03, v8;
	v5 =	vld [tilespmem:s10+$0x84B0]  }
0x1ac: {  	v15 =	vmul.f32 v8, v8;
	v8 =	vadd.f32 v13, v11;
	v16 =	vsub.f32 v16, v22;
	v6 =	vld [tilespmem:s10+$0x8480]  }
0x1ad: {  	v13 =	vmul.f32 $1.000000050e-03, v24;
	v21 =	vsub.f32 v19, v7;
	v19 =	vsub.f32 v29, v27;
	v29 =	vld [tilespmem:s10+$0x490];
	[tilespmem:s7+$0x8490] =	vst v17  }
0x1ae: {  	v11 =	vmul.f32 v24, v24;
	v23 =	vadd.f32 v23, v8;
	v30 =	vmul.f32 $1.000000050e-03, v16;
	v17 =	vld [tilespmem:s10+$0x8490]  }
0x1af: {  	v4 =	vadd.f32 v14, v4;
	v26 =	vsub.f32 v26, v31;
	v24 =	vmul.f32 $1.000000050e-03, v19;
	v36 =	vld [tilespmem:s10+$0x4A0]  }
0x1b0: {  	v14 =	vadd.f32 v20, v18;
	v8 =	vmul.f32 v19, v19;
	v12 =	vadd.f32 v12, v23;
	v19 =	vld [tilespmem:s10+$0x84A0]  }
0x1b1: {  	v18 =	vsub.f32 v9, v34;
	v23 =	vmul.f32 $1.000000050e-03, v26;
	v20 =	vadd.f32 v24, v27;
	v37 =	vld [tilespmem:s10+$0x4D0];
	[tilespmem:s7+$0x84D0] =	vst v4;
	s7 =	smov.u32 s10  }
0x1b2: {  	v9 =	vmul.f32 v26, v26;
	v12 =	vadd.f32 v28, v12;
	[tilespmem:s7+$0x80B0] =	vst v14;
	v14 =	vadd.f32 v30, v22;
	v4 =	vld [tilespmem:s7+$0x84D0]  }
0x1b3: {  	v38 =	vmul.f32 v18, v18;
	v22 =	vadd.f32 v23, v31;
	[tilespmem:s7+$0x80E0] =	vst v20;
	v23 =	vsub.f32 v29, v17;
	v20 =	vld [tilespmem:s7+$0x4E0]  }
.Ltmp1:
0x1b4: {  	v28 =	vmul.f32 $1.000000050e-03, v35;
	v31 =	vmul.f32 $1.000000050e-03, v18;
	[tilespmem:s7+$0x80C0] =	vst v14;
	v18 =	vld [tilespmem:s7+$0x84E0];
	v14 =	vadd.f32 v33, v12;
	(pc) =	sbr.rel @p0 .LBB2_4-.Ltmp1, $4  }
0x1b5: {  	[tilespmem:s7+$0x80F0] =	vst v22;
	v12 =	vmul.f32 v23, v23;
	v24 =	vmul.f32 $1.000000050e-03, v23;
	v36 =	vsub.f32 v36, v19;
	v26 =	vld [tilespmem:s7+$0x4F0]  }
0x1b6: {  	v27 =	vmul.f32 v35, v35;
	v30 =	vmul.f32 v21, v21;
	v22 =	vld [tilespmem:s7+$0x84F0];
	v25 =	vadd.f32 v25, v14  }
0x1b7: {  	v23 =	vadd.f32 v13, v32;
	v13 =	vmul.f32 v36, v36;
	v29 =	vld [tilespmem:s7+$0x4B0];
	v14 =	vsub.f32 v37, v4  }
0x1b8: {  	s8 =	sadd.s32 $0x80, s8;
	s11 =	smov.u32 s9;
	v31 =	vadd.f32 v31, v34;
	v32 =	vmul.f32 $1.000000050e-03, v36;
	v33 =	vadd.f32 v38, v25;
	v25 =	vld [tilespmem:s7+$0x480]  }
0x1b9: {  	_ = 	snop  }
0x1ba: {  	v61 =	vld [tilespmem:s7+$0x4C0];
	v30 =	vadd.f32 v30, v33  }
0x1bb: {  	v10 =	vadd.f32 v28, v10;
	v28 =	vld [tilespmem:s7+$0x84C0];
	v21 =	vmul.f32 $1.000000050e-03, v21  }
0x1bc: {  	v19 =	vadd.f32 v32, v19;
	v27 =	vadd.f32 v27, v30  }
0x1bd: {  	v7 =	vadd.f32 v21, v7;
	[tilespmem:s7+$0x80A0] =	vst v10;
	v10 =	vsub.f32 v20, v18  }
0x1be: {  	v16 =	vmul.f32 v16, v16;
	v29 =	vsub.f32 v29, v5;
	v15 =	vadd.f32 v15, v27  }
0x1bf: {  	v26 =	vsub.f32 v26, v22;
	[tilespmem:s7+$0x8090] =	vst v7;
	v7 =	vmul.f32 $1.000000050e-03, v10  }
0x1c0: {  	[tilespmem:s7+$0x84A0] =	vst v19;
	v19 =	vmul.f32 $1.000000050e-03, v29;
	v21 =	vsub.f32 v61, v28;
	v15 =	vadd.f32 v16, v15  }
0x1c1: {  	[tilespmem:s7+$0x80D0] =	vst v23;
	v20 =	vmul.f32 $1.000000050e-03, v26;
	v7 =	vadd.f32 v7, v18;
	v16 =	vsub.f32 v25, v6  }
0x1c2: {  	[tilespmem:s7+$0x8080] =	vst v31;
	v5 =	vadd.f32 v19, v5;
	v18 =	vmul.f32 $1.000000050e-03, v21;
	v11 =	vadd.f32 v11, v15  }
0x1c3: {  	v20 =	vadd.f32 v20, v22;
	[tilespmem:s7+$0x84E0] =	vst v7;
	v15 =	vmul.f32 $1.000000050e-03, v16  }
0x1c4: {  	[tilespmem:s7+$0x84B0] =	vst v5;
	v7 =	vadd.f32 v18, v28;
	v5 =	vadd.f32 v8, v11  }
0x1c5: {  	[tilespmem:s7+$0x84F0] =	vst v20;
	v6 =	vadd.f32 v15, v6;
	v8 =	vmul.f32 $1.000000050e-03, v14  }
0x1c6: {  	v11 =	vadd.f32 v24, v17;
	v15 =	vmul.f32 v16, v16;
	[tilespmem:s7+$0x84C0] =	vst v7;
	v5 =	vadd.f32 v9, v5  }
0x1c7: {  	[tilespmem:s7+$0x8480] =	vst v6;
	v4 =	vadd.f32 v8, v4  }
0x1c8: {  	[tilespmem:s7+$0x8490] =	vst v11;
	v5 =	vadd.f32 v15, v5  }
0x1c9: {  	[tilespmem:s7+$0x84D0] =	vst v4  }
0x1ca: {  	v4 =	vadd.f32 v12, v5;
	v5 =	vld [tilespmem:$0x0];
	_ =	sdelay $0x1  }
0x1cb: {  	v6 =	vmul.f32 v29, v29;
	v4 =	vadd.f32 v13, v4;
	_ =	sdelay $0x1  }
0x1cc: {  	v7 =	vmul.f32 v21, v21;
	v4 =	vadd.f32 v6, v4  }
0x1cd: {  	v6 =	vmul.f32 v14, v14;
	v8 =	vshll.u32 v5, $0x1  }
0x1ce: {  	v5 =	vand.u32 $0x7, v5;
	v4 =	vadd.f32 v7, v4;
	v7 =	vand.u32 $0xFFFFFFF0, v8  }
0x1cf: {  	v5 =	vor.u32 v5, v7  }
0x1d0: {  	v7 =	vmul.f32 v10, v10;
	v4 =	vadd.f32 v6, v4;
	v6 =	vperm.xlane v5, v1  }
0x1d1: {  	v8 =	vmul.f32 v26, v26  }
0x1d2: {  	v5 =	vperm.xlane v5, v3;
	v4 =	vadd.f32 v7, v4;
	v6 =	vadd.s32 v2, v6;
	_ =	sdelay $0x1  }
0x1d3: {  	v5 =	vadd.s32 v2, v5;
	v4 =	vadd.f32 v8, v4;
	_ =	sdelay $0x1  }
0x1d4: {  	s10 =	simm.s32 $0x0;
	[tilespmem:$0x10080] =	vst v4  }
0x1d5: {  	[hbm4b:s4+s10] =	stream.indirect_vreg.scatter [tilespmem:s17], [sflag:$0x1], $0x80, v6, vm0, $0xb8;
	[tilespmem:$0x10100] =	vst v63  }
0x1d6: {  	_ = 	snop  }
0x1d7: {  	[hbm4b:s4+s10] =	stream.indirect_vreg.scatter [tilespmem:s18], [sflag:$0x1], $0x80, v5, vm0, $0xb8;
	[tilespmem:$0x10100] =	vst v63  }
0x1d8: {  	v4 =	vld [tilespmem:$0x10];
	_ =	sdelay $0x4  }
0x1d9: {  	v5 =	vshll.u32 v4, $0x1  }
0x1da: {  	v4 =	vand.u32 $0x7, v4;
	v5 =	vand.u32 $0xFFFFFFF0, v5  }
0x1db: {  	v4 =	vor.u32 v4, v5  }
0x1dc: {  	v5 =	vperm.xlane v4, v1;
	_ =	sdelay $0x1  }
0x1dd: {  	v4 =	vperm.xlane v4, v3;
	v5 =	vadd.s32 v2, v5;
	_ =	sdelay $0x1  }
0x1de: {  	v4 =	vadd.s32 v2, v4;
	_ =	sdelay $0x2  }
0x1df: {  	[hbm4b:s4+s10] =	stream.indirect_vreg.scatter [tilespmem:s19], [sflag:$0x1], $0x80, v5, vm0, $0xb8;
	[tilespmem:$0x10100] =	vst v63  }
0x1e0: {  	_ = 	snop  }
0x1e1: {  	[hbm4b:s4+s10] =	stream.indirect_vreg.scatter [tilespmem:s20], [sflag:$0x1], $0x80, v4, vm0, $0xb8;
	[tilespmem:$0x10100] =	vst v63  }
0x1e2: {  	v4 =	vld [tilespmem:$0x20];
	_ =	sdelay $0x4  }
0x1e3: {  	v5 =	vshll.u32 v4, $0x1  }
0x1e4: {  	v4 =	vand.u32 $0x7, v4;
	v5 =	vand.u32 $0xFFFFFFF0, v5  }
0x1e5: {  	v4 =	vor.u32 v4, v5  }
0x1e6: {  	v5 =	vperm.xlane v4, v1;
	_ =	sdelay $0x1  }
0x1e7: {  	v4 =	vperm.xlane v4, v3;
	v5 =	vadd.s32 v2, v5;
	_ =	sdelay $0x1  }
0x1e8: {  	v4 =	vadd.s32 v2, v4;
	_ =	sdelay $0x2  }
0x1e9: {  	[hbm4b:s4+s10] =	stream.indirect_vreg.scatter [tilespmem:s21], [sflag:$0x1], $0x80, v5, vm0, $0xb8;
	[tilespmem:$0x10100] =	vst v63  }
0x1ea: {  	_ = 	snop  }
0x1eb: {  	[hbm4b:s4+s10] =	stream.indirect_vreg.scatter [tilespmem:s22], [sflag:$0x1], $0x80, v4, vm0, $0xb8;
	[tilespmem:$0x10100] =	vst v63  }
0x1ec: {  	v4 =	vld [tilespmem:$0x30];
	_ =	sdelay $0x4  }
0x1ed: {  	v5 =	vshll.u32 v4, $0x1  }
0x1ee: {  	v4 =	vand.u32 $0x7, v4;
	v5 =	vand.u32 $0xFFFFFFF0, v5  }
0x1ef: {  	v4 =	vor.u32 v4, v5  }
0x1f0: {  	v5 =	vperm.xlane v4, v1;
	_ =	sdelay $0x1  }
0x1f1: {  	v4 =	vperm.xlane v4, v3;
	v5 =	vadd.s32 v2, v5;
	_ =	sdelay $0x1  }
0x1f2: {  	v4 =	vadd.s32 v2, v4;
	_ =	sdelay $0x2  }
0x1f3: {  	[hbm4b:s4+s10] =	stream.indirect_vreg.scatter [tilespmem:s23], [sflag:$0x1], $0x80, v5, vm0, $0xb8;
	[tilespmem:$0x10100] =	vst v63  }
0x1f4: {  	_ = 	snop  }
0x1f5: {  	[hbm4b:s4+s10] =	stream.indirect_vreg.scatter [tilespmem:s24], [sflag:$0x1], $0x80, v4, vm0, $0xb8;
	[tilespmem:$0x10100] =	vst v63  }
0x1f6: {  	v4 =	vld [tilespmem:$0x40];
	_ =	sdelay $0x4  }
0x1f7: {  	v5 =	vshll.u32 v4, $0x1  }
0x1f8: {  	v4 =	vand.u32 $0x7, v4;
	v5 =	vand.u32 $0xFFFFFFF0, v5  }
0x1f9: {  	v4 =	vor.u32 v4, v5  }
0x1fa: {  	v5 =	vperm.xlane v4, v1;
	_ =	sdelay $0x1  }
0x1fb: {  	v4 =	vperm.xlane v4, v3;
	v5 =	vadd.s32 v2, v5;
	_ =	sdelay $0x1  }
0x1fc: {  	v4 =	vadd.s32 v2, v4;
	_ =	sdelay $0x2  }
0x1fd: {  	[hbm4b:s4+s10] =	stream.indirect_vreg.scatter [tilespmem:s25], [sflag:$0x1], $0x80, v5, vm0, $0xb8;
	[tilespmem:$0x10100] =	vst v63  }
0x1fe: {  	_ = 	snop  }
0x1ff: {  	[hbm4b:s4+s10] =	stream.indirect_vreg.scatter [tilespmem:s26], [sflag:$0x1], $0x80, v4, vm0, $0xb8;
	[tilespmem:$0x10100] =	vst v63  }
0x200: {  	v4 =	vld [tilespmem:$0x50];
	_ =	sdelay $0x4  }
0x201: {  	v5 =	vshll.u32 v4, $0x1  }
0x202: {  	v4 =	vand.u32 $0x7, v4;
	v5 =	vand.u32 $0xFFFFFFF0, v5  }
0x203: {  	v4 =	vor.u32 v4, v5  }
0x204: {  	v5 =	vperm.xlane v4, v1;
	_ =	sdelay $0x1  }
0x205: {  	v4 =	vperm.xlane v4, v3;
	v5 =	vadd.s32 v2, v5;
	_ =	sdelay $0x1  }
0x206: {  	v4 =	vadd.s32 v2, v4;
	_ =	sdelay $0x2  }
0x207: {  	[hbm4b:s4+s10] =	stream.indirect_vreg.scatter [tilespmem:s28], [sflag:$0x1], $0x80, v5, vm0, $0xb8;
	[tilespmem:$0x10100] =	vst v63  }
0x208: {  	_ = 	snop  }
0x209: {  	[hbm4b:s4+s10] =	stream.indirect_vreg.scatter [tilespmem:s29], [sflag:$0x1], $0x80, v4, vm0, $0xb8;
	[tilespmem:$0x10100] =	vst v63  }
0x20a: {  	v4 =	vld [tilespmem:$0x60];
	_ =	sdelay $0x4  }
0x20b: {  	v5 =	vshll.u32 v4, $0x1  }
0x20c: {  	v4 =	vand.u32 $0x7, v4;
	v5 =	vand.u32 $0xFFFFFFF0, v5  }
0x20d: {  	v4 =	vor.u32 v4, v5  }
0x20e: {  	v5 =	vperm.xlane v4, v1;
	_ =	sdelay $0x1  }
0x20f: {  	v4 =	vperm.xlane v4, v3;
	v5 =	vadd.s32 v2, v5;
	_ =	sdelay $0x1  }
0x210: {  	v4 =	vadd.s32 v2, v4;
	_ =	sdelay $0x2  }
0x211: {  	[hbm4b:s4+s10] =	stream.indirect_vreg.scatter [tilespmem:s30], [sflag:$0x1], $0x80, v5, vm0, $0xb8;
	[tilespmem:$0x10100] =	vst v63  }
0x212: {  	_ = 	snop  }
0x213: {  	[hbm4b:s4+s10] =	stream.indirect_vreg.scatter [tilespmem:s31], [sflag:$0x1], $0x80, v4, vm0, $0xb8;
	[tilespmem:$0x10100] =	vst v63  }
0x214: {  	v4 =	vld [tilespmem:$0x70];
	_ =	sdelay $0x4  }
0x215: {  	v5 =	vshll.u32 v4, $0x1  }
0x216: {  	v4 =	vand.u32 $0x7, v4;
	v5 =	vand.u32 $0xFFFFFFF0, v5  }
0x217: {  	v4 =	vor.u32 v4, v5  }
0x218: {  	v5 =	vperm.xlane v4, v1;
	_ =	sdelay $0x1  }
0x219: {  	v4 =	vperm.xlane v4, v3;
	v5 =	vadd.s32 v2, v5;
	_ =	sdelay $0x1  }
0x21a: {  	v4 =	vadd.s32 v2, v4;
	_ =	sdelay $0x2  }
0x21b: {  	[hbm4b:s4+s10] =	stream.indirect_vreg.scatter [tilespmem:s0], [sflag:$0x1], $0x80, v5, vm0, $0xb8;
	[tilespmem:$0x10100] =	vst v63  }
0x21c: {  	_ = 	snop  }
0x21d: {  	[hbm4b:s4+s10] =	stream.indirect_vreg.scatter [tilespmem:s2], [sflag:$0x1], $0x80, v4, vm0, $0xb8;
	[tilespmem:$0x10100] =	vst v63  }
0x21e: {  	_ =	swait.ge [sflag:s5], $0x8000  }
0x21f: {  	[sflag:s5] =	ssyncset.done $0x0  }
0x220: {  	s8 =	rddreg [dreg:$0x9];
	[sflag:s5] =	ssyncadd.s32 $0xFFFF8000  }
0x221: {  	[tilespmem:s10], [sflag:$0x2] =	stream.linear.gather [hbm4b:s8+s10], $0x80, $0x38;
	[tilespmem:$0x10100] =	vst v63  }
0x222: {  	_ =	swait.ge [sflag:s15], $0x80  }
0x223: {  	[sflag:s15] =	ssyncset.done $0x0  }
0x224: {  	s11 =	rddreg [dreg:$0xa];
	[sflag:s15] =	ssyncadd.s32 $0xFFFFFF80  }
0x225: {  	[tilespmem:s16], [sflag:$0x2] =	stream.linear.gather [hbm4b:s11+s10], $0x8000, $0x38;
	[tilespmem:$0x10100] =	vst v63  }
0x226: {  	_ =	swait.ge [sflag:s15], $0x8000  }
0x227: {  	[sflag:s15] =	ssyncset.done $0x0  }
0x228: {  	[sflag:s15] =	ssyncadd.s32 $0xFFFF8000  }
0x229: {  	v4 =	vld [tilespmem:$0x0];
	_ =	sdelay $0x4  }
0x22a: {  	v5 =	vshll.u32 v4, $0x1  }
0x22b: {  	v4 =	vand.u32 $0x7, v4;
	v5 =	vand.u32 $0xFFFFFFF0, v5  }
0x22c: {  	v4 =	vor.u32 v4, v5  }
0x22d: {  	v5 =	vperm.xlane v4, v1;
	_ =	sdelay $0x1  }
0x22e: {  	v4 =	vperm.xlane v4, v3;
	v5 =	vadd.s32 v2, v5;
	_ =	sdelay $0x1  }
0x22f: {  	v4 =	vadd.s32 v2, v4;
	_ =	sdelay $0x2  }
0x230: {  	[tilespmem:s17], [sflag:$0x1] =	stream.indirect_vreg.gather [hbm4b:s1+s10], $0x80, v5, vm0, $0xb8;
	[tilespmem:$0x10100] =	vst v63  }
0x231: {  	_ = 	snop  }
0x232: {  	[tilespmem:s18], [sflag:$0x1] =	stream.indirect_vreg.gather [hbm4b:s1+s10], $0x80, v4, vm0, $0xb8;
	[tilespmem:$0x10100] =	vst v63  }
0x233: {  	v4 =	vld [tilespmem:$0x10];
	_ =	sdelay $0x4  }
0x234: {  	v5 =	vshll.u32 v4, $0x1  }
0x235: {  	v4 =	vand.u32 $0x7, v4;
	v5 =	vand.u32 $0xFFFFFFF0, v5  }
0x236: {  	v4 =	vor.u32 v4, v5  }
0x237: {  	v5 =	vperm.xlane v4, v1;
	_ =	sdelay $0x1  }
0x238: {  	v4 =	vperm.xlane v4, v3;
	v5 =	vadd.s32 v2, v5;
	_ =	sdelay $0x1  }
0x239: {  	v4 =	vadd.s32 v2, v4;
	_ =	sdelay $0x2  }
0x23a: {  	[tilespmem:s19], [sflag:$0x1] =	stream.indirect_vreg.gather [hbm4b:s1+s10], $0x80, v5, vm0, $0xb8;
	[tilespmem:$0x10100] =	vst v63  }
0x23b: {  	_ = 	snop  }
0x23c: {  	[tilespmem:s20], [sflag:$0x1] =	stream.indirect_vreg.gather [hbm4b:s1+s10], $0x80, v4, vm0, $0xb8;
	[tilespmem:$0x10100] =	vst v63  }
0x23d: {  	v4 =	vld [tilespmem:$0x20];
	_ =	sdelay $0x4  }
0x23e: {  	v5 =	vshll.u32 v4, $0x1  }
0x23f: {  	v4 =	vand.u32 $0x7, v4;
	v5 =	vand.u32 $0xFFFFFFF0, v5  }
0x240: {  	v4 =	vor.u32 v4, v5  }
0x241: {  	v5 =	vperm.xlane v4, v1;
	_ =	sdelay $0x1  }
0x242: {  	v4 =	vperm.xlane v4, v3;
	v5 =	vadd.s32 v2, v5;
	_ =	sdelay $0x1  }
0x243: {  	v4 =	vadd.s32 v2, v4;
	_ =	sdelay $0x2  }
0x244: {  	[tilespmem:s21], [sflag:$0x1] =	stream.indirect_vreg.gather [hbm4b:s1+s10], $0x80, v5, vm0, $0xb8;
	[tilespmem:$0x10100] =	vst v63  }
0x245: {  	_ = 	snop  }
0x246: {  	[tilespmem:s22], [sflag:$0x1] =	stream.indirect_vreg.gather [hbm4b:s1+s10], $0x80, v4, vm0, $0xb8;
	[tilespmem:$0x10100] =	vst v63  }
0x247: {  	v4 =	vld [tilespmem:$0x30];
	_ =	sdelay $0x4  }
0x248: {  	v5 =	vshll.u32 v4, $0x1  }
0x249: {  	v4 =	vand.u32 $0x7, v4;
	v5 =	vand.u32 $0xFFFFFFF0, v5  }
0x24a: {  	v4 =	vor.u32 v4, v5  }
0x24b: {  	v5 =	vperm.xlane v4, v1;
	_ =	sdelay $0x1  }
0x24c: {  	v4 =	vperm.xlane v4, v3;
	v5 =	vadd.s32 v2, v5;
	_ =	sdelay $0x1  }
0x24d: {  	v4 =	vadd.s32 v2, v4;
	_ =	sdelay $0x2  }
0x24e: {  	[tilespmem:s23], [sflag:$0x1] =	stream.indirect_vreg.gather [hbm4b:s1+s10], $0x80, v5, vm0, $0xb8;
	[tilespmem:$0x10100] =	vst v63  }
0x24f: {  	_ = 	snop  }
0x250: {  	[tilespmem:s24], [sflag:$0x1] =	stream.indirect_vreg.gather [hbm4b:s1+s10], $0x80, v4, vm0, $0xb8;
	[tilespmem:$0x10100] =	vst v63  }
0x251: {  	v4 =	vld [tilespmem:$0x40];
	_ =	sdelay $0x4  }
0x252: {  	v5 =	vshll.u32 v4, $0x1  }
0x253: {  	v4 =	vand.u32 $0x7, v4;
	v5 =	vand.u32 $0xFFFFFFF0, v5  }
0x254: {  	v4 =	vor.u32 v4, v5  }
0x255: {  	v5 =	vperm.xlane v4, v1;
	_ =	sdelay $0x1  }
0x256: {  	v4 =	vperm.xlane v4, v3;
	v5 =	vadd.s32 v2, v5;
	_ =	sdelay $0x1  }
0x257: {  	v4 =	vadd.s32 v2, v4;
	_ =	sdelay $0x2  }
0x258: {  	[tilespmem:s25], [sflag:$0x1] =	stream.indirect_vreg.gather [hbm4b:s1+s10], $0x80, v5, vm0, $0xb8;
	[tilespmem:$0x10100] =	vst v63  }
0x259: {  	_ = 	snop  }
0x25a: {  	[tilespmem:s26], [sflag:$0x1] =	stream.indirect_vreg.gather [hbm4b:s1+s10], $0x80, v4, vm0, $0xb8;
	[tilespmem:$0x10100] =	vst v63  }
0x25b: {  	v4 =	vld [tilespmem:$0x50];
	_ =	sdelay $0x4  }
0x25c: {  	v5 =	vshll.u32 v4, $0x1  }
0x25d: {  	v4 =	vand.u32 $0x7, v4;
	v5 =	vand.u32 $0xFFFFFFF0, v5  }
0x25e: {  	v4 =	vor.u32 v4, v5  }
0x25f: {  	v5 =	vperm.xlane v4, v1;
	_ =	sdelay $0x1  }
0x260: {  	v4 =	vperm.xlane v4, v3;
	v5 =	vadd.s32 v2, v5;
	_ =	sdelay $0x1  }
0x261: {  	v4 =	vadd.s32 v2, v4;
	_ =	sdelay $0x2  }
0x262: {  	[tilespmem:s28], [sflag:$0x1] =	stream.indirect_vreg.gather [hbm4b:s1+s10], $0x80, v5, vm0, $0xb8;
	[tilespmem:$0x10100] =	vst v63  }
0x263: {  	_ = 	snop  }
0x264: {  	[tilespmem:s29], [sflag:$0x1] =	stream.indirect_vreg.gather [hbm4b:s1+s10], $0x80, v4, vm0, $0xb8;
	[tilespmem:$0x10100] =	vst v63  }
0x265: {  	v4 =	vld [tilespmem:$0x60];
	_ =	sdelay $0x4  }
0x266: {  	v5 =	vshll.u32 v4, $0x1  }
0x267: {  	v4 =	vand.u32 $0x7, v4;
	v5 =	vand.u32 $0xFFFFFFF0, v5  }
0x268: {  	v4 =	vor.u32 v4, v5  }
0x269: {  	v5 =	vperm.xlane v4, v1;
	_ =	sdelay $0x1  }
0x26a: {  	v4 =	vperm.xlane v4, v3;
	v5 =	vadd.s32 v2, v5;
	_ =	sdelay $0x1  }
0x26b: {  	v4 =	vadd.s32 v2, v4;
	_ =	sdelay $0x2  }
0x26c: {  	[tilespmem:s30], [sflag:$0x1] =	stream.indirect_vreg.gather [hbm4b:s1+s10], $0x80, v5, vm0, $0xb8;
	[tilespmem:$0x10100] =	vst v63  }
0x26d: {  	_ = 	snop  }
0x26e: {  	[tilespmem:s31], [sflag:$0x1] =	stream.indirect_vreg.gather [hbm4b:s1+s10], $0x80, v4, vm0, $0xb8;
	[tilespmem:$0x10100] =	vst v63  }
0x26f: {  	v4 =	vld [tilespmem:$0x70];
	_ =	sdelay $0x4  }
0x270: {  	v5 =	vshll.u32 v4, $0x1  }
0x271: {  	v4 =	vand.u32 $0x7, v4;
	v5 =	vand.u32 $0xFFFFFFF0, v5  }
0x272: {  	v4 =	vor.u32 v4, v5  }
0x273: {  	v5 =	vperm.xlane v4, v1;
	_ =	sdelay $0x1  }
0x274: {  	v4 =	vperm.xlane v4, v3;
	v5 =	vadd.s32 v2, v5;
	_ =	sdelay $0x1  }
0x275: {  	v4 =	vadd.s32 v2, v4;
	_ =	sdelay $0x2  }
0x276: {  	[tilespmem:s0], [sflag:$0x1] =	stream.indirect_vreg.gather [hbm4b:s1+s10], $0x80, v5, vm0, $0xb8;
	[tilespmem:$0x10100] =	vst v63  }
0x277: {  	_ = 	snop  }
0x278: {  	[tilespmem:s2], [sflag:$0x1] =	stream.indirect_vreg.gather [hbm4b:s1+s10], $0x80, v4, vm0, $0xb8;
	[tilespmem:$0x10100] =	vst v63  }
0x279: {  	_ =	swait.ge [sflag:s5], $0x8000  }
0x27a: {  	[sflag:s5] =	ssyncset.done $0x0  }
0x27b: {  	s12 =	sand.u32 $0x7800, s10;
	s7 =	sand.u32 $0x380, s10;
	[sflag:s5] =	ssyncadd.s32 $0xFFFF8000  }
0x27c: {  	s7 =	sor.u32 s7, s12;
	v25 =	vld [tilespmem:$0x10080]  }
0x27d: {  	v6 =	vld [tilespmem:s7+$0x80F0]  }
0x27e: {  	v4 =	vld [tilespmem:s7+$0xF0]  }
0x27f: {  	v8 =	vld [tilespmem:s7+$0x80E0]  }
0x280: {  	v9 =	vld [tilespmem:s7+$0xE0]  }
0x281: {  	v13 =	vld [tilespmem:s7+$0x80D0]  }
0x282: {  	v11 =	vld [tilespmem:s7+$0xD0]  }
0x283: {  	v12 =	vld [tilespmem:s7+$0x80C0]  }
0x284: {  	v14 =	vld [tilespmem:s7+$0x80B0]  }
0x285: {  	v5 =	vld [tilespmem:s7+$0xB0]  }
0x286: {  	v10 =	vld [tilespmem:s7+$0x80A0]  }
0x287: {  	v15 =	vld [tilespmem:s7+$0xA0]  }
0x288: {  	v16 =	vld [tilespmem:s7+$0xC0]  }
0x289: {  	v31 =	vld [tilespmem:s7+$0x8080]  }
0x28a: {  	v20 =	vld [tilespmem:s7+$0x80]  }
0x28b: {  	v22 =	vld [tilespmem:s7+$0x490]  }
0x28c: {  	v17 =	vld [tilespmem:s7+$0x8490]  }
0x28d: {  	v7 =	vld [tilespmem:s7+$0x8090]  }
0x28e: {  	v18 =	vld [tilespmem:s7+$0x90];
	v19 =	vsub.f32 v5, v14  }
0x28f: {  	v26 =	vld [tilespmem:s7+$0x4A0];
	v9 =	vsub.f32 v9, v8;
	v16 =	vsub.f32 v16, v12  }
0x290: {  	v62 =	vld [tilespmem:s7+$0x4D0];
	v24 =	vsub.f32 v4, v6;
	v27 =	vsub.f32 v20, v31;
	v21 =	vmul.f32 $1.000000050e-03, v19  }
0x291: {  	v5 =	vld [tilespmem:s7+$0x84B0];
	v11 =	vsub.f32 v11, v13;
	v22 =	vsub.f32 v22, v17;
	v23 =	vmul.f32 $1.000000050e-03, v9  }
0x292: {  	v20 =	vld [tilespmem:s7+$0x4E0];
	v63 =	vmul.f32 v27, v27;
	v34 =	vmul.f32 $1.000000050e-03, v27;
	v4 =	vadd.f32 v21, v14  }
0x293: {  	v8 =	vadd.f32 v23, v8;
	v23 =	vsub.f32 v15, v10;
	v15 =	vmul.f32 v19, v19;
	v19 =	vld [tilespmem:s7+$0x84A0]  }
0x294: {  	v14 =	vmul.f32 $1.000000050e-03, v16;
	v21 =	vmul.f32 $1.000000050e-03, v24;
	v33 =	vadd.f32 v63, v25;
	v25 =	vld [tilespmem:s7+$0x480]  }
0x295: {  	v29 =	vmul.f32 $1.000000050e-03, v11;
	v11 =	vmul.f32 v11, v11;
	v31 =	vadd.f32 v34, v31;
	[tilespmem:s7+$0x80B0] =	vst v4;
	v4 =	vld [tilespmem:s7+$0x84D0]  }
0x296: {  	v12 =	vadd.f32 v14, v12;
	[tilespmem:s7+$0x80E0] =	vst v8;
	v8 =	vmul.f32 v9, v9;
	v14 =	vadd.f32 v21, v6;
	v6 =	vld [tilespmem:s7+$0x8480]  }
0x297: {  	v9 =	vmul.f32 v24, v24;
	v21 =	vsub.f32 v18, v7;
	v28 =	vmul.f32 $1.000000050e-03, v23;
	v18 =	vld [tilespmem:s7+$0x84E0]  }
0x298: {  	v24 =	vmul.f32 $1.000000050e-03, v22;
	[tilespmem:s7+$0x80C0] =	vst v12;
	v12 =	vmul.f32 v22, v22;
	v22 =	vld [tilespmem:s7+$0x84F0];
	v35 =	vsub.f32 v26, v19  }
0x299: {  	v27 =	vmul.f32 v23, v23;
	v23 =	vadd.f32 v29, v13;
	v30 =	vmul.f32 v21, v21;
	v26 =	vld [tilespmem:s7+$0x4F0]  }
0x29a: {  	s8 =	simm.s32 $0x80;
	s11 =	simm.s32 $0x100;
	v29 =	vld [tilespmem:s7+$0x4B0];
	[tilespmem:s7+$0x80F0] =	vst v14;
	v13 =	vmul.f32 v35, v35;
	v14 =	vsub.f32 v62, v4;
	v32 =	vmul.f32 $1.000000050e-03, v35  }
.LBB2_6:
0x29b: {  	s9 =	smov.u32 s11  }
0x29c: {  	s10 =	sand.u32 $0x7800, s11;
	s12 =	sand.u32 $0x380, s8;
	v21 =	vmul.f32 $1.000000050e-03, v21;
	v10 =	vadd.f32 v28, v10;
	v17 =	vadd.f32 v24, v17;
	v24 =	vld [tilespmem:s7+$0x4C0];
	s9 =	sadd.s32 $0x100, s11  }
0x29d: {  	p0 =	sne.s32 s11, $0x7F00;
	s10 =	sor.u32 s12, s10;
	v28 =	vadd.f32 v30, v33;
	v19 =	vadd.f32 v32, v19;
	[tilespmem:s7+$0x8080] =	vst v31;
	v30 =	vld [tilespmem:s7+$0x84C0]  }
0x29e: {  	v7 =	vadd.f32 v21, v7;
	v31 =	vld [tilespmem:s10+$0x80F0];
	[tilespmem:s7+$0x80A0] =	vst v10;
	v10 =	vsub.f32 v26, v22  }
0x29f: {  	v16 =	vmul.f32 v16, v16;
	v21 =	vadd.f32 v27, v28;
	v26 =	vld [tilespmem:s10+$0xF0];
	[tilespmem:s7+$0x84A0] =	vst v19;
	v19 =	vsub.f32 v29, v5  }
0x2a0: {  	v28 =	vmul.f32 v14, v14;
	v27 =	vld [tilespmem:s10+$0x80E0];
	[tilespmem:s7+$0x8090] =	vst v7;
	v7 =	vsub.f32 v20, v18;
	v20 =	vmul.f32 $1.000000050e-03, v10  }
0x2a1: {  	v15 =	vadd.f32 v15, v21;
	v29 =	vld [tilespmem:s10+$0xE0];
	[tilespmem:s7+$0x80D0] =	vst v23;
	v23 =	vmul.f32 v19, v19;
	v19 =	vmul.f32 $1.000000050e-03, v19  }
0x2a2: {  	v32 =	vld [tilespmem:s10+$0x80D0];
	v33 =	vmul.f32 v7, v7;
	v7 =	vmul.f32 $1.000000050e-03, v7;
	v20 =	vadd.f32 v20, v22  }
0x2a3: {  	v15 =	vadd.f32 v16, v15;
	v21 =	vld [tilespmem:s10+$0xD0];
	v5 =	vadd.f32 v19, v5  }
0x2a4: {  	v16 =	vsub.f32 v25, v6;
	v25 =	vmul.f32 v10, v10;
	v22 =	vld [tilespmem:s10+$0x80C0];
	v7 =	vadd.f32 v7, v18;
	[tilespmem:s7+$0x84F0] =	vst v20  }
0x2a5: {  	v11 =	vadd.f32 v11, v15;
	v18 =	vld [tilespmem:s10+$0x80B0];
	[tilespmem:s7+$0x84B0] =	vst v5;
	v5 =	vsub.f32 v24, v30  }
0x2a6: {  	v19 =	vmul.f32 $1.000000050e-03, v16;
	v15 =	vld [tilespmem:s10+$0xB0];
	[tilespmem:s7+$0x84E0] =	vst v7  }
0x2a7: {  	v8 =	vadd.f32 v8, v11;
	v11 =	vmul.f32 v16, v16;
	v10 =	vld [tilespmem:s10+$0x80A0];
	v16 =	vmul.f32 $1.000000050e-03, v5  }
0x2a8: {  	v6 =	vadd.f32 v19, v6;
	v20 =	vld [tilespmem:s10+$0xA0]  }
0x2a9: {  	v8 =	vadd.f32 v9, v8;
	v7 =	vld [tilespmem:s10+$0x8090];
	v9 =	vadd.f32 v16, v30  }
0x2aa: {  	v16 =	vld [tilespmem:s10+$0xC0];
	[tilespmem:s7+$0x8480] =	vst v6  }
0x2ab: {  	v6 =	vadd.f32 v11, v8;
	v19 =	vld [tilespmem:s10+$0x90];
	[tilespmem:s7+$0x84C0] =	vst v9  }
0x2ac: {  	v8 =	vsub.f32 v15, v18;
	v34 =	vld [tilespmem:s10+$0x8080]  }
0x2ad: {  	v11 =	vadd.f32 v12, v6;
	v12 =	vmul.f32 v5, v5;
	v9 =	vld [tilespmem:s10+$0x80];
	v35 =	vsub.f32 v20, v10  }
0x2ae: {  	v14 =	vmul.f32 $1.000000050e-03, v14;
	v24 =	vsub.f32 v21, v32;
	v20 =	vmul.f32 $1.000000050e-03, v8;
	v5 =	vld [tilespmem:s10+$0x84B0]  }
0x2af: {  	v15 =	vmul.f32 v8, v8;
	v8 =	vadd.f32 v13, v11;
	v16 =	vsub.f32 v16, v22;
	v6 =	vld [tilespmem:s10+$0x8480]  }
0x2b0: {  	v13 =	vmul.f32 $1.000000050e-03, v24;
	v21 =	vsub.f32 v19, v7;
	v19 =	vsub.f32 v29, v27;
	v29 =	vld [tilespmem:s10+$0x490];
	[tilespmem:s7+$0x8490] =	vst v17  }
0x2b1: {  	v11 =	vmul.f32 v24, v24;
	v23 =	vadd.f32 v23, v8;
	v30 =	vmul.f32 $1.000000050e-03, v16;
	v17 =	vld [tilespmem:s10+$0x8490]  }
0x2b2: {  	v4 =	vadd.f32 v14, v4;
	v26 =	vsub.f32 v26, v31;
	v24 =	vmul.f32 $1.000000050e-03, v19;
	v36 =	vld [tilespmem:s10+$0x4A0]  }
0x2b3: {  	v14 =	vadd.f32 v20, v18;
	v8 =	vmul.f32 v19, v19;
	v12 =	vadd.f32 v12, v23;
	v19 =	vld [tilespmem:s10+$0x84A0]  }
0x2b4: {  	v18 =	vsub.f32 v9, v34;
	v23 =	vmul.f32 $1.000000050e-03, v26;
	v20 =	vadd.f32 v24, v27;
	v37 =	vld [tilespmem:s10+$0x4D0];
	[tilespmem:s7+$0x84D0] =	vst v4;
	s7 =	smov.u32 s10  }
0x2b5: {  	v9 =	vmul.f32 v26, v26;
	v12 =	vadd.f32 v28, v12;
	[tilespmem:s7+$0x80B0] =	vst v14;
	v14 =	vadd.f32 v30, v22;
	v4 =	vld [tilespmem:s7+$0x84D0]  }
0x2b6: {  	v38 =	vmul.f32 v18, v18;
	v22 =	vadd.f32 v23, v31;
	[tilespmem:s7+$0x80E0] =	vst v20;
	v23 =	vsub.f32 v29, v17;
	v20 =	vld [tilespmem:s7+$0x4E0]  }
.Ltmp2:
0x2b7: {  	v28 =	vmul.f32 $1.000000050e-03, v35;
	v31 =	vmul.f32 $1.000000050e-03, v18;
	[tilespmem:s7+$0x80C0] =	vst v14;
	v18 =	vld [tilespmem:s7+$0x84E0];
	v14 =	vadd.f32 v33, v12;
	(pc) =	sbr.rel @p0 .LBB2_6-.Ltmp2, $4  }
0x2b8: {  	[tilespmem:s7+$0x80F0] =	vst v22;
	v12 =	vmul.f32 v23, v23;
	v24 =	vmul.f32 $1.000000050e-03, v23;
	v36 =	vsub.f32 v36, v19;
	v26 =	vld [tilespmem:s7+$0x4F0]  }
0x2b9: {  	v27 =	vmul.f32 v35, v35;
	v30 =	vmul.f32 v21, v21;
	v22 =	vld [tilespmem:s7+$0x84F0];
	v25 =	vadd.f32 v25, v14  }
0x2ba: {  	v23 =	vadd.f32 v13, v32;
	v13 =	vmul.f32 v36, v36;
	v29 =	vld [tilespmem:s7+$0x4B0];
	v14 =	vsub.f32 v37, v4  }
0x2bb: {  	s8 =	sadd.s32 $0x80, s8;
	s11 =	smov.u32 s9;
	v31 =	vadd.f32 v31, v34;
	v32 =	vmul.f32 $1.000000050e-03, v36;
	v33 =	vadd.f32 v38, v25;
	v25 =	vld [tilespmem:s7+$0x480]  }
0x2bc: {  	_ = 	snop  }
0x2bd: {  	v61 =	vld [tilespmem:s7+$0x4C0];
	v30 =	vadd.f32 v30, v33  }
0x2be: {  	v10 =	vadd.f32 v28, v10;
	v28 =	vld [tilespmem:s7+$0x84C0];
	v21 =	vmul.f32 $1.000000050e-03, v21  }
0x2bf: {  	v19 =	vadd.f32 v32, v19;
	v27 =	vadd.f32 v27, v30  }
0x2c0: {  	v7 =	vadd.f32 v21, v7;
	[tilespmem:s7+$0x80A0] =	vst v10;
	v10 =	vsub.f32 v20, v18  }
0x2c1: {  	v16 =	vmul.f32 v16, v16;
	v29 =	vsub.f32 v29, v5;
	v15 =	vadd.f32 v15, v27  }
0x2c2: {  	v26 =	vsub.f32 v26, v22;
	[tilespmem:s7+$0x8090] =	vst v7;
	v7 =	vmul.f32 $1.000000050e-03, v10  }
0x2c3: {  	[tilespmem:s7+$0x84A0] =	vst v19;
	v19 =	vmul.f32 $1.000000050e-03, v29;
	v21 =	vsub.f32 v61, v28;
	v15 =	vadd.f32 v16, v15  }
0x2c4: {  	[tilespmem:s7+$0x80D0] =	vst v23;
	v20 =	vmul.f32 $1.000000050e-03, v26;
	v7 =	vadd.f32 v7, v18;
	v16 =	vsub.f32 v25, v6  }
0x2c5: {  	[tilespmem:s7+$0x8080] =	vst v31;
	v5 =	vadd.f32 v19, v5;
	v18 =	vmul.f32 $1.000000050e-03, v21;
	v11 =	vadd.f32 v11, v15  }
0x2c6: {  	v20 =	vadd.f32 v20, v22;
	[tilespmem:s7+$0x84E0] =	vst v7;
	v15 =	vmul.f32 $1.000000050e-03, v16  }
0x2c7: {  	[tilespmem:s7+$0x84B0] =	vst v5;
	v7 =	vadd.f32 v18, v28;
	v5 =	vadd.f32 v8, v11  }
0x2c8: {  	[tilespmem:s7+$0x84F0] =	vst v20;
	v6 =	vadd.f32 v15, v6;
	v8 =	vmul.f32 $1.000000050e-03, v14  }
0x2c9: {  	v11 =	vadd.f32 v24, v17;
	v15 =	vmul.f32 v16, v16;
	[tilespmem:s7+$0x84C0] =	vst v7;
	v5 =	vadd.f32 v9, v5  }
0x2ca: {  	[tilespmem:s7+$0x8480] =	vst v6;
	v4 =	vadd.f32 v8, v4  }
0x2cb: {  	[tilespmem:s7+$0x8490] =	vst v11;
	v5 =	vadd.f32 v15, v5  }
0x2cc: {  	[tilespmem:s7+$0x84D0] =	vst v4  }
0x2cd: {  	v4 =	vadd.f32 v12, v5;
	v5 =	vld [tilespmem:$0x0];
	_ =	sdelay $0x1  }
0x2ce: {  	v6 =	vmul.f32 v29, v29;
	v4 =	vadd.f32 v13, v4;
	_ =	sdelay $0x1  }
0x2cf: {  	v7 =	vmul.f32 v21, v21;
	v4 =	vadd.f32 v6, v4  }
0x2d0: {  	v6 =	vmul.f32 v14, v14;
	v8 =	vshll.u32 v5, $0x1  }
0x2d1: {  	v5 =	vand.u32 $0x7, v5;
	v4 =	vadd.f32 v7, v4;
	v7 =	vand.u32 $0xFFFFFFF0, v8  }
0x2d2: {  	v5 =	vor.u32 v5, v7  }
0x2d3: {  	v7 =	vmul.f32 v10, v10;
	v4 =	vadd.f32 v6, v4;
	v6 =	vperm.xlane v5, v1  }
0x2d4: {  	v8 =	vmul.f32 v26, v26  }
0x2d5: {  	v5 =	vperm.xlane v5, v3;
	v4 =	vadd.f32 v7, v4;
	v6 =	vadd.s32 v2, v6;
	_ =	sdelay $0x1  }
0x2d6: {  	v5 =	vadd.s32 v2, v5;
	v4 =	vadd.f32 v8, v4;
	_ =	sdelay $0x1  }
0x2d7: {  	s10 =	simm.s32 $0x0;
	[tilespmem:$0x10080] =	vst v4  }
0x2d8: {  	[hbm4b:s4+s10] =	stream.indirect_vreg.scatter [tilespmem:s17], [sflag:$0x1], $0x80, v6, vm0, $0xb8;
	[tilespmem:$0x10100] =	vst v63  }
0x2d9: {  	_ = 	snop  }
0x2da: {  	[hbm4b:s4+s10] =	stream.indirect_vreg.scatter [tilespmem:s18], [sflag:$0x1], $0x80, v5, vm0, $0xb8;
	[tilespmem:$0x10100] =	vst v63  }
0x2db: {  	v4 =	vld [tilespmem:$0x10];
	_ =	sdelay $0x4  }
0x2dc: {  	v5 =	vshll.u32 v4, $0x1  }
0x2dd: {  	v4 =	vand.u32 $0x7, v4;
	v5 =	vand.u32 $0xFFFFFFF0, v5  }
0x2de: {  	v4 =	vor.u32 v4, v5  }
0x2df: {  	v5 =	vperm.xlane v4, v1;
	_ =	sdelay $0x1  }
0x2e0: {  	v4 =	vperm.xlane v4, v3;
	v5 =	vadd.s32 v2, v5;
	_ =	sdelay $0x1  }
0x2e1: {  	v4 =	vadd.s32 v2, v4;
	_ =	sdelay $0x2  }
0x2e2: {  	[hbm4b:s4+s10] =	stream.indirect_vreg.scatter [tilespmem:s19], [sflag:$0x1], $0x80, v5, vm0, $0xb8;
	[tilespmem:$0x10100] =	vst v63  }
0x2e3: {  	_ = 	snop  }
0x2e4: {  	[hbm4b:s4+s10] =	stream.indirect_vreg.scatter [tilespmem:s20], [sflag:$0x1], $0x80, v4, vm0, $0xb8;
	[tilespmem:$0x10100] =	vst v63  }
0x2e5: {  	v4 =	vld [tilespmem:$0x20];
	_ =	sdelay $0x4  }
0x2e6: {  	v5 =	vshll.u32 v4, $0x1  }
0x2e7: {  	v4 =	vand.u32 $0x7, v4;
	v5 =	vand.u32 $0xFFFFFFF0, v5  }
0x2e8: {  	v4 =	vor.u32 v4, v5  }
0x2e9: {  	v5 =	vperm.xlane v4, v1;
	_ =	sdelay $0x1  }
0x2ea: {  	v4 =	vperm.xlane v4, v3;
	v5 =	vadd.s32 v2, v5;
	_ =	sdelay $0x1  }
0x2eb: {  	v4 =	vadd.s32 v2, v4;
	_ =	sdelay $0x2  }
0x2ec: {  	[hbm4b:s4+s10] =	stream.indirect_vreg.scatter [tilespmem:s21], [sflag:$0x1], $0x80, v5, vm0, $0xb8;
	[tilespmem:$0x10100] =	vst v63  }
0x2ed: {  	_ = 	snop  }
0x2ee: {  	[hbm4b:s4+s10] =	stream.indirect_vreg.scatter [tilespmem:s22], [sflag:$0x1], $0x80, v4, vm0, $0xb8;
	[tilespmem:$0x10100] =	vst v63  }
0x2ef: {  	v4 =	vld [tilespmem:$0x30];
	_ =	sdelay $0x4  }
0x2f0: {  	v5 =	vshll.u32 v4, $0x1  }
0x2f1: {  	v4 =	vand.u32 $0x7, v4;
	v5 =	vand.u32 $0xFFFFFFF0, v5  }
0x2f2: {  	v4 =	vor.u32 v4, v5  }
0x2f3: {  	v5 =	vperm.xlane v4, v1;
	_ =	sdelay $0x1  }
0x2f4: {  	v4 =	vperm.xlane v4, v3;
	v5 =	vadd.s32 v2, v5;
	_ =	sdelay $0x1  }
0x2f5: {  	v4 =	vadd.s32 v2, v4;
	_ =	sdelay $0x2  }
0x2f6: {  	[hbm4b:s4+s10] =	stream.indirect_vreg.scatter [tilespmem:s23], [sflag:$0x1], $0x80, v5, vm0, $0xb8;
	[tilespmem:$0x10100] =	vst v63  }
0x2f7: {  	_ = 	snop  }
0x2f8: {  	[hbm4b:s4+s10] =	stream.indirect_vreg.scatter [tilespmem:s24], [sflag:$0x1], $0x80, v4, vm0, $0xb8;
	[tilespmem:$0x10100] =	vst v63  }
0x2f9: {  	v4 =	vld [tilespmem:$0x40];
	_ =	sdelay $0x4  }
0x2fa: {  	v5 =	vshll.u32 v4, $0x1  }
0x2fb: {  	v4 =	vand.u32 $0x7, v4;
	v5 =	vand.u32 $0xFFFFFFF0, v5  }
0x2fc: {  	v4 =	vor.u32 v4, v5  }
0x2fd: {  	v5 =	vperm.xlane v4, v1;
	_ =	sdelay $0x1  }
0x2fe: {  	v4 =	vperm.xlane v4, v3;
	v5 =	vadd.s32 v2, v5;
	_ =	sdelay $0x1  }
0x2ff: {  	v4 =	vadd.s32 v2, v4;
	_ =	sdelay $0x2  }
0x300: {  	[hbm4b:s4+s10] =	stream.indirect_vreg.scatter [tilespmem:s25], [sflag:$0x1], $0x80, v5, vm0, $0xb8;
	[tilespmem:$0x10100] =	vst v63  }
0x301: {  	_ = 	snop  }
0x302: {  	[hbm4b:s4+s10] =	stream.indirect_vreg.scatter [tilespmem:s26], [sflag:$0x1], $0x80, v4, vm0, $0xb8;
	[tilespmem:$0x10100] =	vst v63  }
0x303: {  	v4 =	vld [tilespmem:$0x50];
	_ =	sdelay $0x4  }
0x304: {  	v5 =	vshll.u32 v4, $0x1  }
0x305: {  	v4 =	vand.u32 $0x7, v4;
	v5 =	vand.u32 $0xFFFFFFF0, v5  }
0x306: {  	v4 =	vor.u32 v4, v5  }
0x307: {  	v5 =	vperm.xlane v4, v1;
	_ =	sdelay $0x1  }
0x308: {  	v4 =	vperm.xlane v4, v3;
	v5 =	vadd.s32 v2, v5;
	_ =	sdelay $0x1  }
0x309: {  	v4 =	vadd.s32 v2, v4;
	_ =	sdelay $0x2  }
0x30a: {  	[hbm4b:s4+s10] =	stream.indirect_vreg.scatter [tilespmem:s28], [sflag:$0x1], $0x80, v5, vm0, $0xb8;
	[tilespmem:$0x10100] =	vst v63  }
0x30b: {  	_ = 	snop  }
0x30c: {  	[hbm4b:s4+s10] =	stream.indirect_vreg.scatter [tilespmem:s29], [sflag:$0x1], $0x80, v4, vm0, $0xb8;
	[tilespmem:$0x10100] =	vst v63  }
0x30d: {  	v4 =	vld [tilespmem:$0x60];
	_ =	sdelay $0x4  }
0x30e: {  	v5 =	vshll.u32 v4, $0x1  }
0x30f: {  	v4 =	vand.u32 $0x7, v4;
	v5 =	vand.u32 $0xFFFFFFF0, v5  }
0x310: {  	v4 =	vor.u32 v4, v5  }
0x311: {  	v5 =	vperm.xlane v4, v1;
	_ =	sdelay $0x1  }
0x312: {  	v4 =	vperm.xlane v4, v3;
	v5 =	vadd.s32 v2, v5;
	_ =	sdelay $0x1  }
0x313: {  	v4 =	vadd.s32 v2, v4;
	_ =	sdelay $0x2  }
0x314: {  	[hbm4b:s4+s10] =	stream.indirect_vreg.scatter [tilespmem:s30], [sflag:$0x1], $0x80, v5, vm0, $0xb8;
	[tilespmem:$0x10100] =	vst v63  }
0x315: {  	_ = 	snop  }
0x316: {  	[hbm4b:s4+s10] =	stream.indirect_vreg.scatter [tilespmem:s31], [sflag:$0x1], $0x80, v4, vm0, $0xb8;
	[tilespmem:$0x10100] =	vst v63  }
0x317: {  	v4 =	vld [tilespmem:$0x70];
	_ =	sdelay $0x4  }
0x318: {  	v5 =	vshll.u32 v4, $0x1  }
0x319: {  	v4 =	vand.u32 $0x7, v4;
	v5 =	vand.u32 $0xFFFFFFF0, v5  }
0x31a: {  	v4 =	vor.u32 v4, v5  }
0x31b: {  	v5 =	vperm.xlane v4, v1;
	_ =	sdelay $0x1  }
0x31c: {  	v4 =	vperm.xlane v4, v3;
	v5 =	vadd.s32 v2, v5;
	_ =	sdelay $0x1  }
0x31d: {  	v4 =	vadd.s32 v2, v4;
	_ =	sdelay $0x2  }
0x31e: {  	[hbm4b:s4+s10] =	stream.indirect_vreg.scatter [tilespmem:s0], [sflag:$0x1], $0x80, v5, vm0, $0xb8;
	[tilespmem:$0x10100] =	vst v63  }
0x31f: {  	_ = 	snop  }
0x320: {  	[hbm4b:s4+s10] =	stream.indirect_vreg.scatter [tilespmem:s2], [sflag:$0x1], $0x80, v4, vm0, $0xb8;
	[tilespmem:$0x10100] =	vst v63  }
0x321: {  	_ =	swait.ge [sflag:s5], $0x8000  }
0x322: {  	[sflag:s5] =	ssyncset.done $0x0  }
0x323: {  	s8 =	rddreg [dreg:$0xb];
	[sflag:s5] =	ssyncadd.s32 $0xFFFF8000  }
0x324: {  	[tilespmem:s10], [sflag:$0x2] =	stream.linear.gather [hbm4b:s8+s10], $0x80, $0x38;
	[tilespmem:$0x10100] =	vst v63  }
0x325: {  	_ =	swait.ge [sflag:s15], $0x80  }
0x326: {  	[sflag:s15] =	ssyncset.done $0x0  }
0x327: {  	s11 =	rddreg [dreg:$0xc];
	[sflag:s15] =	ssyncadd.s32 $0xFFFFFF80  }
0x328: {  	[tilespmem:s16], [sflag:$0x2] =	stream.linear.gather [hbm4b:s11+s10], $0x8000, $0x38;
	[tilespmem:$0x10100] =	vst v63  }
0x329: {  	_ =	swait.ge [sflag:s15], $0x8000  }
0x32a: {  	[sflag:s15] =	ssyncset.done $0x0  }
0x32b: {  	[sflag:s15] =	ssyncadd.s32 $0xFFFF8000  }
0x32c: {  	v4 =	vld [tilespmem:$0x0];
	_ =	sdelay $0x4  }
0x32d: {  	v5 =	vshll.u32 v4, $0x1  }
0x32e: {  	v4 =	vand.u32 $0x7, v4;
	v5 =	vand.u32 $0xFFFFFFF0, v5  }
0x32f: {  	v4 =	vor.u32 v4, v5  }
0x330: {  	v5 =	vperm.xlane v4, v1;
	_ =	sdelay $0x1  }
0x331: {  	v4 =	vperm.xlane v4, v3;
	v5 =	vadd.s32 v2, v5;
	_ =	sdelay $0x1  }
0x332: {  	v4 =	vadd.s32 v2, v4;
	_ =	sdelay $0x2  }
0x333: {  	[tilespmem:s17], [sflag:$0x1] =	stream.indirect_vreg.gather [hbm4b:s1+s10], $0x80, v5, vm0, $0xb8;
	[tilespmem:$0x10100] =	vst v63  }
0x334: {  	_ = 	snop  }
0x335: {  	[tilespmem:s18], [sflag:$0x1] =	stream.indirect_vreg.gather [hbm4b:s1+s10], $0x80, v4, vm0, $0xb8;
	[tilespmem:$0x10100] =	vst v63  }
0x336: {  	v4 =	vld [tilespmem:$0x10];
	_ =	sdelay $0x4  }
0x337: {  	v5 =	vshll.u32 v4, $0x1  }
0x338: {  	v4 =	vand.u32 $0x7, v4;
	v5 =	vand.u32 $0xFFFFFFF0, v5  }
0x339: {  	v4 =	vor.u32 v4, v5  }
0x33a: {  	v5 =	vperm.xlane v4, v1;
	_ =	sdelay $0x1  }
0x33b: {  	v4 =	vperm.xlane v4, v3;
	v5 =	vadd.s32 v2, v5;
	_ =	sdelay $0x1  }
0x33c: {  	v4 =	vadd.s32 v2, v4;
	_ =	sdelay $0x2  }
0x33d: {  	[tilespmem:s19], [sflag:$0x1] =	stream.indirect_vreg.gather [hbm4b:s1+s10], $0x80, v5, vm0, $0xb8;
	[tilespmem:$0x10100] =	vst v63  }
0x33e: {  	_ = 	snop  }
0x33f: {  	[tilespmem:s20], [sflag:$0x1] =	stream.indirect_vreg.gather [hbm4b:s1+s10], $0x80, v4, vm0, $0xb8;
	[tilespmem:$0x10100] =	vst v63  }
0x340: {  	v4 =	vld [tilespmem:$0x20];
	_ =	sdelay $0x4  }
0x341: {  	v5 =	vshll.u32 v4, $0x1  }
0x342: {  	v4 =	vand.u32 $0x7, v4;
	v5 =	vand.u32 $0xFFFFFFF0, v5  }
0x343: {  	v4 =	vor.u32 v4, v5  }
0x344: {  	v5 =	vperm.xlane v4, v1;
	_ =	sdelay $0x1  }
0x345: {  	v4 =	vperm.xlane v4, v3;
	v5 =	vadd.s32 v2, v5;
	_ =	sdelay $0x1  }
0x346: {  	v4 =	vadd.s32 v2, v4;
	_ =	sdelay $0x2  }
0x347: {  	[tilespmem:s21], [sflag:$0x1] =	stream.indirect_vreg.gather [hbm4b:s1+s10], $0x80, v5, vm0, $0xb8;
	[tilespmem:$0x10100] =	vst v63  }
0x348: {  	_ = 	snop  }
0x349: {  	[tilespmem:s22], [sflag:$0x1] =	stream.indirect_vreg.gather [hbm4b:s1+s10], $0x80, v4, vm0, $0xb8;
	[tilespmem:$0x10100] =	vst v63  }
0x34a: {  	v4 =	vld [tilespmem:$0x30];
	_ =	sdelay $0x4  }
0x34b: {  	v5 =	vshll.u32 v4, $0x1  }
0x34c: {  	v4 =	vand.u32 $0x7, v4;
	v5 =	vand.u32 $0xFFFFFFF0, v5  }
0x34d: {  	v4 =	vor.u32 v4, v5  }
0x34e: {  	v5 =	vperm.xlane v4, v1;
	_ =	sdelay $0x1  }
0x34f: {  	v4 =	vperm.xlane v4, v3;
	v5 =	vadd.s32 v2, v5;
	_ =	sdelay $0x1  }
0x350: {  	v4 =	vadd.s32 v2, v4;
	_ =	sdelay $0x2  }
0x351: {  	[tilespmem:s23], [sflag:$0x1] =	stream.indirect_vreg.gather [hbm4b:s1+s10], $0x80, v5, vm0, $0xb8;
	[tilespmem:$0x10100] =	vst v63  }
0x352: {  	_ = 	snop  }
0x353: {  	[tilespmem:s24], [sflag:$0x1] =	stream.indirect_vreg.gather [hbm4b:s1+s10], $0x80, v4, vm0, $0xb8;
	[tilespmem:$0x10100] =	vst v63  }
0x354: {  	v4 =	vld [tilespmem:$0x40];
	_ =	sdelay $0x4  }
0x355: {  	v5 =	vshll.u32 v4, $0x1  }
0x356: {  	v4 =	vand.u32 $0x7, v4;
	v5 =	vand.u32 $0xFFFFFFF0, v5  }
0x357: {  	v4 =	vor.u32 v4, v5  }
0x358: {  	v5 =	vperm.xlane v4, v1;
	_ =	sdelay $0x1  }
0x359: {  	v4 =	vperm.xlane v4, v3;
	v5 =	vadd.s32 v2, v5;
	_ =	sdelay $0x1  }
0x35a: {  	v4 =	vadd.s32 v2, v4;
	_ =	sdelay $0x2  }
0x35b: {  	[tilespmem:s25], [sflag:$0x1] =	stream.indirect_vreg.gather [hbm4b:s1+s10], $0x80, v5, vm0, $0xb8;
	[tilespmem:$0x10100] =	vst v63  }
0x35c: {  	_ = 	snop  }
0x35d: {  	[tilespmem:s26], [sflag:$0x1] =	stream.indirect_vreg.gather [hbm4b:s1+s10], $0x80, v4, vm0, $0xb8;
	[tilespmem:$0x10100] =	vst v63  }
0x35e: {  	v4 =	vld [tilespmem:$0x50];
	_ =	sdelay $0x4  }
0x35f: {  	v5 =	vshll.u32 v4, $0x1  }
0x360: {  	v4 =	vand.u32 $0x7, v4;
	v5 =	vand.u32 $0xFFFFFFF0, v5  }
0x361: {  	v4 =	vor.u32 v4, v5  }
0x362: {  	v5 =	vperm.xlane v4, v1;
	_ =	sdelay $0x1  }
0x363: {  	v4 =	vperm.xlane v4, v3;
	v5 =	vadd.s32 v2, v5;
	_ =	sdelay $0x1  }
0x364: {  	v4 =	vadd.s32 v2, v4;
	_ =	sdelay $0x2  }
0x365: {  	[tilespmem:s28], [sflag:$0x1] =	stream.indirect_vreg.gather [hbm4b:s1+s10], $0x80, v5, vm0, $0xb8;
	[tilespmem:$0x10100] =	vst v63  }
0x366: {  	_ = 	snop  }
0x367: {  	[tilespmem:s29], [sflag:$0x1] =	stream.indirect_vreg.gather [hbm4b:s1+s10], $0x80, v4, vm0, $0xb8;
	[tilespmem:$0x10100] =	vst v63  }
0x368: {  	v4 =	vld [tilespmem:$0x60];
	_ =	sdelay $0x4  }
0x369: {  	v5 =	vshll.u32 v4, $0x1  }
0x36a: {  	v4 =	vand.u32 $0x7, v4;
	v5 =	vand.u32 $0xFFFFFFF0, v5  }
0x36b: {  	v4 =	vor.u32 v4, v5  }
0x36c: {  	v5 =	vperm.xlane v4, v1;
	_ =	sdelay $0x1  }
0x36d: {  	v4 =	vperm.xlane v4, v3;
	v5 =	vadd.s32 v2, v5;
	_ =	sdelay $0x1  }
0x36e: {  	v4 =	vadd.s32 v2, v4;
	_ =	sdelay $0x2  }
0x36f: {  	[tilespmem:s30], [sflag:$0x1] =	stream.indirect_vreg.gather [hbm4b:s1+s10], $0x80, v5, vm0, $0xb8;
	[tilespmem:$0x10100] =	vst v63  }
0x370: {  	_ = 	snop  }
0x371: {  	[tilespmem:s31], [sflag:$0x1] =	stream.indirect_vreg.gather [hbm4b:s1+s10], $0x80, v4, vm0, $0xb8;
	[tilespmem:$0x10100] =	vst v63  }
0x372: {  	v4 =	vld [tilespmem:$0x70];
	_ =	sdelay $0x4  }
0x373: {  	v5 =	vshll.u32 v4, $0x1  }
0x374: {  	v4 =	vand.u32 $0x7, v4;
	v5 =	vand.u32 $0xFFFFFFF0, v5  }
0x375: {  	v4 =	vor.u32 v4, v5  }
0x376: {  	v5 =	vperm.xlane v4, v1;
	_ =	sdelay $0x1  }
0x377: {  	v4 =	vperm.xlane v4, v3;
	v5 =	vadd.s32 v2, v5;
	_ =	sdelay $0x1  }
0x378: {  	v4 =	vadd.s32 v2, v4;
	_ =	sdelay $0x2  }
0x379: {  	[tilespmem:s0], [sflag:$0x1] =	stream.indirect_vreg.gather [hbm4b:s1+s10], $0x80, v5, vm0, $0xb8;
	[tilespmem:$0x10100] =	vst v63  }
0x37a: {  	_ = 	snop  }
0x37b: {  	[tilespmem:s2], [sflag:$0x1] =	stream.indirect_vreg.gather [hbm4b:s1+s10], $0x80, v4, vm0, $0xb8;
	[tilespmem:$0x10100] =	vst v63  }
0x37c: {  	_ =	swait.ge [sflag:s5], $0x8000  }
0x37d: {  	[sflag:s5] =	ssyncset.done $0x0  }
0x37e: {  	s12 =	sand.u32 $0x7800, s10;
	s7 =	sand.u32 $0x380, s10;
	[sflag:s5] =	ssyncadd.s32 $0xFFFF8000  }
0x37f: {  	s7 =	sor.u32 s7, s12;
	v25 =	vld [tilespmem:$0x10080]  }
0x380: {  	v6 =	vld [tilespmem:s7+$0x80F0]  }
0x381: {  	v4 =	vld [tilespmem:s7+$0xF0]  }
0x382: {  	v8 =	vld [tilespmem:s7+$0x80E0]  }
0x383: {  	v9 =	vld [tilespmem:s7+$0xE0]  }
0x384: {  	v13 =	vld [tilespmem:s7+$0x80D0]  }
0x385: {  	v11 =	vld [tilespmem:s7+$0xD0]  }
0x386: {  	v12 =	vld [tilespmem:s7+$0x80C0]  }
0x387: {  	v14 =	vld [tilespmem:s7+$0x80B0]  }
0x388: {  	v5 =	vld [tilespmem:s7+$0xB0]  }
0x389: {  	v10 =	vld [tilespmem:s7+$0x80A0]  }
0x38a: {  	v15 =	vld [tilespmem:s7+$0xA0]  }
0x38b: {  	v16 =	vld [tilespmem:s7+$0xC0]  }
0x38c: {  	v31 =	vld [tilespmem:s7+$0x8080]  }
0x38d: {  	v20 =	vld [tilespmem:s7+$0x80]  }
0x38e: {  	v22 =	vld [tilespmem:s7+$0x490]  }
0x38f: {  	v17 =	vld [tilespmem:s7+$0x8490]  }
0x390: {  	v7 =	vld [tilespmem:s7+$0x8090]  }
0x391: {  	v18 =	vld [tilespmem:s7+$0x90];
	v19 =	vsub.f32 v5, v14  }
0x392: {  	v26 =	vld [tilespmem:s7+$0x4A0];
	v9 =	vsub.f32 v9, v8;
	v16 =	vsub.f32 v16, v12  }
0x393: {  	v62 =	vld [tilespmem:s7+$0x4D0];
	v24 =	vsub.f32 v4, v6;
	v27 =	vsub.f32 v20, v31;
	v21 =	vmul.f32 $1.000000050e-03, v19  }
0x394: {  	v5 =	vld [tilespmem:s7+$0x84B0];
	v11 =	vsub.f32 v11, v13;
	v22 =	vsub.f32 v22, v17;
	v23 =	vmul.f32 $1.000000050e-03, v9  }
0x395: {  	v20 =	vld [tilespmem:s7+$0x4E0];
	v63 =	vmul.f32 v27, v27;
	v34 =	vmul.f32 $1.000000050e-03, v27;
	v4 =	vadd.f32 v21, v14  }
0x396: {  	v8 =	vadd.f32 v23, v8;
	v23 =	vsub.f32 v15, v10;
	v15 =	vmul.f32 v19, v19;
	v19 =	vld [tilespmem:s7+$0x84A0]  }
0x397: {  	v14 =	vmul.f32 $1.000000050e-03, v16;
	v21 =	vmul.f32 $1.000000050e-03, v24;
	v33 =	vadd.f32 v63, v25;
	v25 =	vld [tilespmem:s7+$0x480]  }
0x398: {  	v29 =	vmul.f32 $1.000000050e-03, v11;
	v11 =	vmul.f32 v11, v11;
	v31 =	vadd.f32 v34, v31;
	[tilespmem:s7+$0x80B0] =	vst v4;
	v4 =	vld [tilespmem:s7+$0x84D0]  }
0x399: {  	v12 =	vadd.f32 v14, v12;
	[tilespmem:s7+$0x80E0] =	vst v8;
	v8 =	vmul.f32 v9, v9;
	v14 =	vadd.f32 v21, v6;
	v6 =	vld [tilespmem:s7+$0x8480]  }
0x39a: {  	v9 =	vmul.f32 v24, v24;
	v21 =	vsub.f32 v18, v7;
	v28 =	vmul.f32 $1.000000050e-03, v23;
	v18 =	vld [tilespmem:s7+$0x84E0]  }
0x39b: {  	v24 =	vmul.f32 $1.000000050e-03, v22;
	[tilespmem:s7+$0x80C0] =	vst v12;
	v12 =	vmul.f32 v22, v22;
	v22 =	vld [tilespmem:s7+$0x84F0];
	v35 =	vsub.f32 v26, v19  }
0x39c: {  	v27 =	vmul.f32 v23, v23;
	v23 =	vadd.f32 v29, v13;
	v30 =	vmul.f32 v21, v21;
	v26 =	vld [tilespmem:s7+$0x4F0]  }
0x39d: {  	s8 =	simm.s32 $0x80;
	s11 =	simm.s32 $0x100;
	v29 =	vld [tilespmem:s7+$0x4B0];
	[tilespmem:s7+$0x80F0] =	vst v14;
	v13 =	vmul.f32 v35, v35;
	v14 =	vsub.f32 v62, v4;
	v32 =	vmul.f32 $1.000000050e-03, v35  }
.LBB2_8:
0x39e: {  	s9 =	smov.u32 s11  }
0x39f: {  	s10 =	sand.u32 $0x7800, s11;
	s12 =	sand.u32 $0x380, s8;
	v21 =	vmul.f32 $1.000000050e-03, v21;
	v10 =	vadd.f32 v28, v10;
	v17 =	vadd.f32 v24, v17;
	v24 =	vld [tilespmem:s7+$0x4C0];
	s9 =	sadd.s32 $0x100, s11  }
0x3a0: {  	p0 =	sne.s32 s11, $0x7F00;
	s10 =	sor.u32 s12, s10;
	v28 =	vadd.f32 v30, v33;
	v19 =	vadd.f32 v32, v19;
	[tilespmem:s7+$0x8080] =	vst v31;
	v30 =	vld [tilespmem:s7+$0x84C0]  }
0x3a1: {  	v7 =	vadd.f32 v21, v7;
	v31 =	vld [tilespmem:s10+$0x80F0];
	[tilespmem:s7+$0x80A0] =	vst v10;
	v10 =	vsub.f32 v26, v22  }
0x3a2: {  	v16 =	vmul.f32 v16, v16;
	v21 =	vadd.f32 v27, v28;
	v26 =	vld [tilespmem:s10+$0xF0];
	[tilespmem:s7+$0x84A0] =	vst v19;
	v19 =	vsub.f32 v29, v5  }
0x3a3: {  	v28 =	vmul.f32 v14, v14;
	v27 =	vld [tilespmem:s10+$0x80E0];
	[tilespmem:s7+$0x8090] =	vst v7;
	v7 =	vsub.f32 v20, v18;
	v20 =	vmul.f32 $1.000000050e-03, v10  }
0x3a4: {  	v15 =	vadd.f32 v15, v21;
	v29 =	vld [tilespmem:s10+$0xE0];
	[tilespmem:s7+$0x80D0] =	vst v23;
	v23 =	vmul.f32 v19, v19;
	v19 =	vmul.f32 $1.000000050e-03, v19  }
0x3a5: {  	v32 =	vld [tilespmem:s10+$0x80D0];
	v33 =	vmul.f32 v7, v7;
	v7 =	vmul.f32 $1.000000050e-03, v7;
	v20 =	vadd.f32 v20, v22  }
0x3a6: {  	v15 =	vadd.f32 v16, v15;
	v21 =	vld [tilespmem:s10+$0xD0];
	v5 =	vadd.f32 v19, v5  }
0x3a7: {  	v16 =	vsub.f32 v25, v6;
	v25 =	vmul.f32 v10, v10;
	v22 =	vld [tilespmem:s10+$0x80C0];
	v7 =	vadd.f32 v7, v18;
	[tilespmem:s7+$0x84F0] =	vst v20  }
0x3a8: {  	v11 =	vadd.f32 v11, v15;
	v18 =	vld [tilespmem:s10+$0x80B0];
	[tilespmem:s7+$0x84B0] =	vst v5;
	v5 =	vsub.f32 v24, v30  }
0x3a9: {  	v19 =	vmul.f32 $1.000000050e-03, v16;
	v15 =	vld [tilespmem:s10+$0xB0];
	[tilespmem:s7+$0x84E0] =	vst v7  }
0x3aa: {  	v8 =	vadd.f32 v8, v11;
	v11 =	vmul.f32 v16, v16;
	v10 =	vld [tilespmem:s10+$0x80A0];
	v16 =	vmul.f32 $1.000000050e-03, v5  }
0x3ab: {  	v6 =	vadd.f32 v19, v6;
	v20 =	vld [tilespmem:s10+$0xA0]  }
0x3ac: {  	v8 =	vadd.f32 v9, v8;
	v7 =	vld [tilespmem:s10+$0x8090];
	v9 =	vadd.f32 v16, v30  }
0x3ad: {  	v16 =	vld [tilespmem:s10+$0xC0];
	[tilespmem:s7+$0x8480] =	vst v6  }
0x3ae: {  	v6 =	vadd.f32 v11, v8;
	v19 =	vld [tilespmem:s10+$0x90];
	[tilespmem:s7+$0x84C0] =	vst v9  }
0x3af: {  	v8 =	vsub.f32 v15, v18;
	v34 =	vld [tilespmem:s10+$0x8080]  }
0x3b0: {  	v11 =	vadd.f32 v12, v6;
	v12 =	vmul.f32 v5, v5;
	v9 =	vld [tilespmem:s10+$0x80];
	v35 =	vsub.f32 v20, v10  }
0x3b1: {  	v14 =	vmul.f32 $1.000000050e-03, v14;
	v24 =	vsub.f32 v21, v32;
	v20 =	vmul.f32 $1.000000050e-03, v8;
	v5 =	vld [tilespmem:s10+$0x84B0]  }
0x3b2: {  	v15 =	vmul.f32 v8, v8;
	v8 =	vadd.f32 v13, v11;
	v16 =	vsub.f32 v16, v22;
	v6 =	vld [tilespmem:s10+$0x8480]  }
0x3b3: {  	v13 =	vmul.f32 $1.000000050e-03, v24;
	v21 =	vsub.f32 v19, v7;
	v19 =	vsub.f32 v29, v27;
	v29 =	vld [tilespmem:s10+$0x490];
	[tilespmem:s7+$0x8490] =	vst v17  }
0x3b4: {  	v11 =	vmul.f32 v24, v24;
	v23 =	vadd.f32 v23, v8;
	v30 =	vmul.f32 $1.000000050e-03, v16;
	v17 =	vld [tilespmem:s10+$0x8490]  }
0x3b5: {  	v4 =	vadd.f32 v14, v4;
	v26 =	vsub.f32 v26, v31;
	v24 =	vmul.f32 $1.000000050e-03, v19;
	v36 =	vld [tilespmem:s10+$0x4A0]  }
0x3b6: {  	v14 =	vadd.f32 v20, v18;
	v8 =	vmul.f32 v19, v19;
	v12 =	vadd.f32 v12, v23;
	v19 =	vld [tilespmem:s10+$0x84A0]  }
0x3b7: {  	v18 =	vsub.f32 v9, v34;
	v23 =	vmul.f32 $1.000000050e-03, v26;
	v20 =	vadd.f32 v24, v27;
	v37 =	vld [tilespmem:s10+$0x4D0];
	[tilespmem:s7+$0x84D0] =	vst v4;
	s7 =	smov.u32 s10  }
0x3b8: {  	v9 =	vmul.f32 v26, v26;
	v12 =	vadd.f32 v28, v12;
	[tilespmem:s7+$0x80B0] =	vst v14;
	v14 =	vadd.f32 v30, v22;
	v4 =	vld [tilespmem:s7+$0x84D0]  }
0x3b9: {  	v38 =	vmul.f32 v18, v18;
	v22 =	vadd.f32 v23, v31;
	[tilespmem:s7+$0x80E0] =	vst v20;
	v23 =	vsub.f32 v29, v17;
	v20 =	vld [tilespmem:s7+$0x4E0]  }
.Ltmp3:
0x3ba: {  	v28 =	vmul.f32 $1.000000050e-03, v35;
	v31 =	vmul.f32 $1.000000050e-03, v18;
	[tilespmem:s7+$0x80C0] =	vst v14;
	v18 =	vld [tilespmem:s7+$0x84E0];
	v14 =	vadd.f32 v33, v12;
	(pc) =	sbr.rel @p0 .LBB2_8-.Ltmp3, $4  }
0x3bb: {  	[tilespmem:s7+$0x80F0] =	vst v22;
	v12 =	vmul.f32 v23, v23;
	v24 =	vmul.f32 $1.000000050e-03, v23;
	v36 =	vsub.f32 v36, v19;
	v26 =	vld [tilespmem:s7+$0x4F0]  }
0x3bc: {  	v27 =	vmul.f32 v35, v35;
	v30 =	vmul.f32 v21, v21;
	v22 =	vld [tilespmem:s7+$0x84F0];
	v25 =	vadd.f32 v25, v14  }
0x3bd: {  	v23 =	vadd.f32 v13, v32;
	v13 =	vmul.f32 v36, v36;
	v29 =	vld [tilespmem:s7+$0x4B0];
	v14 =	vsub.f32 v37, v4  }
0x3be: {  	s8 =	sadd.s32 $0x80, s8;
	s11 =	smov.u32 s9;
	v31 =	vadd.f32 v31, v34;
	v32 =	vmul.f32 $1.000000050e-03, v36;
	v33 =	vadd.f32 v38, v25;
	v25 =	vld [tilespmem:s7+$0x480]  }
0x3bf: {  	_ = 	snop  }
0x3c0: {  	v30 =	vadd.f32 v30, v33;
	_ =	sdelay $0x1  }
0x3c1: {  	v27 =	vadd.f32 v27, v30  }
0x3c2: {  	v41 =	vld [tilespmem:s7+$0x4C0];
	v10 =	vadd.f32 v28, v10;
	v43 =	vsub.f32 v20, v18  }
0x3c3: {  	v42 =	vld [tilespmem:s7+$0x84C0];
	v16 =	vmul.f32 v16, v16;
	[tilespmem:s7+$0x80D0] =	vst v23;
	v29 =	vsub.f32 v29, v5;
	v15 =	vadd.f32 v15, v27  }
0x3c4: {  	v21 =	vmul.f32 $1.000000050e-03, v21;
	v54 =	vadd.f32 v24, v17;
	v19 =	vadd.f32 v32, v19;
	[tilespmem:s7+$0x8080] =	vst v31  }
0x3c5: {  	v26 =	vsub.f32 v26, v22;
	[tilespmem:s7+$0x80A0] =	vst v10;
	v45 =	vmul.f32 $1.000000050e-03, v29;
	v15 =	vadd.f32 v16, v15  }
0x3c6: {  	v53 =	vmul.f32 $1.000000050e-03, v14;
	v7 =	vadd.f32 v21, v7;
	[tilespmem:s7+$0x8490] =	vst v54;
	v46 =	vsub.f32 v25, v6  }
0x3c7: {  	v47 =	vmul.f32 $1.000000050e-03, v43;
	[tilespmem:s7+$0x84A0] =	vst v19;
	v5 =	vadd.f32 v45, v5;
	v11 =	vadd.f32 v11, v15  }
0x3c8: {  	v4 =	vadd.f32 v53, v4;
	v44 =	vmul.f32 $1.000000050e-03, v26;
	[tilespmem:s7+$0x8090] =	vst v7;
	v48 =	vsub.f32 v41, v42  }
0x3c9: {  	v7 =	vadd.f32 v47, v18;
	v49 =	vmul.f32 $1.000000050e-03, v46;
	[tilespmem:s7+$0x84B0] =	vst v5;
	v5 =	vadd.f32 v8, v11  }
0x3ca: {  	[tilespmem:s7+$0x84D0] =	vst v4;
	v20 =	vadd.f32 v44, v22;
	v50 =	vmul.f32 $1.000000050e-03, v48  }
0x3cb: {  	[tilespmem:s7+$0x84E0] =	vst v7;
	v55 =	vmul.f32 v46, v46;
	v51 =	vadd.f32 v49, v6;
	v5 =	vadd.f32 v9, v5  }
0x3cc: {  	[tilespmem:s7+$0x84F0] =	vst v20;
	v52 =	vadd.f32 v50, v42  }
0x3cd: {  	[tilespmem:s7+$0x8480] =	vst v51;
	v5 =	vadd.f32 v55, v5  }
0x3ce: {  	[tilespmem:s7+$0x84C0] =	vst v52  }
0x3cf: {  	v4 =	vadd.f32 v12, v5;
	v5 =	vld [tilespmem:$0x0];
	_ =	sdelay $0x1  }
0x3d0: {  	v56 =	vmul.f32 v29, v29;
	v4 =	vadd.f32 v13, v4;
	_ =	sdelay $0x1  }
0x3d1: {  	v57 =	vmul.f32 v48, v48;
	v4 =	vadd.f32 v56, v4  }
0x3d2: {  	v58 =	vmul.f32 v14, v14;
	v59 =	vshll.u32 v5, $0x1  }
0x3d3: {  	v5 =	vand.u32 $0x7, v5;
	v4 =	vadd.f32 v57, v4;
	v60 =	vand.u32 $0xFFFFFFF0, v59  }
0x3d4: {  	v5 =	vor.u32 v5, v60  }
0x3d5: {  	v61 =	vmul.f32 v43, v43;
	v4 =	vadd.f32 v58, v4;
	v62 =	vperm.xlane v5, v1  }
0x3d6: {  	v63 =	vmul.f32 v26, v26  }
0x3d7: {  	v5 =	vperm.xlane v5, v3;
	v4 =	vadd.f32 v61, v4;
	v6 =	vadd.s32 v2, v62;
	_ =	sdelay $0x1  }
0x3d8: {  	v5 =	vadd.s32 v2, v5;
	v4 =	vadd.f32 v63, v4;
	_ =	sdelay $0x1  }
0x3d9: {  	[tilespmem:$0x10080] =	vst v4  }
0x3da: {  	[hbm4b:s4+s3] =	stream.indirect_vreg.scatter [tilespmem:s17], [sflag:$0x1], $0x80, v6, vm0, $0xb8;
	[tilespmem:$0x10100] =	vst v63  }
0x3db: {  	_ = 	snop  }
0x3dc: {  	[hbm4b:s4+s3] =	stream.indirect_vreg.scatter [tilespmem:s18], [sflag:$0x1], $0x80, v5, vm0, $0xb8;
	[tilespmem:$0x10100] =	vst v63  }
0x3dd: {  	v4 =	vld [tilespmem:$0x10];
	_ =	sdelay $0x4  }
0x3de: {  	v5 =	vshll.u32 v4, $0x1  }
0x3df: {  	v4 =	vand.u32 $0x7, v4;
	v5 =	vand.u32 $0xFFFFFFF0, v5  }
0x3e0: {  	v4 =	vor.u32 v4, v5  }
0x3e1: {  	v5 =	vperm.xlane v4, v1;
	_ =	sdelay $0x1  }
0x3e2: {  	v4 =	vperm.xlane v4, v3;
	v5 =	vadd.s32 v2, v5;
	_ =	sdelay $0x1  }
0x3e3: {  	v4 =	vadd.s32 v2, v4;
	_ =	sdelay $0x2  }
0x3e4: {  	[hbm4b:s4+s3] =	stream.indirect_vreg.scatter [tilespmem:s19], [sflag:$0x1], $0x80, v5, vm0, $0xb8;
	[tilespmem:$0x10100] =	vst v63  }
0x3e5: {  	_ = 	snop  }
0x3e6: {  	[hbm4b:s4+s3] =	stream.indirect_vreg.scatter [tilespmem:s20], [sflag:$0x1], $0x80, v4, vm0, $0xb8;
	[tilespmem:$0x10100] =	vst v63  }
0x3e7: {  	v4 =	vld [tilespmem:$0x20];
	_ =	sdelay $0x4  }
0x3e8: {  	v5 =	vshll.u32 v4, $0x1  }
0x3e9: {  	v4 =	vand.u32 $0x7, v4;
	v5 =	vand.u32 $0xFFFFFFF0, v5  }
0x3ea: {  	v4 =	vor.u32 v4, v5  }
0x3eb: {  	v5 =	vperm.xlane v4, v1;
	_ =	sdelay $0x1  }
0x3ec: {  	v4 =	vperm.xlane v4, v3;
	v5 =	vadd.s32 v2, v5;
	_ =	sdelay $0x1  }
0x3ed: {  	v4 =	vadd.s32 v2, v4;
	_ =	sdelay $0x2  }
0x3ee: {  	[hbm4b:s4+s3] =	stream.indirect_vreg.scatter [tilespmem:s21], [sflag:$0x1], $0x80, v5, vm0, $0xb8;
	[tilespmem:$0x10100] =	vst v63  }
0x3ef: {  	_ = 	snop  }
0x3f0: {  	[hbm4b:s4+s3] =	stream.indirect_vreg.scatter [tilespmem:s22], [sflag:$0x1], $0x80, v4, vm0, $0xb8;
	[tilespmem:$0x10100] =	vst v63  }
0x3f1: {  	v4 =	vld [tilespmem:$0x30];
	_ =	sdelay $0x4  }
0x3f2: {  	v5 =	vshll.u32 v4, $0x1  }
0x3f3: {  	v4 =	vand.u32 $0x7, v4;
	v5 =	vand.u32 $0xFFFFFFF0, v5  }
0x3f4: {  	v4 =	vor.u32 v4, v5  }
0x3f5: {  	v5 =	vperm.xlane v4, v1;
	_ =	sdelay $0x1  }
0x3f6: {  	v4 =	vperm.xlane v4, v3;
	v5 =	vadd.s32 v2, v5;
	_ =	sdelay $0x1  }
0x3f7: {  	v4 =	vadd.s32 v2, v4;
	_ =	sdelay $0x2  }
0x3f8: {  	[hbm4b:s4+s3] =	stream.indirect_vreg.scatter [tilespmem:s23], [sflag:$0x1], $0x80, v5, vm0, $0xb8;
	[tilespmem:$0x10100] =	vst v63  }
0x3f9: {  	_ = 	snop  }
0x3fa: {  	[hbm4b:s4+s3] =	stream.indirect_vreg.scatter [tilespmem:s24], [sflag:$0x1], $0x80, v4, vm0, $0xb8;
	[tilespmem:$0x10100] =	vst v63  }
0x3fb: {  	v4 =	vld [tilespmem:$0x40];
	_ =	sdelay $0x4  }
0x3fc: {  	v5 =	vshll.u32 v4, $0x1  }
0x3fd: {  	v4 =	vand.u32 $0x7, v4;
	v5 =	vand.u32 $0xFFFFFFF0, v5  }
0x3fe: {  	v4 =	vor.u32 v4, v5  }
0x3ff: {  	v5 =	vperm.xlane v4, v1;
	_ =	sdelay $0x1  }
0x400: {  	v4 =	vperm.xlane v4, v3;
	v5 =	vadd.s32 v2, v5;
	_ =	sdelay $0x1  }
0x401: {  	v4 =	vadd.s32 v2, v4;
	_ =	sdelay $0x2  }
0x402: {  	[hbm4b:s4+s3] =	stream.indirect_vreg.scatter [tilespmem:s25], [sflag:$0x1], $0x80, v5, vm0, $0xb8;
	[tilespmem:$0x10100] =	vst v63  }
0x403: {  	_ = 	snop  }
0x404: {  	[hbm4b:s4+s3] =	stream.indirect_vreg.scatter [tilespmem:s26], [sflag:$0x1], $0x80, v4, vm0, $0xb8;
	[tilespmem:$0x10100] =	vst v63  }
0x405: {  	v4 =	vld [tilespmem:$0x50];
	_ =	sdelay $0x4  }
0x406: {  	v5 =	vshll.u32 v4, $0x1  }
0x407: {  	v4 =	vand.u32 $0x7, v4;
	v5 =	vand.u32 $0xFFFFFFF0, v5  }
0x408: {  	v4 =	vor.u32 v4, v5  }
0x409: {  	v5 =	vperm.xlane v4, v1;
	_ =	sdelay $0x1  }
0x40a: {  	v4 =	vperm.xlane v4, v3;
	v5 =	vadd.s32 v2, v5;
	_ =	sdelay $0x1  }
0x40b: {  	v4 =	vadd.s32 v2, v4;
	_ =	sdelay $0x2  }
0x40c: {  	[hbm4b:s4+s3] =	stream.indirect_vreg.scatter [tilespmem:s28], [sflag:$0x1], $0x80, v5, vm0, $0xb8;
	[tilespmem:$0x10100] =	vst v63  }
0x40d: {  	_ = 	snop  }
0x40e: {  	[hbm4b:s4+s3] =	stream.indirect_vreg.scatter [tilespmem:s29], [sflag:$0x1], $0x80, v4, vm0, $0xb8;
	[tilespmem:$0x10100] =	vst v63  }
0x40f: {  	v4 =	vld [tilespmem:$0x60];
	_ =	sdelay $0x4  }
0x410: {  	v5 =	vshll.u32 v4, $0x1  }
0x411: {  	v4 =	vand.u32 $0x7, v4;
	v5 =	vand.u32 $0xFFFFFFF0, v5  }
0x412: {  	v4 =	vor.u32 v4, v5  }
0x413: {  	v5 =	vperm.xlane v4, v1;
	_ =	sdelay $0x1  }
0x414: {  	v4 =	vperm.xlane v4, v3;
	v5 =	vadd.s32 v2, v5;
	_ =	sdelay $0x1  }
0x415: {  	v4 =	vadd.s32 v2, v4;
	_ =	sdelay $0x2  }
0x416: {  	[hbm4b:s4+s3] =	stream.indirect_vreg.scatter [tilespmem:s30], [sflag:$0x1], $0x80, v5, vm0, $0xb8;
	[tilespmem:$0x10100] =	vst v63  }
0x417: {  	_ = 	snop  }
0x418: {  	[hbm4b:s4+s3] =	stream.indirect_vreg.scatter [tilespmem:s31], [sflag:$0x1], $0x80, v4, vm0, $0xb8;
	[tilespmem:$0x10100] =	vst v63  }
0x419: {  	v4 =	vld [tilespmem:$0x70];
	_ =	sdelay $0x4  }
0x41a: {  	v5 =	vshll.u32 v4, $0x1  }
0x41b: {  	v4 =	vand.u32 $0x7, v4;
	v5 =	vand.u32 $0xFFFFFFF0, v5  }
0x41c: {  	v4 =	vor.u32 v4, v5  }
0x41d: {  	v5 =	vperm.xlane v4, v1;
	_ =	sdelay $0x1  }
0x41e: {  	v4 =	vperm.xlane v4, v3;
	v5 =	vadd.s32 v2, v5;
	_ =	sdelay $0x1  }
0x41f: {  	v4 =	vadd.s32 v2, v4;
	_ =	sdelay $0x2  }
0x420: {  	[hbm4b:s4+s3] =	stream.indirect_vreg.scatter [tilespmem:s0], [sflag:$0x1], $0x80, v5, vm0, $0xb8;
	[tilespmem:$0x10100] =	vst v63  }
0x421: {  	_ = 	snop  }
0x422: {  	[hbm4b:s4+s3] =	stream.indirect_vreg.scatter [tilespmem:s2], [sflag:$0x1], $0x80, v4, vm0, $0xb8;
	[tilespmem:$0x10100] =	vst v63  }
0x423: {  	s6 =	sadd.s32 $0x1, s6;
	_ =	swait.ge [sflag:s5], $0x8000  }
0x424: {  	p0 =	sne.s32 s6, s14;
	[sflag:s5] =	ssyncset.done $0x0  }
.Ltmp4:
0x425: {  	s12 =	simm.s32 $0x10080;
	[sflag:s5] =	ssyncadd.s32 $0xFFFF8000;
	(pc) =	sbr.rel @p0 .LBB2_1-.Ltmp4, $4  }
0x426: {  	[hbm4b:s13+s3] =	stream.linear.scatter [tilespmem:s12], [sflag:$0x2], $0x80, $0x38;
	[tilespmem:$0x10100] =	vst v63  }
0x427: {  	_ =	swait.ge [sflag:s15], $0x80  }
0x428: {  	[sflag:s15] =	ssyncset.done $0x0  }
0x429: {  	[sflag:s15] =	ssyncadd.s32 $0xFFFFFF80  }
0x42a: {  	_ =	sfence.sel $0x180000  }
0x42b: {  	[bflag:$0x0] =	sbarrier.arrive $0xFFFF  }
0x42c: {  	_ =	strace $0x90000047  }
0x42d: {  	s0 =	stileid.u32;
	[bflag:$0x2] =	sbarrier.arrive $0xFFFF  }
0x42e: {  	p0 =	sne.s32 s0, $0x0;
	s0 =	rddreg [dreg:$0x4]  }
0x42f: {  	s0 =	sadd.s32 @!p0 $0x100000, s0  }
0x430: {  	[sflag:s0] =	ssyncadd.tile.s32 @!p0 $0x1;
	_ =	shalt  }
.Lfunc_end2:
_tile_overlayer_lowered:
.L_overlay_start_2:
0x431: {  	(tag) =	ssettag $0x2  }
0x432: {  	s0 =	rddreg [dreg:$0x0];
	s2 =	stileid.u32  }
0x433: {  	s1 =	rddreg [dreg:$0x1];
	p0 =	sne.s32 s2, $0x0  }
0x434: {  	s3 =	rddreg [dreg:$0x2];
	[bflag:$0x3] =	sbarrier.arrive $0xFFFF;
	s2 =	simm.s32 @!p0 $0x1C02  }
0x435: {  	[timem:s3], [sflag:s2] =	dma.local @!p0 [hbm:s0], s1  }
0x436: {  	s0 =	simm.s32 @!p0 $0x2  }
0x437: {  	_ =	swait.ge @!p0 [sflag:s0], s1  }
0x438: {  	s1 =	ssub.s32 @!p0 $0x0, s1;
	[sflag:s0] =	ssyncset.done @!p0 $0x0  }
0x439: {  	[sflag:s0] =	ssyncadd.s32 @!p0 s1  }
0x43a: {  	[bflag:$0x3] =	sbarrier.arrive $0xFFFF  }
0x43b: {  	_ =	shalt  }

</sc_bundles>
